<compile_context>
chip_gen: v7x
topology: tpu7x:2x2x1
jax: 0.10.2.dev20260603
libtpu: 0.0.44.dev20260713+nightly
codegen_flags: <defaults>
</compile_context>

<pallas_src>
import functools

import jax
import jax.numpy as jnp
from jax import lax
from jax.experimental import pallas as pl
from jax.experimental.pallas import tpu as pltpu
from jax.experimental.pallas import tpu_sc as plsc

N = 10000
E = 320000
D = 128
G = 64
F = 128
NC, NS, L = 2, 16, 16
NW = NC * NS
NP = 10240
CPS = NP // NS
EPW = E // NW
ECH = 80
NCH = EPW // ECH

_MESH = dict(core_axis_name="c", subcore_axis_name="s", num_cores=NC,
             num_subcores=NS)
_SC_PARAMS = pltpu.CompilerParams(needs_layout_passes=False)
_HI = jax.lax.Precision.HIGHEST


def _bf(a):
    return a.astype(jnp.bfloat16).astype(jnp.float32)


def _tc_h1_body(x_ref, w1_ref, h1_ref):
    xb = _bf(x_ref[...])
    wb = _bf(w1_ref[...])
    h = jax.lax.dot_general(xb, wb, (((1,), (0,)), ((), ())),
                            precision=_HI,
                            preferred_element_type=jnp.float32)
    h1_ref[...] = jnp.pad(h, ((0, NP - N), (0, F - 60)))


_tc_h1 = pl.pallas_call(
    _tc_h1_body,
    out_shape=jax.ShapeDtypeStruct((NP, F), jnp.float32),
)


def _k1_body(edge_hbm, deg2_hbm, dstv, acc, red0, red1, accsh):
    cid = lax.axis_index("c")
    sid = lax.axis_index("s")
    w = cid * NS + sid
    pltpu.sync_copy(edge_hbm.at[pl.ds(E + w * EPW, EPW)], dstv)
    z16 = jnp.zeros((L,), jnp.float32)
    ones = jnp.ones((L,), jnp.float32)

    def zero_body(i, _):
        acc[pl.ds(i * L, L)] = z16
        return 0
    lax.fori_loop(0, NP // L, zero_body, 0)

    def edge_body(i, _):
        idx = dstv[pl.ds(i * L, L)]
        plsc.addupdate_scatter(acc, [idx], ones)
        return 0
    lax.fori_loop(0, EPW // L, edge_body, 0)

    pltpu.sync_copy(acc, accsh.at[sid])
    plsc.subcore_barrier()
    base = sid * CPS

    def zred(i, _):
        red0[pl.ds(i * L, L)] = z16
        return 0
    lax.fori_loop(0, CPS // L, zred, 0)
    for t in range(NS):
        pltpu.sync_copy(accsh.at[t, pl.ds(base, CPS)], red1)
        def addb(i, _, _t=t):
            sl = pl.ds(i * L, L)
            red0[sl] = red0[sl] + red1[sl]
            return 0
        lax.fori_loop(0, CPS // L, addb, 0)
    pltpu.sync_copy(red0, deg2_hbm.at[pl.ds(cid * NP + base, CPS)])


_k1 = pl.kernel(
    _k1_body,
    out_type=jax.ShapeDtypeStruct((NC * NP,), jnp.float32),
    mesh=plsc.VectorSubcoreMesh(**_MESH),
    compiler_params=_SC_PARAMS,
    scratch_types=[
        pltpu.VMEM((EPW,), jnp.int32),
        pltpu.VMEM((NP,), jnp.float32),
        pltpu.VMEM((CPS,), jnp.float32),
        pltpu.VMEM((CPS,), jnp.float32),
        pltpu.VMEM_SHARED((NS, NP), jnp.float32),
    ],
)


def _tc_mid_body(deg2_ref, h1_ref, dis_ref, h1s_ref):
    deg = deg2_ref[0:1, :] + deg2_ref[1:2, :] + 1.0
    dis = jax.lax.rsqrt(deg)
    dis_ref[...] = dis
    h1s_ref[...] = h1_ref[...] * dis.reshape(NP, 1)


_tc_mid = pl.pallas_call(
    _tc_mid_body,
    out_shape=(jax.ShapeDtypeStruct((1, NP), jnp.float32),
               jax.ShapeDtypeStruct((NP, F), jnp.float32)),
)


def _edge_body(edge_hbm, h1s_hbm, hraw_hbm,
               srcv, dstv, rowbuf, zrows, sidx, didx, haccsp):
    cid = lax.axis_index("c")
    sid = lax.axis_index("s")
    w = cid * NS + sid
    base = sid * CPS
    pltpu.sync_copy(edge_hbm.at[pl.ds(w * EPW, EPW)], srcv)
    pltpu.sync_copy(edge_hbm.at[pl.ds(E + w * EPW, EPW)], dstv)
    z16 = jnp.zeros((L,), jnp.float32)
    def zr_body(i, _):
        for jj in range(F // L):
            zrows[i, pl.ds(jj * L, L)] = z16
        return 0
    lax.fori_loop(0, ECH, zr_body, 0)

    def zacc_body(i, _):
        pltpu.sync_copy(zrows, haccsp.at[pl.ds(base + i * ECH, ECH)])
        return 0
    lax.fori_loop(0, CPS // ECH, zacc_body, 0)
    plsc.subcore_barrier()

    def chunk_body(c, _):
        eb = c * ECH
        for j in range(ECH // L):
            sl = pl.ds(j * L, L)
            sidx[0, sl] = srcv[pl.ds(eb + j * L, L)]
            didx[0, sl] = dstv[pl.ds(eb + j * L, L)]
        pltpu.sync_copy(h1s_hbm.at[sidx.at[0]], rowbuf)
        pltpu.sync_copy(rowbuf, haccsp.at[didx.at[0]], add=True)
        return 0
    lax.fori_loop(0, NCH, chunk_body, 0)
    plsc.subcore_barrier()

    def out_body(i, _):
        pltpu.sync_copy(haccsp.at[pl.ds(base + i * ECH, ECH)], rowbuf)
        pltpu.sync_copy(rowbuf,
                        hraw_hbm.at[pl.ds(cid * NP + base + i * ECH, ECH)])
        return 0
    lax.fori_loop(0, CPS // ECH, out_body, 0)


_sc_edge = pl.kernel(
    _edge_body,
    out_type=jax.ShapeDtypeStruct((NC * NP, F), jnp.float32),
    mesh=plsc.VectorSubcoreMesh(**_MESH),
    compiler_params=_SC_PARAMS,
    scratch_types=[
        pltpu.VMEM((EPW,), jnp.int32),
        pltpu.VMEM((EPW,), jnp.int32),
        pltpu.VMEM((ECH, F), jnp.float32),
        pltpu.VMEM((ECH, F), jnp.float32),
        pltpu.VMEM((1, ECH), jnp.int32),
        pltpu.VMEM((1, ECH), jnp.int32),
        pltpu.VMEM_SHARED((NP, F), jnp.float32),
    ],
)


def _cmat_body(edge_hbm, batch_hbm, dis_hbm, c_hbm,
               srcv, dstv, disv, batchv, cval, zbuf, cidx, csp):
    cid = lax.axis_index("c")
    sid = lax.axis_index("s")
    w = cid * NS + sid
    CSL = G * NP // NS
    ZL = ECH * F
    pltpu.sync_copy(edge_hbm.at[pl.ds(w * EPW, EPW)], srcv)
    pltpu.sync_copy(edge_hbm.at[pl.ds(E + w * EPW, EPW)], dstv)
    pltpu.sync_copy(dis_hbm, disv)
    pltpu.sync_copy(batch_hbm, batchv)
    z16 = jnp.zeros((L,), jnp.float32)

    def zb_body(i, _):
        zbuf[pl.ds(i * L, L)] = z16
        return 0
    lax.fori_loop(0, ZL // L, zb_body, 0)

    def zc_body(i, _):
        pltpu.sync_copy(zbuf, csp.at[pl.ds(sid * CSL + i * ZL, ZL)])
        return 0
    lax.fori_loop(0, CSL // ZL, zc_body, 0)
    plsc.subcore_barrier()

    def chunk_body(c, _):
        eb = c * ECH
        for j in range(ECH // L):
            sl = pl.ds(j * L, L)
            s16 = srcv[pl.ds(eb + j * L, L)]
            d16 = dstv[pl.ds(eb + j * L, L)]
            b16 = plsc.load_gather(batchv, [d16])
            w16 = (plsc.load_gather(disv, [s16])
                   * plsc.load_gather(disv, [d16]))
            cidx[0, sl] = b16 * NP + s16
            cval[sl] = w16
        pltpu.sync_copy(cval, csp.at[cidx.at[0]], add=True)
        return 0
    lax.fori_loop(0, NCH, chunk_body, 0)
    plsc.subcore_barrier()

    def outc_body(i, _):
        off = sid * CSL + i * ZL
        pltpu.sync_copy(csp.at[pl.ds(off, ZL)], zbuf)
        pltpu.sync_copy(zbuf, c_hbm.at[pl.ds(cid * G * NP + off, ZL)])
        return 0
    lax.fori_loop(0, CSL // ZL, outc_body, 0)


_sc_cmat = pl.kernel(
    _cmat_body,
    out_type=jax.ShapeDtypeStruct((NC * G * NP,), jnp.float32),
    mesh=plsc.VectorSubcoreMesh(**_MESH),
    compiler_params=_SC_PARAMS,
    scratch_types=[
        pltpu.VMEM((EPW,), jnp.int32),
        pltpu.VMEM((EPW,), jnp.int32),
        pltpu.VMEM((NP,), jnp.float32),
        pltpu.VMEM((N,), jnp.int32),
        pltpu.VMEM((ECH,), jnp.float32),
        pltpu.VMEM((ECH * F,), jnp.float32),
        pltpu.VMEM((1, ECH), jnp.int32),
        pltpu.VMEM_SHARED((G * NP,), jnp.float32),
    ],
)


def _tc_fin_body(hraw_ref, h1s_ref, dis_ref, c2_ref, batch_ref, b1_ref,
                 w2_ref, b2_ref, fw1_ref, fb1_ref, fw2_ref, fb2_ref,
                 fw3_ref, fb3_ref, out_ref):
    dis = dis_ref[0, :]
    hsum = hraw_ref[0] + hraw_ref[1] + h1s_ref[...]
    lane = lax.broadcasted_iota(jnp.int32, (1, F), 1)
    b1pad = jnp.where(lane < 60, jnp.pad(b1_ref[...], (0, F - 60))[None, :],
                      0.0)
    h1 = hsum * dis[:, None] + b1pad
    bfh1 = _bf(h1)
    gi = lax.broadcasted_iota(jnp.int32, (G, NP), 0)
    ni = lax.broadcasted_iota(jnp.int32, (G, NP), 1)
    bpad = jnp.pad(batch_ref[...], (0, NP - N), constant_values=-1)
    onehot = jnp.where((gi == bpad[None, :]) & (ni < N), 1.0, 0.0)
    cmat = (c2_ref[0] + c2_ref[1] + onehot * (dis * dis)[None, :])
    gpool = jax.lax.dot_general(cmat, bfh1, (((1,), (0,)), ((), ())),
                                precision=_HI,
                                preferred_element_type=jnp.float32)
    w2pad = jnp.pad(_bf(w2_ref[...]), ((0, F - 60), (0, 0)))
    g50 = jax.lax.dot_general(gpool, w2pad, (((1,), (0,)), ((), ())),
                              precision=_HI,
                              preferred_element_type=jnp.float32)
    cnt = jnp.sum(onehot, axis=1, keepdims=True)
    g50 = g50 + cnt * b2_ref[...][None, :]
    m = jax.lax.dot_general(_bf(g50), _bf(fw1_ref[...]),
                            (((1,), (0,)), ((), ())), precision=_HI,
                            preferred_element_type=jnp.float32)
    m = m + fb1_ref[...][None, :]
    m = jax.lax.dot_general(_bf(m), _bf(fw2_ref[...]),
                            (((1,), (0,)), ((), ())), precision=_HI,
                            preferred_element_type=jnp.float32)
    m = m + fb2_ref[...][None, :]
    out = jnp.sum(_bf(m) * _bf(fw3_ref[...])[:, 0][None, :], axis=1,
                  keepdims=True)
    out_ref[...] = out + fb3_ref[...][None, :]


_tc_fin = pl.pallas_call(
    _tc_fin_body,
    out_shape=jax.ShapeDtypeStruct((G, 1), jnp.float32),
)


def kernel(x, W1, b1, W2, b2, fw1, fb1, fw2, fb2, fw3, fb3, edge_index,
           batch):
    eflat = edge_index.reshape(2 * E)
    h1m = _tc_h1(x, W1)
    deg2 = _k1(eflat)
    dis, h1s = _tc_mid(deg2.reshape(2, NP), h1m)
    hraw = _sc_edge(eflat, h1s)
    cflat = _sc_cmat(eflat, batch, dis.reshape(NP))
    return _tc_fin(hraw.reshape(NC, NP, F), h1s, dis,
                   cflat.reshape(NC, G, NP), batch,
                   b1, W2, b2, fw1, fb1, fw2, fb2, fw3, fb3)

# --- scband reference (transcript-rebuilt; emitter-appended) ---
"""Pipeline reference for scband-termination-predictor-35734127903068 (READ-ONLY COPY).

The authoritative reference and input builder live on the scoring server;
editing this copy changes nothing except your own understanding.
"""

import jax, jax.numpy as jnp
import numpy as np

N = 10000
E = 320000
D = 128
NUM_GRAPHS = 64


def gcn_conv(x, src, dst, W, b):
    # PyG GCNConv with default add_self_loops=True, normalize=True (symmetric norm)
    n = x.shape[0]
    deg = jnp.zeros((n,), dtype=x.dtype).at[dst].add(1.0)
    dis = jnp.where(deg > 0, jax.lax.rsqrt(jnp.maximum(deg, 1e-12)), 0.0)
    norm = dis[src] * dis[dst]
    h = x @ W
    msg = h[src] * norm[:, None]
    out = jnp.zeros_like(h).at[dst].add(msg)
    return out + b


def setup_inputs(seed: int = 0):
    key = jax.random.key(seed)
    ks = jax.random.split(key, 16)
    x = jax.random.normal(ks[0], (N, D), dtype=jnp.float32)
    edge_index = jax.random.randint(ks[1], (2, E), 0, N, dtype=jnp.int32)
    batch = jnp.sort(jax.random.randint(ks[2], (N,), 0, NUM_GRAPHS, dtype=jnp.int32))
    def lin(k, fan_in, shape):
        return jax.random.normal(k, shape, dtype=jnp.float32) * (1.0 / np.sqrt(fan_in))
    W1 = lin(ks[3], D, (D, 60));   b1 = jnp.zeros((60,), jnp.float32)
    W2 = lin(ks[4], 60, (60, 50)); b2 = jnp.zeros((50,), jnp.float32)
    fw1 = lin(ks[5], 50, (50, 40)); fb1 = lin(ks[6], 50, (40,))
    fw2 = lin(ks[7], 40, (40, 20)); fb2 = lin(ks[8], 40, (20,))
    fw3 = lin(ks[9], 20, (20, 1));  fb3 = lin(ks[10], 20, (1,))
    return {"x": x, "W1": W1, "b1": b1, "W2": W2, "b2": b2,
            "fw1": fw1, "fb1": fb1, "fw2": fw2, "fb2": fb2,
            "fw3": fw3, "fb3": fb3,
            "edge_index": edge_index, "batch": batch}


def reference(x, W1, b1, W2, b2, fw1, fb1, fw2, fb2, fw3, fb3, edge_index, batch):
    n = x.shape[0]
    loop = jnp.arange(n, dtype=edge_index.dtype)
    src = jnp.concatenate([edge_index[0], loop])
    dst = jnp.concatenate([edge_index[1], loop])
    h = gcn_conv(x, src, dst, W1, b1)
    h = gcn_conv(h, src, dst, W2, b2)
    g = jax.ops.segment_sum(h, batch, num_segments=NUM_GRAPHS)
    g = g @ fw1 + fb1
    g = g @ fw2 + fb2
    g = g @ fw3 + fb3
    return g

if __name__ == "__main__":
    import jax
    _d = setup_inputs()
    print(jax.jit(kernel)(*tuple(_d.values())))

</pallas_src>

<mosaic_0001>
#map = affine_map<(d0, d1) -> (0)>
module attributes {stable_mosaic.version = 14 : i64} {
  func.func @_cmat_body(%arg0: i32, %arg1: i32, %arg2: memref<640000xi32, #tpu.memory_space<hbm>>, %arg3: memref<10000xi32, #tpu.memory_space<hbm>>, %arg4: memref<10240xf32, #tpu.memory_space<hbm>>, %arg5: memref<1310720xf32, #tpu.memory_space<hbm>>, %arg6: memref<10000xi32, #tpu.memory_space<vmem>>, %arg7: memref<10000xi32, #tpu.memory_space<vmem>>, %arg8: memref<10240xf32, #tpu.memory_space<vmem>>, %arg9: memref<10000xi32, #tpu.memory_space<vmem>>, %arg10: memref<80xf32, #tpu.memory_space<vmem>>, %arg11: memref<10240xf32, #tpu.memory_space<vmem>>, %arg12: memref<1x80xi32, #tpu.memory_space<vmem>>, %arg13: memref<655360xf32, #tpu.memory_space<vmem_shared>>) attributes {dimension_semantics = [#tpu.dimension_semantics<core_parallel>, #tpu.dimension_semantics<subcore_parallel>], iteration_bounds = array<i64: 2, 16>, scalar_prefetch = 0 : i64, scratch_operands = 8 : i64, tpu.core_type = #tpu.core_type<sc_vector_subcore>, window_params = [{transform_indices = #map}, {transform_indices = #map}, {transform_indices = #map}, {transform_indices = #map}]} {
    %mul3A = arith.constant 16 : i32
    %mul3A_0 = arith.muli %arg0, %mul3A : i32
    %add3A = arith.addi %mul3A_0, %arg1 : i32
    %mul3A_1 = arith.constant 10000 : i32
    %mul3A_2 = arith.muli %add3A, %mul3A_1 : i32
    "tpu.region"() ({
      %run_scoped3A = tpu.sem_alloc : memref<!tpu.dma_semaphore, #tpu.memory_space<semaphore_mem>>
      %dma_start3A = tpu.memref_slice %arg2[%mul3A_2] : memref<640000xi32, #tpu.memory_space<hbm>> -> memref<10000xi32, #tpu.memory_space<hbm>>
      %dma_start3A_36 = tpu.memref_slice %arg2[%mul3A_2] : memref<640000xi32, #tpu.memory_space<hbm>> -> memref<10000xi32, #tpu.memory_space<hbm>>
      tpu.enqueue_dma source(%dma_start3A_36 : memref<10000xi32, #tpu.memory_space<hbm>>) target(%arg6 : memref<10000xi32, #tpu.memory_space<vmem>>) target_semaphore(%run_scoped3A : memref<!tpu.dma_semaphore, #tpu.memory_space<semaphore_mem>>)
      %dma_wait3A = tpu.memref_slice %arg2[%mul3A_2] : memref<640000xi32, #tpu.memory_space<hbm>> -> memref<10000xi32, #tpu.memory_space<hbm>>
      %dma_wait3A_37 = tpu.memref_slice %arg2[%mul3A_2] : memref<640000xi32, #tpu.memory_space<hbm>> -> memref<10000xi32, #tpu.memory_space<hbm>>
      tpu.wait_dma2 semaphore(%run_scoped3A : memref<!tpu.dma_semaphore, #tpu.memory_space<semaphore_mem>>) src(%dma_wait3A_37 : memref<10000xi32, #tpu.memory_space<hbm>>) dst(%arg6 : memref<10000xi32, #tpu.memory_space<vmem>>)
      tpu.yield
    }) : () -> ()
    %mul3A_3 = arith.constant 10000 : i32
    %mul3A_4 = arith.muli %add3A, %mul3A_3 : i32
    %add3A_5 = arith.constant 320000 : i32
    %add3A_6 = arith.addi %add3A_5, %mul3A_4 : i32
    "tpu.region"() ({
      %run_scoped3A = tpu.sem_alloc : memref<!tpu.dma_semaphore, #tpu.memory_space<semaphore_mem>>
      %dma_start3A = tpu.memref_slice %arg2[%add3A_6] : memref<640000xi32, #tpu.memory_space<hbm>> -> memref<10000xi32, #tpu.memory_space<hbm>>
      %dma_start3A_36 = tpu.memref_slice %arg2[%add3A_6] : memref<640000xi32, #tpu.memory_space<hbm>> -> memref<10000xi32, #tpu.memory_space<hbm>>
      tpu.enqueue_dma source(%dma_start3A_36 : memref<10000xi32, #tpu.memory_space<hbm>>) target(%arg7 : memref<10000xi32, #tpu.memory_space<vmem>>) target_semaphore(%run_scoped3A : memref<!tpu.dma_semaphore, #tpu.memory_space<semaphore_mem>>)
      %dma_wait3A = tpu.memref_slice %arg2[%add3A_6] : memref<640000xi32, #tpu.memory_space<hbm>> -> memref<10000xi32, #tpu.memory_space<hbm>>
      %dma_wait3A_37 = tpu.memref_slice %arg2[%add3A_6] : memref<640000xi32, #tpu.memory_space<hbm>> -> memref<10000xi32, #tpu.memory_space<hbm>>
      tpu.wait_dma2 semaphore(%run_scoped3A : memref<!tpu.dma_semaphore, #tpu.memory_space<semaphore_mem>>) src(%dma_wait3A_37 : memref<10000xi32, #tpu.memory_space<hbm>>) dst(%arg7 : memref<10000xi32, #tpu.memory_space<vmem>>)
      tpu.yield
    }) : () -> ()
    "tpu.region"() ({
      %run_scoped3A = tpu.sem_alloc : memref<!tpu.dma_semaphore, #tpu.memory_space<semaphore_mem>>
      tpu.enqueue_dma source(%arg4 : memref<10240xf32, #tpu.memory_space<hbm>>) target(%arg8 : memref<10240xf32, #tpu.memory_space<vmem>>) target_semaphore(%run_scoped3A : memref<!tpu.dma_semaphore, #tpu.memory_space<semaphore_mem>>)
      tpu.wait_dma2 semaphore(%run_scoped3A : memref<!tpu.dma_semaphore, #tpu.memory_space<semaphore_mem>>) src(%arg4 : memref<10240xf32, #tpu.memory_space<hbm>>) dst(%arg8 : memref<10240xf32, #tpu.memory_space<vmem>>)
      tpu.yield
    }) : () -> ()
    "tpu.region"() ({
      %run_scoped3A = tpu.sem_alloc : memref<!tpu.dma_semaphore, #tpu.memory_space<semaphore_mem>>
      tpu.enqueue_dma source(%arg3 : memref<10000xi32, #tpu.memory_space<hbm>>) target(%arg9 : memref<10000xi32, #tpu.memory_space<vmem>>) target_semaphore(%run_scoped3A : memref<!tpu.dma_semaphore, #tpu.memory_space<semaphore_mem>>)
      tpu.wait_dma2 semaphore(%run_scoped3A : memref<!tpu.dma_semaphore, #tpu.memory_space<semaphore_mem>>) src(%arg3 : memref<10000xi32, #tpu.memory_space<hbm>>) dst(%arg9 : memref<10000xi32, #tpu.memory_space<vmem>>)
      tpu.yield
    }) : () -> ()
    %broadcast_in_dim3A = arith.constant 0.000000e+00 : f32
    %broadcast_in_dim3A_7 = vector.broadcast %broadcast_in_dim3A : f32 to vector<16xf32>
    %scan3A = arith.constant 0 : i32
    %scan3A_8 = arith.constant 0 : i32
    %scan3A_9 = arith.constant 640 : i32
    %scan3A_10 = arith.addi %scan3A_8, %scan3A_9 : i32
    %scan3A_11 = arith.constant 1 : i32
    %scan3A_12 = scf.for %scan3A_36 = %scan3A_8 to %scan3A_10 step %scan3A_11 iter_args(%scan3A_37 = %scan3A) -> (i32)  : i32 {
      %mul3A_38 = arith.constant 16 : i32
      %mul3A_39 = arith.muli %scan3A_36, %mul3A_38 : i32
      %swap3A = arith.index_cast %mul3A_39 : i32 to index
      %swap3A_40 = tpu.vector_load %arg11[%swap3A] {strides = array<i32>} : memref<10240xf32, #tpu.memory_space<vmem>>, vector<16xf32>,
      tpu.vector_store %arg11[%swap3A], %broadcast_in_dim3A_7 {strides = array<i32>} : memref<10240xf32, #tpu.memory_space<vmem>>, vector<16xf32>,
      %scan3A_41 = arith.constant 0 : i32
      scf.yield %scan3A_41 : i32
    }
    %scan3A_13 = arith.constant 640 : i32
    %scan3A_14 = arith.constant 0 : i32
    %scan3A_15 = arith.constant 0 : i32
    %scan3A_16 = arith.constant 4 : i32
    %scan3A_17 = arith.addi %scan3A_15, %scan3A_16 : i32
    %scan3A_18 = arith.constant 1 : i32
    %scan3A_19 = scf.for %scan3A_36 = %scan3A_15 to %scan3A_17 step %scan3A_18 iter_args(%scan3A_37 = %scan3A_14) -> (i32)  : i32 {
      %mul3A_38 = arith.constant 40960 : i32
      %mul3A_39 = arith.muli %arg1, %mul3A_38 : i32
      %mul3A_40 = arith.constant 10240 : i32
      %mul3A_41 = arith.muli %scan3A_36, %mul3A_40 : i32
      %add3A_42 = arith.addi %mul3A_39, %mul3A_41 : i32
      "tpu.region"() ({
        %run_scoped3A = tpu.sem_alloc : memref<!tpu.dma_semaphore, #tpu.memory_space<semaphore_mem>>
        %dma_start3A = tpu.memref_slice %arg13[%add3A_42] : memref<655360xf32, #tpu.memory_space<vmem_shared>> -> memref<10240xf32, #tpu.memory_space<vmem_shared>>
        %dma_start3A_44 = tpu.memref_slice %arg13[%add3A_42] : memref<655360xf32, #tpu.memory_space<vmem_shared>> -> memref<10240xf32, #tpu.memory_space<vmem_shared>>
        tpu.enqueue_dma source(%arg11 : memref<10240xf32, #tpu.memory_space<vmem>>) target(%dma_start3A_44 : memref<10240xf32, #tpu.memory_space<vmem_shared>>) target_semaphore(%run_scoped3A : memref<!tpu.dma_semaphore, #tpu.memory_space<semaphore_mem>>)
        %dma_wait3A = tpu.memref_slice %arg13[%add3A_42] : memref<655360xf32, #tpu.memory_space<vmem_shared>> -> memref<10240xf32, #tpu.memory_space<vmem_shared>>
        %dma_wait3A_45 = tpu.memref_slice %arg13[%add3A_42] : memref<655360xf32, #tpu.memory_space<vmem_shared>> -> memref<10240xf32, #tpu.memory_space<vmem_shared>>
        tpu.wait_dma2 semaphore(%run_scoped3A : memref<!tpu.dma_semaphore, #tpu.memory_space<semaphore_mem>>) src(%arg11 : memref<10240xf32, #tpu.memory_space<vmem>>) dst(%dma_wait3A_45 : memref<10240xf32, #tpu.memory_space<vmem_shared>>)
        tpu.yield
      }) : () -> ()
      %scan3A_43 = arith.constant 0 : i32
      scf.yield %scan3A_43 : i32
    }
    %scan3A_20 = arith.constant 4 : i32
    %barrier3A = arith.constant 0 : index
    tpu.barrier barrier_id(%barrier3A)
    %scan3A_21 = arith.constant 0 : i32
    %scan3A_22 = arith.constant 0 : i32
    %scan3A_23 = arith.constant 125 : i32
    %scan3A_24 = arith.addi %scan3A_22, %scan3A_23 : i32
    %scan3A_25 = arith.constant 1 : i32
    %scan3A_26 = scf.for %scan3A_36 = %scan3A_22 to %scan3A_24 step %scan3A_25 iter_args(%scan3A_37 = %scan3A_21) -> (i32)  : i32 {
      %mul3A_38 = arith.constant 80 : i32
      %mul3A_39 = arith.muli %scan3A_36, %mul3A_38 : i32
      %add3A_40 = arith.constant 0 : i32
      %add3A_41 = arith.addi %mul3A_39, %add3A_40 : i32
      %get3A = arith.index_cast %add3A_41 : i32 to index
      %get3A_42 = tpu.vector_load %arg6[%get3A] {strides = array<i32>} : memref<10000xi32, #tpu.memory_space<vmem>>, vector<16xi32>,
      %add3A_43 = arith.constant 0 : i32
      %add3A_44 = arith.addi %mul3A_39, %add3A_43 : i32
      %get3A_45 = arith.index_cast %add3A_44 : i32 to index
      %get3A_46 = tpu.vector_load %arg7[%get3A_45] {strides = array<i32>} : memref<10000xi32, #tpu.memory_space<vmem>>, vector<16xi32>,
      %gather3A = tpu.vector_load_idx %arg9[%get3A_46] : memref<10000xi32, #tpu.memory_space<vmem>>[vector<16xi32>], vector<16xi32>,
      %gather3A_47 = tpu.vector_load_idx %arg8[%get3A_42] : memref<10240xf32, #tpu.memory_space<vmem>>[vector<16xi32>], vector<16xf32>,
      %gather3A_48 = tpu.vector_load_idx %arg8[%get3A_46] : memref<10240xf32, #tpu.memory_space<vmem>>[vector<16xi32>], vector<16xf32>,
      %mul3A_49 = arith.mulf %gather3A_47, %gather3A_48 : vector<16xf32>
      %mul3A_50 = arith.constant 10240 : i32
      %mul3A_51 = vector.broadcast %mul3A_50 : i32 to vector<16xi32>
      %mul3A_52 = arith.muli %gather3A, %mul3A_51 : vector<16xi32>
      %add3A_53 = arith.addi %mul3A_52, %get3A_42 : vector<16xi32>
      %swap3A = arith.constant 0 : i32
      %swap3A_54 = arith.index_cast %swap3A : i32 to index
      %swap3A_55 = arith.constant 0 : index
      %swap3A_56 = tpu.vector_load %arg12[%swap3A_54, %swap3A_55] {strides = array<i32>} : memref<1x80xi32, #tpu.memory_space<vmem>>, vector<16xi32>,
      tpu.vector_store %arg12[%swap3A_54, %swap3A_55], %add3A_53 {strides = array<i32>} : memref<1x80xi32, #tpu.memory_space<vmem>>, vector<16xi32>,
      %swap3A_57 = arith.constant 0 : index
      %swap3A_58 = tpu.vector_load %arg10[%swap3A_57] {strides = array<i32>} : memref<80xf32, #tpu.memory_space<vmem>>, vector<16xf32>,
      tpu.vector_store %arg10[%swap3A_57], %mul3A_49 {strides = array<i32>} : memref<80xf32, #tpu.memory_space<vmem>>, vector<16xf32>,
      %add3A_59 = arith.constant 16 : i32
      %add3A_60 = arith.addi %mul3A_39, %add3A_59 : i32
      %get3A_61 = arith.index_cast %add3A_60 : i32 to index
      %get3A_62 = tpu.vector_load %arg6[%get3A_61] {strides = array<i32>} : memref<10000xi32, #tpu.memory_space<vmem>>, vector<16xi32>,
      %add3A_63 = arith.constant 16 : i32
      %add3A_64 = arith.addi %mul3A_39, %add3A_63 : i32
      %get3A_65 = arith.index_cast %add3A_64 : i32 to index
      %get3A_66 = tpu.vector_load %arg7[%get3A_65] {strides = array<i32>} : memref<10000xi32, #tpu.memory_space<vmem>>, vector<16xi32>,
      %gather3A_67 = tpu.vector_load_idx %arg9[%get3A_66] : memref<10000xi32, #tpu.memory_space<vmem>>[vector<16xi32>], vector<16xi32>,
      %gather3A_68 = tpu.vector_load_idx %arg8[%get3A_62] : memref<10240xf32, #tpu.memory_space<vmem>>[vector<16xi32>], vector<16xf32>,
      %gather3A_69 = tpu.vector_load_idx %arg8[%get3A_66] : memref<10240xf32, #tpu.memory_space<vmem>>[vector<16xi32>], vector<16xf32>,
      %mul3A_70 = arith.mulf %gather3A_68, %gather3A_69 : vector<16xf32>
      %mul3A_71 = arith.constant 10240 : i32
      %mul3A_72 = vector.broadcast %mul3A_71 : i32 to vector<16xi32>
      %mul3A_73 = arith.muli %gather3A_67, %mul3A_72 : vector<16xi32>
      %add3A_74 = arith.addi %mul3A_73, %get3A_62 : vector<16xi32>
      %swap3A_75 = arith.constant 0 : i32
      %swap3A_76 = arith.index_cast %swap3A_75 : i32 to index
      %swap3A_77 = arith.constant 16 : index
      %swap3A_78 = tpu.vector_load %arg12[%swap3A_76, %swap3A_77] {strides = array<i32>} : memref<1x80xi32, #tpu.memory_space<vmem>>, vector<16xi32>,
      tpu.vector_store %arg12[%swap3A_76, %swap3A_77], %add3A_74 {strides = array<i32>} : memref<1x80xi32, #tpu.memory_space<vmem>>, vector<16xi32>,
      %swap3A_79 = arith.constant 16 : index
      %swap3A_80 = tpu.vector_load %arg10[%swap3A_79] {strides = array<i32>} : memref<80xf32, #tpu.memory_space<vmem>>, vector<16xf32>,
      tpu.vector_store %arg10[%swap3A_79], %mul3A_70 {strides = array<i32>} : memref<80xf32, #tpu.memory_space<vmem>>, vector<16xf32>,
      %add3A_81 = arith.constant 32 : i32
      %add3A_82 = arith.addi %mul3A_39, %add3A_81 : i32
      %get3A_83 = arith.index_cast %add3A_82 : i32 to index
      %get3A_84 = tpu.vector_load %arg6[%get3A_83] {strides = array<i32>} : memref<10000xi32, #tpu.memory_space<vmem>>, vector<16xi32>,
      %add3A_85 = arith.constant 32 : i32
      %add3A_86 = arith.addi %mul3A_39, %add3A_85 : i32
      %get3A_87 = arith.index_cast %add3A_86 : i32 to index
      %get3A_88 = tpu.vector_load %arg7[%get3A_87] {strides = array<i32>} : memref<10000xi32, #tpu.memory_space<vmem>>, vector<16xi32>,
      %gather3A_89 = tpu.vector_load_idx %arg9[%get3A_88] : memref<10000xi32, #tpu.memory_space<vmem>>[vector<16xi32>], vector<16xi32>,
      %gather3A_90 = tpu.vector_load_idx %arg8[%get3A_84] : memref<10240xf32, #tpu.memory_space<vmem>>[vector<16xi32>], vector<16xf32>,
      %gather3A_91 = tpu.vector_load_idx %arg8[%get3A_88] : memref<10240xf32, #tpu.memory_space<vmem>>[vector<16xi32>], vector<16xf32>,
      %mul3A_92 = arith.mulf %gather3A_90, %gather3A_91 : vector<16xf32>
      %mul3A_93 = arith.constant 10240 : i32
      %mul3A_94 = vector.broadcast %mul3A_93 : i32 to vector<16xi32>
      %mul3A_95 = arith.muli %gather3A_89, %mul3A_94 : vector<16xi32>
      %add3A_96 = arith.addi %mul3A_95, %get3A_84 : vector<16xi32>
      %swap3A_97 = arith.constant 0 : i32
      %swap3A_98 = arith.index_cast %swap3A_97 : i32 to index
      %swap3A_99 = arith.constant 32 : index
      %swap3A_100 = tpu.vector_load %arg12[%swap3A_98, %swap3A_99] {strides = array<i32>} : memref<1x80xi32, #tpu.memory_space<vmem>>, vector<16xi32>,
      tpu.vector_store %arg12[%swap3A_98, %swap3A_99], %add3A_96 {strides = array<i32>} : memref<1x80xi32, #tpu.memory_space<vmem>>, vector<16xi32>,
      %swap3A_101 = arith.constant 32 : index
      %swap3A_102 = tpu.vector_load %arg10[%swap3A_101] {strides = array<i32>} : memref<80xf32, #tpu.memory_space<vmem>>, vector<16xf32>,
      tpu.vector_store %arg10[%swap3A_101], %mul3A_92 {strides = array<i32>} : memref<80xf32, #tpu.memory_space<vmem>>, vector<16xf32>,
      %add3A_103 = arith.constant 48 : i32
      %add3A_104 = arith.addi %mul3A_39, %add3A_103 : i32
      %get3A_105 = arith.index_cast %add3A_104 : i32 to index
      %get3A_106 = tpu.vector_load %arg6[%get3A_105] {strides = array<i32>} : memref<10000xi32, #tpu.memory_space<vmem>>, vector<16xi32>,
      %add3A_107 = arith.constant 48 : i32
      %add3A_108 = arith.addi %mul3A_39, %add3A_107 : i32
      %get3A_109 = arith.index_cast %add3A_108 : i32 to index
      %get3A_110 = tpu.vector_load %arg7[%get3A_109] {strides = array<i32>} : memref<10000xi32, #tpu.memory_space<vmem>>, vector<16xi32>,
      %gather3A_111 = tpu.vector_load_idx %arg9[%get3A_110] : memref<10000xi32, #tpu.memory_space<vmem>>[vector<16xi32>], vector<16xi32>,
      %gather3A_112 = tpu.vector_load_idx %arg8[%get3A_106] : memref<10240xf32, #tpu.memory_space<vmem>>[vector<16xi32>], vector<16xf32>,
      %gather3A_113 = tpu.vector_load_idx %arg8[%get3A_110] : memref<10240xf32, #tpu.memory_space<vmem>>[vector<16xi32>], vector<16xf32>,
      %mul3A_114 = arith.mulf %gather3A_112, %gather3A_113 : vector<16xf32>
      %mul3A_115 = arith.constant 10240 : i32
      %mul3A_116 = vector.broadcast %mul3A_115 : i32 to vector<16xi32>
      %mul3A_117 = arith.muli %gather3A_111, %mul3A_116 : vector<16xi32>
      %add3A_118 = arith.addi %mul3A_117, %get3A_106 : vector<16xi32>
      %swap3A_119 = arith.constant 0 : i32
      %swap3A_120 = arith.index_cast %swap3A_119 : i32 to index
      %swap3A_121 = arith.constant 48 : index
      %swap3A_122 = tpu.vector_load %arg12[%swap3A_120, %swap3A_121] {strides = array<i32>} : memref<1x80xi32, #tpu.memory_space<vmem>>, vector<16xi32>,
      tpu.vector_store %arg12[%swap3A_120, %swap3A_121], %add3A_118 {strides = array<i32>} : memref<1x80xi32, #tpu.memory_space<vmem>>, vector<16xi32>,
      %swap3A_123 = arith.constant 48 : index
      %swap3A_124 = tpu.vector_load %arg10[%swap3A_123] {strides = array<i32>} : memref<80xf32, #tpu.memory_space<vmem>>, vector<16xf32>,
      tpu.vector_store %arg10[%swap3A_123], %mul3A_114 {strides = array<i32>} : memref<80xf32, #tpu.memory_space<vmem>>, vector<16xf32>,
      %add3A_125 = arith.constant 64 : i32
      %add3A_126 = arith.addi %mul3A_39, %add3A_125 : i32
      %get3A_127 = arith.index_cast %add3A_126 : i32 to index
      %get3A_128 = tpu.vector_load %arg6[%get3A_127] {strides = array<i32>} : memref<10000xi32, #tpu.memory_space<vmem>>, vector<16xi32>,
      %add3A_129 = arith.constant 64 : i32
      %add3A_130 = arith.addi %mul3A_39, %add3A_129 : i32
      %get3A_131 = arith.index_cast %add3A_130 : i32 to index
      %get3A_132 = tpu.vector_load %arg7[%get3A_131] {strides = array<i32>} : memref<10000xi32, #tpu.memory_space<vmem>>, vector<16xi32>,
      %gather3A_133 = tpu.vector_load_idx %arg9[%get3A_132] : memref<10000xi32, #tpu.memory_space<vmem>>[vector<16xi32>], vector<16xi32>,
      %gather3A_134 = tpu.vector_load_idx %arg8[%get3A_128] : memref<10240xf32, #tpu.memory_space<vmem>>[vector<16xi32>], vector<16xf32>,
      %gather3A_135 = tpu.vector_load_idx %arg8[%get3A_132] : memref<10240xf32, #tpu.memory_space<vmem>>[vector<16xi32>], vector<16xf32>,
      %mul3A_136 = arith.mulf %gather3A_134, %gather3A_135 : vector<16xf32>
      %mul3A_137 = arith.constant 10240 : i32
      %mul3A_138 = vector.broadcast %mul3A_137 : i32 to vector<16xi32>
      %mul3A_139 = arith.muli %gather3A_133, %mul3A_138 : vector<16xi32>
      %add3A_140 = arith.addi %mul3A_139, %get3A_128 : vector<16xi32>
      %swap3A_141 = arith.constant 0 : i32
      %swap3A_142 = arith.index_cast %swap3A_141 : i32 to index
      %swap3A_143 = arith.constant 64 : index
      %swap3A_144 = tpu.vector_load %arg12[%swap3A_142, %swap3A_143] {strides = array<i32>} : memref<1x80xi32, #tpu.memory_space<vmem>>, vector<16xi32>,
      tpu.vector_store %arg12[%swap3A_142, %swap3A_143], %add3A_140 {strides = array<i32>} : memref<1x80xi32, #tpu.memory_space<vmem>>, vector<16xi32>,
      %swap3A_145 = arith.constant 64 : index
      %swap3A_146 = tpu.vector_load %arg10[%swap3A_145] {strides = array<i32>} : memref<80xf32, #tpu.memory_space<vmem>>, vector<16xf32>,
      tpu.vector_store %arg10[%swap3A_145], %mul3A_136 {strides = array<i32>} : memref<80xf32, #tpu.memory_space<vmem>>, vector<16xf32>,
      %run_scoped3A = arith.constant 0 : i32
      "tpu.region"() ({
        %run_scoped3A_148 = tpu.sem_alloc : memref<!tpu.dma_semaphore, #tpu.memory_space<semaphore_mem>>
        %dma_start3A = arith.constant 0 : i32
        %dma_start3A_149 = tpu.memref_slice %arg12[%run_scoped3A, %dma_start3A] : memref<1x80xi32, #tpu.memory_space<vmem>> -> memref<1x80xi32, #tpu.memory_space<vmem>>
        %dma_start3A_150 = tpu.memref_squeeze %dma_start3A_149 : memref<1x80xi32, #tpu.memory_space<vmem>> -> memref<80xi32, #tpu.memory_space<vmem>>
        %dma_start3A_151 = arith.constant 0 : i32
        %dma_start3A_152 = tpu.memref_slice %arg13[%dma_start3A_151] : memref<655360xf32, #tpu.memory_space<vmem_shared>> -> memref<655360xf32, #tpu.memory_space<vmem_shared>>
        tpu.enqueue_indirect_dma source(%arg10 : memref<80xf32, #tpu.memory_space<vmem>>) target(%dma_start3A_152 : memref<655360xf32, #tpu.memory_space<vmem_shared>>) offsets(%dma_start3A_150 : memref<80xi32, #tpu.memory_space<vmem>>) semaphore(%run_scoped3A_148 : memref<!tpu.dma_semaphore, #tpu.memory_space<semaphore_mem>>) {add = true}
        %dma_wait3A = arith.constant 0 : i32
        %dma_wait3A_153 = tpu.memref_slice %arg12[%run_scoped3A, %dma_wait3A] : memref<1x80xi32, #tpu.memory_space<vmem>> -> memref<1x80xi32, #tpu.memory_space<vmem>>
        %dma_wait3A_154 = tpu.memref_squeeze %dma_wait3A_153 : memref<1x80xi32, #tpu.memory_space<vmem>> -> memref<80xi32, #tpu.memory_space<vmem>>
        %dma_wait3A_155 = arith.constant 0 : i32
        %dma_wait3A_156 = tpu.memref_slice %arg13[%dma_wait3A_155] : memref<655360xf32, #tpu.memory_space<vmem_shared>> -> memref<655360xf32, #tpu.memory_space<vmem_shared>>
        tpu.wait_indirect_dma semaphore(%run_scoped3A_148 : memref<!tpu.dma_semaphore, #tpu.memory_space<semaphore_mem>>) src(%arg10 : memref<80xf32, #tpu.memory_space<vmem>>) dst(%dma_wait3A_156 : memref<655360xf32, #tpu.memory_space<vmem_shared>>)
        tpu.yield
      }) : () -> ()
      %scan3A_147 = arith.constant 0 : i32
      scf.yield %scan3A_147 : i32
    }
    %scan3A_27 = arith.constant 125 : i32
    %barrier3A_28 = arith.constant 0 : index
    tpu.barrier barrier_id(%barrier3A_28)
    %scan3A_29 = arith.constant 0 : i32
    %scan3A_30 = arith.constant 0 : i32
    %scan3A_31 = arith.constant 4 : i32
    %scan3A_32 = arith.addi %scan3A_30, %scan3A_31 : i32
    %scan3A_33 = arith.constant 1 : i32
    %scan3A_34 = scf.for %scan3A_36 = %scan3A_30 to %scan3A_32 step %scan3A_33 iter_args(%scan3A_37 = %scan3A_29) -> (i32)  : i32 {
      %mul3A_38 = arith.constant 40960 : i32
      %mul3A_39 = arith.muli %arg1, %mul3A_38 : i32
      %mul3A_40 = arith.constant 10240 : i32
      %mul3A_41 = arith.muli %scan3A_36, %mul3A_40 : i32
      %add3A_42 = arith.addi %mul3A_39, %mul3A_41 : i32
      "tpu.region"() ({
        %run_scoped3A = tpu.sem_alloc : memref<!tpu.dma_semaphore, #tpu.memory_space<semaphore_mem>>
        %dma_start3A = tpu.memref_slice %arg13[%add3A_42] : memref<655360xf32, #tpu.memory_space<vmem_shared>> -> memref<10240xf32, #tpu.memory_space<vmem_shared>>
        %dma_start3A_49 = tpu.memref_slice %arg13[%add3A_42] : memref<655360xf32, #tpu.memory_space<vmem_shared>> -> memref<10240xf32, #tpu.memory_space<vmem_shared>>
        tpu.enqueue_dma source(%dma_start3A_49 : memref<10240xf32, #tpu.memory_space<vmem_shared>>) target(%arg11 : memref<10240xf32, #tpu.memory_space<vmem>>) target_semaphore(%run_scoped3A : memref<!tpu.dma_semaphore, #tpu.memory_space<semaphore_mem>>)
        %dma_wait3A = tpu.memref_slice %arg13[%add3A_42] : memref<655360xf32, #tpu.memory_space<vmem_shared>> -> memref<10240xf32, #tpu.memory_space<vmem_shared>>
        %dma_wait3A_50 = tpu.memref_slice %arg13[%add3A_42] : memref<655360xf32, #tpu.memory_space<vmem_shared>> -> memref<10240xf32, #tpu.memory_space<vmem_shared>>
        tpu.wait_dma2 semaphore(%run_scoped3A : memref<!tpu.dma_semaphore, #tpu.memory_space<semaphore_mem>>) src(%dma_wait3A_50 : memref<10240xf32, #tpu.memory_space<vmem_shared>>) dst(%arg11 : memref<10240xf32, #tpu.memory_space<vmem>>)
        tpu.yield
      }) : () -> ()
      %mul3A_43 = arith.constant 64 : i32
      %mul3A_44 = arith.muli %arg0, %mul3A_43 : i32
      %mul3A_45 = arith.constant 10240 : i32
      %mul3A_46 = arith.muli %mul3A_44, %mul3A_45 : i32
      %add3A_47 = arith.addi %mul3A_46, %add3A_42 : i32
      "tpu.region"() ({
        %run_scoped3A = tpu.sem_alloc : memref<!tpu.dma_semaphore, #tpu.memory_space<semaphore_mem>>
        %dma_start3A = tpu.memref_slice %arg5[%add3A_47] : memref<1310720xf32, #tpu.memory_space<hbm>> -> memref<10240xf32, #tpu.memory_space<hbm>>
        %dma_start3A_49 = tpu.memref_slice %arg5[%add3A_47] : memref<1310720xf32, #tpu.memory_space<hbm>> -> memref<10240xf32, #tpu.memory_space<hbm>>
        tpu.enqueue_dma source(%arg11 : memref<10240xf32, #tpu.memory_space<vmem>>) target(%dma_start3A_49 : memref<10240xf32, #tpu.memory_space<hbm>>) target_semaphore(%run_scoped3A : memref<!tpu.dma_semaphore, #tpu.memory_space<semaphore_mem>>)
        %dma_wait3A = tpu.memref_slice %arg5[%add3A_47] : memref<1310720xf32, #tpu.memory_space<hbm>> -> memref<10240xf32, #tpu.memory_space<hbm>>
        %dma_wait3A_50 = tpu.memref_slice %arg5[%add3A_47] : memref<1310720xf32, #tpu.memory_space<hbm>> -> memref<10240xf32, #tpu.memory_space<hbm>>
        tpu.wait_dma2 semaphore(%run_scoped3A : memref<!tpu.dma_semaphore, #tpu.memory_space<semaphore_mem>>) src(%arg11 : memref<10240xf32, #tpu.memory_space<vmem>>) dst(%dma_wait3A_50 : memref<10240xf32, #tpu.memory_space<hbm>>)
        tpu.yield
      }) : () -> ()
      %scan3A_48 = arith.constant 0 : i32
      scf.yield %scan3A_48 : i32
    }
    %scan3A_35 = arith.constant 4 : i32
    return
  }
}

#map = affine_map<(d0, d1) -> (0)>
#map1 = affine_map<(d0, d1) -> (0, 0)>
module attributes {stable_mosaic.version = 14 : i64} {
  func.func @_edge_body(%arg0: i32, %arg1: i32, %arg2: memref<640000xi32, #tpu.memory_space<hbm>>, %arg3: memref<10240x128xf32, #tpu.memory_space<hbm>>, %arg4: memref<20480x128xf32, #tpu.memory_space<hbm>>, %arg5: memref<10000xi32, #tpu.memory_space<vmem>>, %arg6: memref<10000xi32, #tpu.memory_space<vmem>>, %arg7: memref<80x128xf32, #tpu.memory_space<vmem>>, %arg8: memref<80x128xf32, #tpu.memory_space<vmem>>, %arg9: memref<1x80xi32, #tpu.memory_space<vmem>>, %arg10: memref<1x80xi32, #tpu.memory_space<vmem>>, %arg11: memref<10240x128xf32, #tpu.memory_space<vmem_shared>>) attributes {dimension_semantics = [#tpu.dimension_semantics<core_parallel>, #tpu.dimension_semantics<subcore_parallel>], iteration_bounds = array<i64: 2, 16>, scalar_prefetch = 0 : i64, scratch_operands = 7 : i64, tpu.core_type = #tpu.core_type<sc_vector_subcore>, window_params = [{transform_indices = #map}, {transform_indices = #map1}, {transform_indices = #map1}]} {
    %mul3A = arith.constant 16 : i32
    %mul3A_0 = arith.muli %arg0, %mul3A : i32
    %add3A = arith.addi %mul3A_0, %arg1 : i32
    %mul3A_1 = arith.constant 640 : i32
    %mul3A_2 = arith.muli %arg1, %mul3A_1 : i32
    %mul3A_3 = arith.constant 10000 : i32
    %mul3A_4 = arith.muli %add3A, %mul3A_3 : i32
    "tpu.region"() ({
      %run_scoped3A = tpu.sem_alloc : memref<!tpu.dma_semaphore, #tpu.memory_space<semaphore_mem>>
      %dma_start3A = tpu.memref_slice %arg2[%mul3A_4] : memref<640000xi32, #tpu.memory_space<hbm>> -> memref<10000xi32, #tpu.memory_space<hbm>>
      %dma_start3A_38 = tpu.memref_slice %arg2[%mul3A_4] : memref<640000xi32, #tpu.memory_space<hbm>> -> memref<10000xi32, #tpu.memory_space<hbm>>
      tpu.enqueue_dma source(%dma_start3A_38 : memref<10000xi32, #tpu.memory_space<hbm>>) target(%arg5 : memref<10000xi32, #tpu.memory_space<vmem>>) target_semaphore(%run_scoped3A : memref<!tpu.dma_semaphore, #tpu.memory_space<semaphore_mem>>)
      %dma_wait3A = tpu.memref_slice %arg2[%mul3A_4] : memref<640000xi32, #tpu.memory_space<hbm>> -> memref<10000xi32, #tpu.memory_space<hbm>>
      %dma_wait3A_39 = tpu.memref_slice %arg2[%mul3A_4] : memref<640000xi32, #tpu.memory_space<hbm>> -> memref<10000xi32, #tpu.memory_space<hbm>>
      tpu.wait_dma2 semaphore(%run_scoped3A : memref<!tpu.dma_semaphore, #tpu.memory_space<semaphore_mem>>) src(%dma_wait3A_39 : memref<10000xi32, #tpu.memory_space<hbm>>) dst(%arg5 : memref<10000xi32, #tpu.memory_space<vmem>>)
      tpu.yield
    }) : () -> ()
    %mul3A_5 = arith.constant 10000 : i32
    %mul3A_6 = arith.muli %add3A, %mul3A_5 : i32
    %add3A_7 = arith.constant 320000 : i32
    %add3A_8 = arith.addi %add3A_7, %mul3A_6 : i32
    "tpu.region"() ({
      %run_scoped3A = tpu.sem_alloc : memref<!tpu.dma_semaphore, #tpu.memory_space<semaphore_mem>>
      %dma_start3A = tpu.memref_slice %arg2[%add3A_8] : memref<640000xi32, #tpu.memory_space<hbm>> -> memref<10000xi32, #tpu.memory_space<hbm>>
      %dma_start3A_38 = tpu.memref_slice %arg2[%add3A_8] : memref<640000xi32, #tpu.memory_space<hbm>> -> memref<10000xi32, #tpu.memory_space<hbm>>
      tpu.enqueue_dma source(%dma_start3A_38 : memref<10000xi32, #tpu.memory_space<hbm>>) target(%arg6 : memref<10000xi32, #tpu.memory_space<vmem>>) target_semaphore(%run_scoped3A : memref<!tpu.dma_semaphore, #tpu.memory_space<semaphore_mem>>)
      %dma_wait3A = tpu.memref_slice %arg2[%add3A_8] : memref<640000xi32, #tpu.memory_space<hbm>> -> memref<10000xi32, #tpu.memory_space<hbm>>
      %dma_wait3A_39 = tpu.memref_slice %arg2[%add3A_8] : memref<640000xi32, #tpu.memory_space<hbm>> -> memref<10000xi32, #tpu.memory_space<hbm>>
      tpu.wait_dma2 semaphore(%run_scoped3A : memref<!tpu.dma_semaphore, #tpu.memory_space<semaphore_mem>>) src(%dma_wait3A_39 : memref<10000xi32, #tpu.memory_space<hbm>>) dst(%arg6 : memref<10000xi32, #tpu.memory_space<vmem>>)
      tpu.yield
    }) : () -> ()
    %broadcast_in_dim3A = arith.constant 0.000000e+00 : f32
    %broadcast_in_dim3A_9 = vector.broadcast %broadcast_in_dim3A : f32 to vector<16xf32>
    %scan3A = arith.constant 0 : i32
    %scan3A_10 = arith.constant 0 : i32
    %scan3A_11 = arith.constant 80 : i32
    %scan3A_12 = arith.addi %scan3A_10, %scan3A_11 : i32
    %scan3A_13 = arith.constant 1 : i32
    %scan3A_14 = scf.for %scan3A_38 = %scan3A_10 to %scan3A_12 step %scan3A_13 iter_args(%scan3A_39 = %scan3A) -> (i32)  : i32 {
      %swap3A = arith.index_cast %scan3A_38 : i32 to index
      %swap3A_40 = arith.constant 0 : index
      %swap3A_41 = tpu.vector_load %arg8[%swap3A, %swap3A_40] {strides = array<i32>} : memref<80x128xf32, #tpu.memory_space<vmem>>, vector<16xf32>,
      tpu.vector_store %arg8[%swap3A, %swap3A_40], %broadcast_in_dim3A_9 {strides = array<i32>} : memref<80x128xf32, #tpu.memory_space<vmem>>, vector<16xf32>,
      %swap3A_42 = arith.index_cast %scan3A_38 : i32 to index
      %swap3A_43 = arith.constant 16 : index
      %swap3A_44 = tpu.vector_load %arg8[%swap3A_42, %swap3A_43] {strides = array<i32>} : memref<80x128xf32, #tpu.memory_space<vmem>>, vector<16xf32>,
      tpu.vector_store %arg8[%swap3A_42, %swap3A_43], %broadcast_in_dim3A_9 {strides = array<i32>} : memref<80x128xf32, #tpu.memory_space<vmem>>, vector<16xf32>,
      %swap3A_45 = arith.index_cast %scan3A_38 : i32 to index
      %swap3A_46 = arith.constant 32 : index
      %swap3A_47 = tpu.vector_load %arg8[%swap3A_45, %swap3A_46] {strides = array<i32>} : memref<80x128xf32, #tpu.memory_space<vmem>>, vector<16xf32>,
      tpu.vector_store %arg8[%swap3A_45, %swap3A_46], %broadcast_in_dim3A_9 {strides = array<i32>} : memref<80x128xf32, #tpu.memory_space<vmem>>, vector<16xf32>,
      %swap3A_48 = arith.index_cast %scan3A_38 : i32 to index
      %swap3A_49 = arith.constant 48 : index
      %swap3A_50 = tpu.vector_load %arg8[%swap3A_48, %swap3A_49] {strides = array<i32>} : memref<80x128xf32, #tpu.memory_space<vmem>>, vector<16xf32>,
      tpu.vector_store %arg8[%swap3A_48, %swap3A_49], %broadcast_in_dim3A_9 {strides = array<i32>} : memref<80x128xf32, #tpu.memory_space<vmem>>, vector<16xf32>,
      %swap3A_51 = arith.index_cast %scan3A_38 : i32 to index
      %swap3A_52 = arith.constant 64 : index
      %swap3A_53 = tpu.vector_load %arg8[%swap3A_51, %swap3A_52] {strides = array<i32>} : memref<80x128xf32, #tpu.memory_space<vmem>>, vector<16xf32>,
      tpu.vector_store %arg8[%swap3A_51, %swap3A_52], %broadcast_in_dim3A_9 {strides = array<i32>} : memref<80x128xf32, #tpu.memory_space<vmem>>, vector<16xf32>,
      %swap3A_54 = arith.index_cast %scan3A_38 : i32 to index
      %swap3A_55 = arith.constant 80 : index
      %swap3A_56 = tpu.vector_load %arg8[%swap3A_54, %swap3A_55] {strides = array<i32>} : memref<80x128xf32, #tpu.memory_space<vmem>>, vector<16xf32>,
      tpu.vector_store %arg8[%swap3A_54, %swap3A_55], %broadcast_in_dim3A_9 {strides = array<i32>} : memref<80x128xf32, #tpu.memory_space<vmem>>, vector<16xf32>,
      %swap3A_57 = arith.index_cast %scan3A_38 : i32 to index
      %swap3A_58 = arith.constant 96 : index
      %swap3A_59 = tpu.vector_load %arg8[%swap3A_57, %swap3A_58] {strides = array<i32>} : memref<80x128xf32, #tpu.memory_space<vmem>>, vector<16xf32>,
      tpu.vector_store %arg8[%swap3A_57, %swap3A_58], %broadcast_in_dim3A_9 {strides = array<i32>} : memref<80x128xf32, #tpu.memory_space<vmem>>, vector<16xf32>,
      %swap3A_60 = arith.index_cast %scan3A_38 : i32 to index
      %swap3A_61 = arith.constant 112 : index
      %swap3A_62 = tpu.vector_load %arg8[%swap3A_60, %swap3A_61] {strides = array<i32>} : memref<80x128xf32, #tpu.memory_space<vmem>>, vector<16xf32>,
      tpu.vector_store %arg8[%swap3A_60, %swap3A_61], %broadcast_in_dim3A_9 {strides = array<i32>} : memref<80x128xf32, #tpu.memory_space<vmem>>, vector<16xf32>,
      %scan3A_63 = arith.constant 0 : i32
      scf.yield %scan3A_63 : i32
    }
    %scan3A_15 = arith.constant 80 : i32
    %scan3A_16 = arith.constant 0 : i32
    %scan3A_17 = arith.constant 0 : i32
    %scan3A_18 = arith.constant 8 : i32
    %scan3A_19 = arith.addi %scan3A_17, %scan3A_18 : i32
    %scan3A_20 = arith.constant 1 : i32
    %scan3A_21 = scf.for %scan3A_38 = %scan3A_17 to %scan3A_19 step %scan3A_20 iter_args(%scan3A_39 = %scan3A_16) -> (i32)  : i32 {
      %mul3A_40 = arith.constant 80 : i32
      %mul3A_41 = arith.muli %scan3A_38, %mul3A_40 : i32
      %add3A_42 = arith.addi %mul3A_2, %mul3A_41 : i32
      "tpu.region"() ({
        %run_scoped3A = tpu.sem_alloc : memref<!tpu.dma_semaphore, #tpu.memory_space<semaphore_mem>>
        %dma_start3A = arith.constant 0 : i32
        %dma_start3A_44 = tpu.memref_slice %arg11[%add3A_42, %dma_start3A] : memref<10240x128xf32, #tpu.memory_space<vmem_shared>> -> memref<80x128xf32, #tpu.memory_space<vmem_shared>>
        %dma_start3A_45 = arith.constant 0 : i32
        %dma_start3A_46 = tpu.memref_slice %arg11[%add3A_42, %dma_start3A_45] : memref<10240x128xf32, #tpu.memory_space<vmem_shared>> -> memref<80x128xf32, #tpu.memory_space<vmem_shared>>
        tpu.enqueue_dma source(%arg8 : memref<80x128xf32, #tpu.memory_space<vmem>>) target(%dma_start3A_46 : memref<80x128xf32, #tpu.memory_space<vmem_shared>>) target_semaphore(%run_scoped3A : memref<!tpu.dma_semaphore, #tpu.memory_space<semaphore_mem>>)
        %dma_wait3A = arith.constant 0 : i32
        %dma_wait3A_47 = tpu.memref_slice %arg11[%add3A_42, %dma_wait3A] : memref<10240x128xf32, #tpu.memory_space<vmem_shared>> -> memref<80x128xf32, #tpu.memory_space<vmem_shared>>
        %dma_wait3A_48 = arith.constant 0 : i32
        %dma_wait3A_49 = tpu.memref_slice %arg11[%add3A_42, %dma_wait3A_48] : memref<10240x128xf32, #tpu.memory_space<vmem_shared>> -> memref<80x128xf32, #tpu.memory_space<vmem_shared>>
        tpu.wait_dma2 semaphore(%run_scoped3A : memref<!tpu.dma_semaphore, #tpu.memory_space<semaphore_mem>>) src(%arg8 : memref<80x128xf32, #tpu.memory_space<vmem>>) dst(%dma_wait3A_49 : memref<80x128xf32, #tpu.memory_space<vmem_shared>>)
        tpu.yield
      }) : () -> ()
      %scan3A_43 = arith.constant 0 : i32
      scf.yield %scan3A_43 : i32
    }
    %scan3A_22 = arith.constant 8 : i32
    %barrier3A = arith.constant 0 : index
    tpu.barrier barrier_id(%barrier3A)
    %scan3A_23 = arith.constant 0 : i32
    %scan3A_24 = arith.constant 0 : i32
    %scan3A_25 = arith.constant 125 : i32
    %scan3A_26 = arith.addi %scan3A_24, %scan3A_25 : i32
    %scan3A_27 = arith.constant 1 : i32
    %scan3A_28 = scf.for %scan3A_38 = %scan3A_24 to %scan3A_26 step %scan3A_27 iter_args(%scan3A_39 = %scan3A_23) -> (i32)  : i32 {
      %mul3A_40 = arith.constant 80 : i32
      %mul3A_41 = arith.muli %scan3A_38, %mul3A_40 : i32
      %add3A_42 = arith.constant 0 : i32
      %add3A_43 = arith.addi %mul3A_41, %add3A_42 : i32
      %get3A = arith.index_cast %add3A_43 : i32 to index
      %get3A_44 = tpu.vector_load %arg5[%get3A] {strides = array<i32>} : memref<10000xi32, #tpu.memory_space<vmem>>, vector<16xi32>,
      %swap3A = arith.constant 0 : i32
      %swap3A_45 = arith.index_cast %swap3A : i32 to index
      %swap3A_46 = arith.constant 0 : index
      %swap3A_47 = tpu.vector_load %arg9[%swap3A_45, %swap3A_46] {strides = array<i32>} : memref<1x80xi32, #tpu.memory_space<vmem>>, vector<16xi32>,
      tpu.vector_store %arg9[%swap3A_45, %swap3A_46], %get3A_44 {strides = array<i32>} : memref<1x80xi32, #tpu.memory_space<vmem>>, vector<16xi32>,
      %add3A_48 = arith.constant 0 : i32
      %add3A_49 = arith.addi %mul3A_41, %add3A_48 : i32
      %get3A_50 = arith.index_cast %add3A_49 : i32 to index
      %get3A_51 = tpu.vector_load %arg6[%get3A_50] {strides = array<i32>} : memref<10000xi32, #tpu.memory_space<vmem>>, vector<16xi32>,
      %swap3A_52 = arith.constant 0 : i32
      %swap3A_53 = arith.index_cast %swap3A_52 : i32 to index
      %swap3A_54 = arith.constant 0 : index
      %swap3A_55 = tpu.vector_load %arg10[%swap3A_53, %swap3A_54] {strides = array<i32>} : memref<1x80xi32, #tpu.memory_space<vmem>>, vector<16xi32>,
      tpu.vector_store %arg10[%swap3A_53, %swap3A_54], %get3A_51 {strides = array<i32>} : memref<1x80xi32, #tpu.memory_space<vmem>>, vector<16xi32>,
      %add3A_56 = arith.constant 16 : i32
      %add3A_57 = arith.addi %mul3A_41, %add3A_56 : i32
      %get3A_58 = arith.index_cast %add3A_57 : i32 to index
      %get3A_59 = tpu.vector_load %arg5[%get3A_58] {strides = array<i32>} : memref<10000xi32, #tpu.memory_space<vmem>>, vector<16xi32>,
      %swap3A_60 = arith.constant 0 : i32
      %swap3A_61 = arith.index_cast %swap3A_60 : i32 to index
      %swap3A_62 = arith.constant 16 : index
      %swap3A_63 = tpu.vector_load %arg9[%swap3A_61, %swap3A_62] {strides = array<i32>} : memref<1x80xi32, #tpu.memory_space<vmem>>, vector<16xi32>,
      tpu.vector_store %arg9[%swap3A_61, %swap3A_62], %get3A_59 {strides = array<i32>} : memref<1x80xi32, #tpu.memory_space<vmem>>, vector<16xi32>,
      %add3A_64 = arith.constant 16 : i32
      %add3A_65 = arith.addi %mul3A_41, %add3A_64 : i32
      %get3A_66 = arith.index_cast %add3A_65 : i32 to index
      %get3A_67 = tpu.vector_load %arg6[%get3A_66] {strides = array<i32>} : memref<10000xi32, #tpu.memory_space<vmem>>, vector<16xi32>,
      %swap3A_68 = arith.constant 0 : i32
      %swap3A_69 = arith.index_cast %swap3A_68 : i32 to index
      %swap3A_70 = arith.constant 16 : index
      %swap3A_71 = tpu.vector_load %arg10[%swap3A_69, %swap3A_70] {strides = array<i32>} : memref<1x80xi32, #tpu.memory_space<vmem>>, vector<16xi32>,
      tpu.vector_store %arg10[%swap3A_69, %swap3A_70], %get3A_67 {strides = array<i32>} : memref<1x80xi32, #tpu.memory_space<vmem>>, vector<16xi32>,
      %add3A_72 = arith.constant 32 : i32
      %add3A_73 = arith.addi %mul3A_41, %add3A_72 : i32
      %get3A_74 = arith.index_cast %add3A_73 : i32 to index
      %get3A_75 = tpu.vector_load %arg5[%get3A_74] {strides = array<i32>} : memref<10000xi32, #tpu.memory_space<vmem>>, vector<16xi32>,
      %swap3A_76 = arith.constant 0 : i32
      %swap3A_77 = arith.index_cast %swap3A_76 : i32 to index
      %swap3A_78 = arith.constant 32 : index
      %swap3A_79 = tpu.vector_load %arg9[%swap3A_77, %swap3A_78] {strides = array<i32>} : memref<1x80xi32, #tpu.memory_space<vmem>>, vector<16xi32>,
      tpu.vector_store %arg9[%swap3A_77, %swap3A_78], %get3A_75 {strides = array<i32>} : memref<1x80xi32, #tpu.memory_space<vmem>>, vector<16xi32>,
      %add3A_80 = arith.constant 32 : i32
      %add3A_81 = arith.addi %mul3A_41, %add3A_80 : i32
      %get3A_82 = arith.index_cast %add3A_81 : i32 to index
      %get3A_83 = tpu.vector_load %arg6[%get3A_82] {strides = array<i32>} : memref<10000xi32, #tpu.memory_space<vmem>>, vector<16xi32>,
      %swap3A_84 = arith.constant 0 : i32
      %swap3A_85 = arith.index_cast %swap3A_84 : i32 to index
      %swap3A_86 = arith.constant 32 : index
      %swap3A_87 = tpu.vector_load %arg10[%swap3A_85, %swap3A_86] {strides = array<i32>} : memref<1x80xi32, #tpu.memory_space<vmem>>, vector<16xi32>,
      tpu.vector_store %arg10[%swap3A_85, %swap3A_86], %get3A_83 {strides = array<i32>} : memref<1x80xi32, #tpu.memory_space<vmem>>, vector<16xi32>,
      %add3A_88 = arith.constant 48 : i32
      %add3A_89 = arith.addi %mul3A_41, %add3A_88 : i32
      %get3A_90 = arith.index_cast %add3A_89 : i32 to index
      %get3A_91 = tpu.vector_load %arg5[%get3A_90] {strides = array<i32>} : memref<10000xi32, #tpu.memory_space<vmem>>, vector<16xi32>,
      %swap3A_92 = arith.constant 0 : i32
      %swap3A_93 = arith.index_cast %swap3A_92 : i32 to index
      %swap3A_94 = arith.constant 48 : index
      %swap3A_95 = tpu.vector_load %arg9[%swap3A_93, %swap3A_94] {strides = array<i32>} : memref<1x80xi32, #tpu.memory_space<vmem>>, vector<16xi32>,
      tpu.vector_store %arg9[%swap3A_93, %swap3A_94], %get3A_91 {strides = array<i32>} : memref<1x80xi32, #tpu.memory_space<vmem>>, vector<16xi32>,
      %add3A_96 = arith.constant 48 : i32
      %add3A_97 = arith.addi %mul3A_41, %add3A_96 : i32
      %get3A_98 = arith.index_cast %add3A_97 : i32 to index
      %get3A_99 = tpu.vector_load %arg6[%get3A_98] {strides = array<i32>} : memref<10000xi32, #tpu.memory_space<vmem>>, vector<16xi32>,
      %swap3A_100 = arith.constant 0 : i32
      %swap3A_101 = arith.index_cast %swap3A_100 : i32 to index
      %swap3A_102 = arith.constant 48 : index
      %swap3A_103 = tpu.vector_load %arg10[%swap3A_101, %swap3A_102] {strides = array<i32>} : memref<1x80xi32, #tpu.memory_space<vmem>>, vector<16xi32>,
      tpu.vector_store %arg10[%swap3A_101, %swap3A_102], %get3A_99 {strides = array<i32>} : memref<1x80xi32, #tpu.memory_space<vmem>>, vector<16xi32>,
      %add3A_104 = arith.constant 64 : i32
      %add3A_105 = arith.addi %mul3A_41, %add3A_104 : i32
      %get3A_106 = arith.index_cast %add3A_105 : i32 to index
      %get3A_107 = tpu.vector_load %arg5[%get3A_106] {strides = array<i32>} : memref<10000xi32, #tpu.memory_space<vmem>>, vector<16xi32>,
      %swap3A_108 = arith.constant 0 : i32
      %swap3A_109 = arith.index_cast %swap3A_108 : i32 to index
      %swap3A_110 = arith.constant 64 : index
      %swap3A_111 = tpu.vector_load %arg9[%swap3A_109, %swap3A_110] {strides = array<i32>} : memref<1x80xi32, #tpu.memory_space<vmem>>, vector<16xi32>,
      tpu.vector_store %arg9[%swap3A_109, %swap3A_110], %get3A_107 {strides = array<i32>} : memref<1x80xi32, #tpu.memory_space<vmem>>, vector<16xi32>,
      %add3A_112 = arith.constant 64 : i32
      %add3A_113 = arith.addi %mul3A_41, %add3A_112 : i32
      %get3A_114 = arith.index_cast %add3A_113 : i32 to index
      %get3A_115 = tpu.vector_load %arg6[%get3A_114] {strides = array<i32>} : memref<10000xi32, #tpu.memory_space<vmem>>, vector<16xi32>,
      %swap3A_116 = arith.constant 0 : i32
      %swap3A_117 = arith.index_cast %swap3A_116 : i32 to index
      %swap3A_118 = arith.constant 64 : index
      %swap3A_119 = tpu.vector_load %arg10[%swap3A_117, %swap3A_118] {strides = array<i32>} : memref<1x80xi32, #tpu.memory_space<vmem>>, vector<16xi32>,
      tpu.vector_store %arg10[%swap3A_117, %swap3A_118], %get3A_115 {strides = array<i32>} : memref<1x80xi32, #tpu.memory_space<vmem>>, vector<16xi32>,
      %run_scoped3A = arith.constant 0 : i32
      "tpu.region"() ({
        %run_scoped3A_122 = tpu.sem_alloc : memref<!tpu.dma_semaphore, #tpu.memory_space<semaphore_mem>>
        %dma_start3A = arith.constant 0 : i32
        %dma_start3A_123 = tpu.memref_slice %arg9[%run_scoped3A, %dma_start3A] : memref<1x80xi32, #tpu.memory_space<vmem>> -> memref<1x80xi32, #tpu.memory_space<vmem>>
        %dma_start3A_124 = tpu.memref_squeeze %dma_start3A_123 : memref<1x80xi32, #tpu.memory_space<vmem>> -> memref<80xi32, #tpu.memory_space<vmem>>
        %dma_start3A_125 = arith.constant 0 : i32
        %dma_start3A_126 = arith.constant 0 : i32
        %dma_start3A_127 = tpu.memref_slice %arg3[%dma_start3A_125, %dma_start3A_126] : memref<10240x128xf32, #tpu.memory_space<hbm>> -> memref<10240x128xf32, #tpu.memory_space<hbm>>
        tpu.enqueue_indirect_dma source(%dma_start3A_127 : memref<10240x128xf32, #tpu.memory_space<hbm>>) target(%arg7 : memref<80x128xf32, #tpu.memory_space<vmem>>) offsets(%dma_start3A_124 : memref<80xi32, #tpu.memory_space<vmem>>) semaphore(%run_scoped3A_122 : memref<!tpu.dma_semaphore, #tpu.memory_space<semaphore_mem>>)
        %dma_wait3A = arith.constant 0 : i32
        %dma_wait3A_128 = tpu.memref_slice %arg9[%run_scoped3A, %dma_wait3A] : memref<1x80xi32, #tpu.memory_space<vmem>> -> memref<1x80xi32, #tpu.memory_space<vmem>>
        %dma_wait3A_129 = tpu.memref_squeeze %dma_wait3A_128 : memref<1x80xi32, #tpu.memory_space<vmem>> -> memref<80xi32, #tpu.memory_space<vmem>>
        %dma_wait3A_130 = arith.constant 0 : i32
        %dma_wait3A_131 = arith.constant 0 : i32
        %dma_wait3A_132 = tpu.memref_slice %arg3[%dma_wait3A_130, %dma_wait3A_131] : memref<10240x128xf32, #tpu.memory_space<hbm>> -> memref<10240x128xf32, #tpu.memory_space<hbm>>
        tpu.wait_indirect_dma semaphore(%run_scoped3A_122 : memref<!tpu.dma_semaphore, #tpu.memory_space<semaphore_mem>>) src(%dma_wait3A_132 : memref<10240x128xf32, #tpu.memory_space<hbm>>) dst(%arg7 : memref<80x128xf32, #tpu.memory_space<vmem>>)
        tpu.yield
      }) : () -> ()
      %run_scoped3A_120 = arith.constant 0 : i32
      "tpu.region"() ({
        %run_scoped3A_122 = tpu.sem_alloc : memref<!tpu.dma_semaphore, #tpu.memory_space<semaphore_mem>>
        %dma_start3A = arith.constant 0 : i32
        %dma_start3A_123 = tpu.memref_slice %arg10[%run_scoped3A_120, %dma_start3A] : memref<1x80xi32, #tpu.memory_space<vmem>> -> memref<1x80xi32, #tpu.memory_space<vmem>>
        %dma_start3A_124 = tpu.memref_squeeze %dma_start3A_123 : memref<1x80xi32, #tpu.memory_space<vmem>> -> memref<80xi32, #tpu.memory_space<vmem>>
        %dma_start3A_125 = arith.constant 0 : i32
        %dma_start3A_126 = arith.constant 0 : i32
        %dma_start3A_127 = tpu.memref_slice %arg11[%dma_start3A_125, %dma_start3A_126] : memref<10240x128xf32, #tpu.memory_space<vmem_shared>> -> memref<10240x128xf32, #tpu.memory_space<vmem_shared>>
        tpu.enqueue_indirect_dma source(%arg7 : memref<80x128xf32, #tpu.memory_space<vmem>>) target(%dma_start3A_127 : memref<10240x128xf32, #tpu.memory_space<vmem_shared>>) offsets(%dma_start3A_124 : memref<80xi32, #tpu.memory_space<vmem>>) semaphore(%run_scoped3A_122 : memref<!tpu.dma_semaphore, #tpu.memory_space<semaphore_mem>>) {add = true}
        %dma_wait3A = arith.constant 0 : i32
        %dma_wait3A_128 = tpu.memref_slice %arg10[%run_scoped3A_120, %dma_wait3A] : memref<1x80xi32, #tpu.memory_space<vmem>> -> memref<1x80xi32, #tpu.memory_space<vmem>>
        %dma_wait3A_129 = tpu.memref_squeeze %dma_wait3A_128 : memref<1x80xi32, #tpu.memory_space<vmem>> -> memref<80xi32, #tpu.memory_space<vmem>>
        %dma_wait3A_130 = arith.constant 0 : i32
        %dma_wait3A_131 = arith.constant 0 : i32
        %dma_wait3A_132 = tpu.memref_slice %arg11[%dma_wait3A_130, %dma_wait3A_131] : memref<10240x128xf32, #tpu.memory_space<vmem_shared>> -> memref<10240x128xf32, #tpu.memory_space<vmem_shared>>
        tpu.wait_indirect_dma semaphore(%run_scoped3A_122 : memref<!tpu.dma_semaphore, #tpu.memory_space<semaphore_mem>>) src(%arg7 : memref<80x128xf32, #tpu.memory_space<vmem>>) dst(%dma_wait3A_132 : memref<10240x128xf32, #tpu.memory_space<vmem_shared>>)
        tpu.yield
      }) : () -> ()
      %scan3A_121 = arith.constant 0 : i32
      scf.yield %scan3A_121 : i32
    }
    %scan3A_29 = arith.constant 125 : i32
    %barrier3A_30 = arith.constant 0 : index
    tpu.barrier barrier_id(%barrier3A_30)
    %scan3A_31 = arith.constant 0 : i32
    %scan3A_32 = arith.constant 0 : i32
    %scan3A_33 = arith.constant 8 : i32
    %scan3A_34 = arith.addi %scan3A_32, %scan3A_33 : i32
    %scan3A_35 = arith.constant 1 : i32
    %scan3A_36 = scf.for %scan3A_38 = %scan3A_32 to %scan3A_34 step %scan3A_35 iter_args(%scan3A_39 = %scan3A_31) -> (i32)  : i32 {
      %mul3A_40 = arith.constant 80 : i32
      %mul3A_41 = arith.muli %scan3A_38, %mul3A_40 : i32
      %add3A_42 = arith.addi %mul3A_2, %mul3A_41 : i32
      "tpu.region"() ({
        %run_scoped3A = tpu.sem_alloc : memref<!tpu.dma_semaphore, #tpu.memory_space<semaphore_mem>>
        %dma_start3A = arith.constant 0 : i32
        %dma_start3A_50 = tpu.memref_slice %arg11[%add3A_42, %dma_start3A] : memref<10240x128xf32, #tpu.memory_space<vmem_shared>> -> memref<80x128xf32, #tpu.memory_space<vmem_shared>>
        %dma_start3A_51 = arith.constant 0 : i32
        %dma_start3A_52 = tpu.memref_slice %arg11[%add3A_42, %dma_start3A_51] : memref<10240x128xf32, #tpu.memory_space<vmem_shared>> -> memref<80x128xf32, #tpu.memory_space<vmem_shared>>
        tpu.enqueue_dma source(%dma_start3A_52 : memref<80x128xf32, #tpu.memory_space<vmem_shared>>) target(%arg7 : memref<80x128xf32, #tpu.memory_space<vmem>>) target_semaphore(%run_scoped3A : memref<!tpu.dma_semaphore, #tpu.memory_space<semaphore_mem>>)
        %dma_wait3A = arith.constant 0 : i32
        %dma_wait3A_53 = tpu.memref_slice %arg11[%add3A_42, %dma_wait3A] : memref<10240x128xf32, #tpu.memory_space<vmem_shared>> -> memref<80x128xf32, #tpu.memory_space<vmem_shared>>
        %dma_wait3A_54 = arith.constant 0 : i32
        %dma_wait3A_55 = tpu.memref_slice %arg11[%add3A_42, %dma_wait3A_54] : memref<10240x128xf32, #tpu.memory_space<vmem_shared>> -> memref<80x128xf32, #tpu.memory_space<vmem_shared>>
        tpu.wait_dma2 semaphore(%run_scoped3A : memref<!tpu.dma_semaphore, #tpu.memory_space<semaphore_mem>>) src(%dma_wait3A_55 : memref<80x128xf32, #tpu.memory_space<vmem_shared>>) dst(%arg7 : memref<80x128xf32, #tpu.memory_space<vmem>>)
        tpu.yield
      }) : () -> ()
      %mul3A_43 = arith.constant 10240 : i32
      %mul3A_44 = arith.muli %arg0, %mul3A_43 : i32
      %add3A_45 = arith.addi %mul3A_44, %mul3A_2 : i32
      %mul3A_46 = arith.constant 80 : i32
      %mul3A_47 = arith.muli %scan3A_38, %mul3A_46 : i32
      %add3A_48 = arith.addi %add3A_45, %mul3A_47 : i32
      "tpu.region"() ({
        %run_scoped3A = tpu.sem_alloc : memref<!tpu.dma_semaphore, #tpu.memory_space<semaphore_mem>>
        %dma_start3A = arith.constant 0 : i32
        %dma_start3A_50 = tpu.memref_slice %arg4[%add3A_48, %dma_start3A] : memref<20480x128xf32, #tpu.memory_space<hbm>> -> memref<80x128xf32, #tpu.memory_space<hbm>>
        %dma_start3A_51 = arith.constant 0 : i32
        %dma_start3A_52 = tpu.memref_slice %arg4[%add3A_48, %dma_start3A_51] : memref<20480x128xf32, #tpu.memory_space<hbm>> -> memref<80x128xf32, #tpu.memory_space<hbm>>
        tpu.enqueue_dma source(%arg7 : memref<80x128xf32, #tpu.memory_space<vmem>>) target(%dma_start3A_52 : memref<80x128xf32, #tpu.memory_space<hbm>>) target_semaphore(%run_scoped3A : memref<!tpu.dma_semaphore, #tpu.memory_space<semaphore_mem>>)
        %dma_wait3A = arith.constant 0 : i32
        %dma_wait3A_53 = tpu.memref_slice %arg4[%add3A_48, %dma_wait3A] : memref<20480x128xf32, #tpu.memory_space<hbm>> -> memref<80x128xf32, #tpu.memory_space<hbm>>
        %dma_wait3A_54 = arith.constant 0 : i32
        %dma_wait3A_55 = tpu.memref_slice %arg4[%add3A_48, %dma_wait3A_54] : memref<20480x128xf32, #tpu.memory_space<hbm>> -> memref<80x128xf32, #tpu.memory_space<hbm>>
        tpu.wait_dma2 semaphore(%run_scoped3A : memref<!tpu.dma_semaphore, #tpu.memory_space<semaphore_mem>>) src(%arg7 : memref<80x128xf32, #tpu.memory_space<vmem>>) dst(%dma_wait3A_55 : memref<80x128xf32, #tpu.memory_space<hbm>>)
        tpu.yield
      }) : () -> ()
      %scan3A_49 = arith.constant 0 : i32
      scf.yield %scan3A_49 : i32
    }
    %scan3A_37 = arith.constant 8 : i32
    return
  }
}

#map = affine_map<(d0, d1) -> (0)>
module attributes {stable_mosaic.version = 14 : i64} {
  func.func @_k1_body(%arg0: i32, %arg1: i32, %arg2: memref<640000xi32, #tpu.memory_space<hbm>>, %arg3: memref<20480xf32, #tpu.memory_space<hbm>>, %arg4: memref<10000xi32, #tpu.memory_space<vmem>>, %arg5: memref<10240xf32, #tpu.memory_space<vmem>>, %arg6: memref<640xf32, #tpu.memory_space<vmem>>, %arg7: memref<640xf32, #tpu.memory_space<vmem>>, %arg8: memref<16x10240xf32, #tpu.memory_space<vmem_shared>>) attributes {dimension_semantics = [#tpu.dimension_semantics<core_parallel>, #tpu.dimension_semantics<subcore_parallel>], iteration_bounds = array<i64: 2, 16>, scalar_prefetch = 0 : i64, scratch_operands = 5 : i64, tpu.core_type = #tpu.core_type<sc_vector_subcore>, window_params = [{transform_indices = #map}, {transform_indices = #map}]} {
    %mul3A = arith.constant 16 : i32
    %mul3A_0 = arith.muli %arg0, %mul3A : i32
    %add3A = arith.addi %mul3A_0, %arg1 : i32
    %mul3A_1 = arith.constant 10000 : i32
    %mul3A_2 = arith.muli %add3A, %mul3A_1 : i32
    %add3A_3 = arith.constant 320000 : i32
    %add3A_4 = arith.addi %add3A_3, %mul3A_2 : i32
    "tpu.region"() ({
      %run_scoped3A_160 = tpu.sem_alloc : memref<!tpu.dma_semaphore, #tpu.memory_space<semaphore_mem>>
      %dma_start3A = tpu.memref_slice %arg2[%add3A_4] : memref<640000xi32, #tpu.memory_space<hbm>> -> memref<10000xi32, #tpu.memory_space<hbm>>
      %dma_start3A_161 = tpu.memref_slice %arg2[%add3A_4] : memref<640000xi32, #tpu.memory_space<hbm>> -> memref<10000xi32, #tpu.memory_space<hbm>>
      tpu.enqueue_dma source(%dma_start3A_161 : memref<10000xi32, #tpu.memory_space<hbm>>) target(%arg4 : memref<10000xi32, #tpu.memory_space<vmem>>) target_semaphore(%run_scoped3A_160 : memref<!tpu.dma_semaphore, #tpu.memory_space<semaphore_mem>>)
      %dma_wait3A = tpu.memref_slice %arg2[%add3A_4] : memref<640000xi32, #tpu.memory_space<hbm>> -> memref<10000xi32, #tpu.memory_space<hbm>>
      %dma_wait3A_162 = tpu.memref_slice %arg2[%add3A_4] : memref<640000xi32, #tpu.memory_space<hbm>> -> memref<10000xi32, #tpu.memory_space<hbm>>
      tpu.wait_dma2 semaphore(%run_scoped3A_160 : memref<!tpu.dma_semaphore, #tpu.memory_space<semaphore_mem>>) src(%dma_wait3A_162 : memref<10000xi32, #tpu.memory_space<hbm>>) dst(%arg4 : memref<10000xi32, #tpu.memory_space<vmem>>)
      tpu.yield
    }) : () -> ()
    %broadcast_in_dim3A = arith.constant 0.000000e+00 : f32
    %broadcast_in_dim3A_5 = vector.broadcast %broadcast_in_dim3A : f32 to vector<16xf32>
    %broadcast_in_dim3A_6 = arith.constant 1.000000e+00 : f32
    %broadcast_in_dim3A_7 = vector.broadcast %broadcast_in_dim3A_6 : f32 to vector<16xf32>
    %scan3A = arith.constant 0 : i32
    %scan3A_8 = arith.constant 0 : i32
    %scan3A_9 = arith.constant 640 : i32
    %scan3A_10 = arith.addi %scan3A_8, %scan3A_9 : i32
    %scan3A_11 = arith.constant 1 : i32
    %scan3A_12 = scf.for %scan3A_160 = %scan3A_8 to %scan3A_10 step %scan3A_11 iter_args(%scan3A_161 = %scan3A) -> (i32)  : i32 {
      %mul3A_162 = arith.constant 16 : i32
      %mul3A_163 = arith.muli %scan3A_160, %mul3A_162 : i32
      %swap3A = arith.index_cast %mul3A_163 : i32 to index
      %swap3A_164 = tpu.vector_load %arg5[%swap3A] {strides = array<i32>} : memref<10240xf32, #tpu.memory_space<vmem>>, vector<16xf32>,
      tpu.vector_store %arg5[%swap3A], %broadcast_in_dim3A_5 {strides = array<i32>} : memref<10240xf32, #tpu.memory_space<vmem>>, vector<16xf32>,
      %scan3A_165 = arith.constant 0 : i32
      scf.yield %scan3A_165 : i32
    }
    %scan3A_13 = arith.constant 640 : i32
    %scan3A_14 = arith.constant 0 : i32
    %scan3A_15 = arith.constant 0 : i32
    %scan3A_16 = arith.constant 625 : i32
    %scan3A_17 = arith.addi %scan3A_15, %scan3A_16 : i32
    %scan3A_18 = arith.constant 1 : i32
    %scan3A_19 = scf.for %scan3A_160 = %scan3A_15 to %scan3A_17 step %scan3A_18 iter_args(%scan3A_161 = %scan3A_14) -> (i32)  : i32 {
      %mul3A_162 = arith.constant 16 : i32
      %mul3A_163 = arith.muli %scan3A_160, %mul3A_162 : i32
      %get3A = arith.index_cast %mul3A_163 : i32 to index
      %get3A_164 = tpu.vector_load %arg4[%get3A] {strides = array<i32>} : memref<10000xi32, #tpu.memory_space<vmem>>, vector<16xi32>,
      tpu.vector_store_idx %arg5[%get3A_164], %broadcast_in_dim3A_7 {add = true} : memref<10240xf32, #tpu.memory_space<vmem>>[vector<16xi32>], vector<16xf32>,
      %scan3A_165 = arith.constant 0 : i32
      scf.yield %scan3A_165 : i32
    }
    %scan3A_20 = arith.constant 625 : i32
    "tpu.region"() ({
      %run_scoped3A_160 = tpu.sem_alloc : memref<!tpu.dma_semaphore, #tpu.memory_space<semaphore_mem>>
      %dma_start3A = arith.constant 0 : i32
      %dma_start3A_161 = tpu.memref_slice %arg8[%arg1, %dma_start3A] : memref<16x10240xf32, #tpu.memory_space<vmem_shared>> -> memref<1x10240xf32, #tpu.memory_space<vmem_shared>>
      %dma_start3A_162 = tpu.memref_squeeze %dma_start3A_161 : memref<1x10240xf32, #tpu.memory_space<vmem_shared>> -> memref<10240xf32, #tpu.memory_space<vmem_shared>>
      %dma_start3A_163 = arith.constant 0 : i32
      %dma_start3A_164 = tpu.memref_slice %arg8[%arg1, %dma_start3A_163] : memref<16x10240xf32, #tpu.memory_space<vmem_shared>> -> memref<1x10240xf32, #tpu.memory_space<vmem_shared>>
      %dma_start3A_165 = tpu.memref_squeeze %dma_start3A_164 : memref<1x10240xf32, #tpu.memory_space<vmem_shared>> -> memref<10240xf32, #tpu.memory_space<vmem_shared>>
      tpu.enqueue_dma source(%arg5 : memref<10240xf32, #tpu.memory_space<vmem>>) target(%dma_start3A_165 : memref<10240xf32, #tpu.memory_space<vmem_shared>>) target_semaphore(%run_scoped3A_160 : memref<!tpu.dma_semaphore, #tpu.memory_space<semaphore_mem>>)
      %dma_wait3A = arith.constant 0 : i32
      %dma_wait3A_166 = tpu.memref_slice %arg8[%arg1, %dma_wait3A] : memref<16x10240xf32, #tpu.memory_space<vmem_shared>> -> memref<1x10240xf32, #tpu.memory_space<vmem_shared>>
      %dma_wait3A_167 = tpu.memref_squeeze %dma_wait3A_166 : memref<1x10240xf32, #tpu.memory_space<vmem_shared>> -> memref<10240xf32, #tpu.memory_space<vmem_shared>>
      %dma_wait3A_168 = arith.constant 0 : i32
      %dma_wait3A_169 = tpu.memref_slice %arg8[%arg1, %dma_wait3A_168] : memref<16x10240xf32, #tpu.memory_space<vmem_shared>> -> memref<1x10240xf32, #tpu.memory_space<vmem_shared>>
      %dma_wait3A_170 = tpu.memref_squeeze %dma_wait3A_169 : memref<1x10240xf32, #tpu.memory_space<vmem_shared>> -> memref<10240xf32, #tpu.memory_space<vmem_shared>>
      tpu.wait_dma2 semaphore(%run_scoped3A_160 : memref<!tpu.dma_semaphore, #tpu.memory_space<semaphore_mem>>) src(%arg5 : memref<10240xf32, #tpu.memory_space<vmem>>) dst(%dma_wait3A_170 : memref<10240xf32, #tpu.memory_space<vmem_shared>>)
      tpu.yield
    }) : () -> ()
    %barrier3A = arith.constant 0 : index
    tpu.barrier barrier_id(%barrier3A)
    %mul3A_21 = arith.constant 640 : i32
    %mul3A_22 = arith.muli %arg1, %mul3A_21 : i32
    %scan3A_23 = arith.constant 0 : i32
    %scan3A_24 = arith.constant 0 : i32
    %scan3A_25 = arith.constant 40 : i32
    %scan3A_26 = arith.addi %scan3A_24, %scan3A_25 : i32
    %scan3A_27 = arith.constant 1 : i32
    %scan3A_28 = scf.for %scan3A_160 = %scan3A_24 to %scan3A_26 step %scan3A_27 iter_args(%scan3A_161 = %scan3A_23) -> (i32)  : i32 {
      %mul3A_162 = arith.constant 16 : i32
      %mul3A_163 = arith.muli %scan3A_160, %mul3A_162 : i32
      %swap3A = arith.index_cast %mul3A_163 : i32 to index
      %swap3A_164 = tpu.vector_load %arg6[%swap3A] {strides = array<i32>} : memref<640xf32, #tpu.memory_space<vmem>>, vector<16xf32>,
      tpu.vector_store %arg6[%swap3A], %broadcast_in_dim3A_5 {strides = array<i32>} : memref<640xf32, #tpu.memory_space<vmem>>, vector<16xf32>,
      %scan3A_165 = arith.constant 0 : i32
      scf.yield %scan3A_165 : i32
    }
    %scan3A_29 = arith.constant 40 : i32
    %run_scoped3A = arith.constant 0 : i32
    "tpu.region"() ({
      %run_scoped3A_160 = tpu.sem_alloc : memref<!tpu.dma_semaphore, #tpu.memory_space<semaphore_mem>>
      %dma_start3A = tpu.memref_slice %arg8[%run_scoped3A, %mul3A_22] : memref<16x10240xf32, #tpu.memory_space<vmem_shared>> -> memref<1x640xf32, #tpu.memory_space<vmem_shared>>
      %dma_start3A_161 = tpu.memref_squeeze %dma_start3A : memref<1x640xf32, #tpu.memory_space<vmem_shared>> -> memref<640xf32, #tpu.memory_space<vmem_shared>>
      %dma_start3A_162 = tpu.memref_slice %arg8[%run_scoped3A, %mul3A_22] : memref<16x10240xf32, #tpu.memory_space<vmem_shared>> -> memref<1x640xf32, #tpu.memory_space<vmem_shared>>
      %dma_start3A_163 = tpu.memref_squeeze %dma_start3A_162 : memref<1x640xf32, #tpu.memory_space<vmem_shared>> -> memref<640xf32, #tpu.memory_space<vmem_shared>>
      tpu.enqueue_dma source(%dma_start3A_163 : memref<640xf32, #tpu.memory_space<vmem_shared>>) target(%arg7 : memref<640xf32, #tpu.memory_space<vmem>>) target_semaphore(%run_scoped3A_160 : memref<!tpu.dma_semaphore, #tpu.memory_space<semaphore_mem>>)
      %dma_wait3A = tpu.memref_slice %arg8[%run_scoped3A, %mul3A_22] : memref<16x10240xf32, #tpu.memory_space<vmem_shared>> -> memref<1x640xf32, #tpu.memory_space<vmem_shared>>
      %dma_wait3A_164 = tpu.memref_squeeze %dma_wait3A : memref<1x640xf32, #tpu.memory_space<vmem_shared>> -> memref<640xf32, #tpu.memory_space<vmem_shared>>
      %dma_wait3A_165 = tpu.memref_slice %arg8[%run_scoped3A, %mul3A_22] : memref<16x10240xf32, #tpu.memory_space<vmem_shared>> -> memref<1x640xf32, #tpu.memory_space<vmem_shared>>
      %dma_wait3A_166 = tpu.memref_squeeze %dma_wait3A_165 : memref<1x640xf32, #tpu.memory_space<vmem_shared>> -> memref<640xf32, #tpu.memory_space<vmem_shared>>
      tpu.wait_dma2 semaphore(%run_scoped3A_160 : memref<!tpu.dma_semaphore, #tpu.memory_space<semaphore_mem>>) src(%dma_wait3A_166 : memref<640xf32, #tpu.memory_space<vmem_shared>>) dst(%arg7 : memref<640xf32, #tpu.memory_space<vmem>>)
      tpu.yield
    }) : () -> ()
    %scan3A_30 = arith.constant 0 : i32
    %scan3A_31 = arith.constant 0 : i32
    %scan3A_32 = arith.constant 40 : i32
    %scan3A_33 = arith.addi %scan3A_31, %scan3A_32 : i32
    %scan3A_34 = arith.constant 1 : i32
    %scan3A_35 = scf.for %scan3A_160 = %scan3A_31 to %scan3A_33 step %scan3A_34 iter_args(%scan3A_161 = %scan3A_30) -> (i32)  : i32 {
      %mul3A_162 = arith.constant 16 : i32
      %mul3A_163 = arith.muli %scan3A_160, %mul3A_162 : i32
      %get3A = arith.index_cast %mul3A_163 : i32 to index
      %get3A_164 = tpu.vector_load %arg6[%get3A] {strides = array<i32>} : memref<640xf32, #tpu.memory_space<vmem>>, vector<16xf32>,
      %get3A_165 = arith.index_cast %mul3A_163 : i32 to index
      %get3A_166 = tpu.vector_load %arg7[%get3A_165] {strides = array<i32>} : memref<640xf32, #tpu.memory_space<vmem>>, vector<16xf32>,
      %add3A_167 = arith.addf %get3A_164, %get3A_166 : vector<16xf32>
      %swap3A = arith.index_cast %mul3A_163 : i32 to index
      %swap3A_168 = tpu.vector_load %arg6[%swap3A] {strides = array<i32>} : memref<640xf32, #tpu.memory_space<vmem>>, vector<16xf32>,
      tpu.vector_store %arg6[%swap3A], %add3A_167 {strides = array<i32>} : memref<640xf32, #tpu.memory_space<vmem>>, vector<16xf32>,
      %scan3A_169 = arith.constant 0 : i32
      scf.yield %scan3A_169 : i32
    }
    %scan3A_36 = arith.constant 40 : i32
    %run_scoped3A_37 = arith.constant 1 : i32
    "tpu.region"() ({
      %run_scoped3A_160 = tpu.sem_alloc : memref<!tpu.dma_semaphore, #tpu.memory_space<semaphore_mem>>
      %dma_start3A = tpu.memref_slice %arg8[%run_scoped3A_37, %mul3A_22] : memref<16x10240xf32, #tpu.memory_space<vmem_shared>> -> memref<1x640xf32, #tpu.memory_space<vmem_shared>>
      %dma_start3A_161 = tpu.memref_squeeze %dma_start3A : memref<1x640xf32, #tpu.memory_space<vmem_shared>> -> memref<640xf32, #tpu.memory_space<vmem_shared>>
      %dma_start3A_162 = tpu.memref_slice %arg8[%run_scoped3A_37, %mul3A_22] : memref<16x10240xf32, #tpu.memory_space<vmem_shared>> -> memref<1x640xf32, #tpu.memory_space<vmem_shared>>
      %dma_start3A_163 = tpu.memref_squeeze %dma_start3A_162 : memref<1x640xf32, #tpu.memory_space<vmem_shared>> -> memref<640xf32, #tpu.memory_space<vmem_shared>>
      tpu.enqueue_dma source(%dma_start3A_163 : memref<640xf32, #tpu.memory_space<vmem_shared>>) target(%arg7 : memref<640xf32, #tpu.memory_space<vmem>>) target_semaphore(%run_scoped3A_160 : memref<!tpu.dma_semaphore, #tpu.memory_space<semaphore_mem>>)
      %dma_wait3A = tpu.memref_slice %arg8[%run_scoped3A_37, %mul3A_22] : memref<16x10240xf32, #tpu.memory_space<vmem_shared>> -> memref<1x640xf32, #tpu.memory_space<vmem_shared>>
      %dma_wait3A_164 = tpu.memref_squeeze %dma_wait3A : memref<1x640xf32, #tpu.memory_space<vmem_shared>> -> memref<640xf32, #tpu.memory_space<vmem_shared>>
      %dma_wait3A_165 = tpu.memref_slice %arg8[%run_scoped3A_37, %mul3A_22] : memref<16x10240xf32, #tpu.memory_space<vmem_shared>> -> memref<1x640xf32, #tpu.memory_space<vmem_shared>>
      %dma_wait3A_166 = tpu.memref_squeeze %dma_wait3A_165 : memref<1x640xf32, #tpu.memory_space<vmem_shared>> -> memref<640xf32, #tpu.memory_space<vmem_shared>>
      tpu.wait_dma2 semaphore(%run_scoped3A_160 : memref<!tpu.dma_semaphore, #tpu.memory_space<semaphore_mem>>) src(%dma_wait3A_166 : memref<640xf32, #tpu.memory_space<vmem_shared>>) dst(%arg7 : memref<640xf32, #tpu.memory_space<vmem>>)
      tpu.yield
    }) : () -> ()
    %scan3A_38 = arith.constant 0 : i32
    %scan3A_39 = arith.constant 0 : i32
    %scan3A_40 = arith.constant 40 : i32
    %scan3A_41 = arith.addi %scan3A_39, %scan3A_40 : i32
    %scan3A_42 = arith.constant 1 : i32
    %scan3A_43 = scf.for %scan3A_160 = %scan3A_39 to %scan3A_41 step %scan3A_42 iter_args(%scan3A_161 = %scan3A_38) -> (i32)  : i32 {
      %mul3A_162 = arith.constant 16 : i32
      %mul3A_163 = arith.muli %scan3A_160, %mul3A_162 : i32
      %get3A = arith.index_cast %mul3A_163 : i32 to index
      %get3A_164 = tpu.vector_load %arg6[%get3A] {strides = array<i32>} : memref<640xf32, #tpu.memory_space<vmem>>, vector<16xf32>,
      %get3A_165 = arith.index_cast %mul3A_163 : i32 to index
      %get3A_166 = tpu.vector_load %arg7[%get3A_165] {strides = array<i32>} : memref<640xf32, #tpu.memory_space<vmem>>, vector<16xf32>,
      %add3A_167 = arith.addf %get3A_164, %get3A_166 : vector<16xf32>
      %swap3A = arith.index_cast %mul3A_163 : i32 to index
      %swap3A_168 = tpu.vector_load %arg6[%swap3A] {strides = array<i32>} : memref<640xf32, #tpu.memory_space<vmem>>, vector<16xf32>,
      tpu.vector_store %arg6[%swap3A], %add3A_167 {strides = array<i32>} : memref<640xf32, #tpu.memory_space<vmem>>, vector<16xf32>,
      %scan3A_169 = arith.constant 0 : i32
      scf.yield %scan3A_169 : i32
    }
    %scan3A_44 = arith.constant 40 : i32
    %run_scoped3A_45 = arith.constant 2 : i32
    "tpu.region"() ({
      %run_scoped3A_160 = tpu.sem_alloc : memref<!tpu.dma_semaphore, #tpu.memory_space<semaphore_mem>>
      %dma_start3A = tpu.memref_slice %arg8[%run_scoped3A_45, %mul3A_22] : memref<16x10240xf32, #tpu.memory_space<vmem_shared>> -> memref<1x640xf32, #tpu.memory_space<vmem_shared>>
      %dma_start3A_161 = tpu.memref_squeeze %dma_start3A : memref<1x640xf32, #tpu.memory_space<vmem_shared>> -> memref<640xf32, #tpu.memory_space<vmem_shared>>
      %dma_start3A_162 = tpu.memref_slice %arg8[%run_scoped3A_45, %mul3A_22] : memref<16x10240xf32, #tpu.memory_space<vmem_shared>> -> memref<1x640xf32, #tpu.memory_space<vmem_shared>>
      %dma_start3A_163 = tpu.memref_squeeze %dma_start3A_162 : memref<1x640xf32, #tpu.memory_space<vmem_shared>> -> memref<640xf32, #tpu.memory_space<vmem_shared>>
      tpu.enqueue_dma source(%dma_start3A_163 : memref<640xf32, #tpu.memory_space<vmem_shared>>) target(%arg7 : memref<640xf32, #tpu.memory_space<vmem>>) target_semaphore(%run_scoped3A_160 : memref<!tpu.dma_semaphore, #tpu.memory_space<semaphore_mem>>)
      %dma_wait3A = tpu.memref_slice %arg8[%run_scoped3A_45, %mul3A_22] : memref<16x10240xf32, #tpu.memory_space<vmem_shared>> -> memref<1x640xf32, #tpu.memory_space<vmem_shared>>
      %dma_wait3A_164 = tpu.memref_squeeze %dma_wait3A : memref<1x640xf32, #tpu.memory_space<vmem_shared>> -> memref<640xf32, #tpu.memory_space<vmem_shared>>
      %dma_wait3A_165 = tpu.memref_slice %arg8[%run_scoped3A_45, %mul3A_22] : memref<16x10240xf32, #tpu.memory_space<vmem_shared>> -> memref<1x640xf32, #tpu.memory_space<vmem_shared>>
      %dma_wait3A_166 = tpu.memref_squeeze %dma_wait3A_165 : memref<1x640xf32, #tpu.memory_space<vmem_shared>> -> memref<640xf32, #tpu.memory_space<vmem_shared>>
      tpu.wait_dma2 semaphore(%run_scoped3A_160 : memref<!tpu.dma_semaphore, #tpu.memory_space<semaphore_mem>>) src(%dma_wait3A_166 : memref<640xf32, #tpu.memory_space<vmem_shared>>) dst(%arg7 : memref<640xf32, #tpu.memory_space<vmem>>)
      tpu.yield
    }) : () -> ()
    %scan3A_46 = arith.constant 0 : i32
    %scan3A_47 = arith.constant 0 : i32
    %scan3A_48 = arith.constant 40 : i32
    %scan3A_49 = arith.addi %scan3A_47, %scan3A_48 : i32
    %scan3A_50 = arith.constant 1 : i32
    %scan3A_51 = scf.for %scan3A_160 = %scan3A_47 to %scan3A_49 step %scan3A_50 iter_args(%scan3A_161 = %scan3A_46) -> (i32)  : i32 {
      %mul3A_162 = arith.constant 16 : i32
      %mul3A_163 = arith.muli %scan3A_160, %mul3A_162 : i32
      %get3A = arith.index_cast %mul3A_163 : i32 to index
      %get3A_164 = tpu.vector_load %arg6[%get3A] {strides = array<i32>} : memref<640xf32, #tpu.memory_space<vmem>>, vector<16xf32>,
      %get3A_165 = arith.index_cast %mul3A_163 : i32 to index
      %get3A_166 = tpu.vector_load %arg7[%get3A_165] {strides = array<i32>} : memref<640xf32, #tpu.memory_space<vmem>>, vector<16xf32>,
      %add3A_167 = arith.addf %get3A_164, %get3A_166 : vector<16xf32>
      %swap3A = arith.index_cast %mul3A_163 : i32 to index
      %swap3A_168 = tpu.vector_load %arg6[%swap3A] {strides = array<i32>} : memref<640xf32, #tpu.memory_space<vmem>>, vector<16xf32>,
      tpu.vector_store %arg6[%swap3A], %add3A_167 {strides = array<i32>} : memref<640xf32, #tpu.memory_space<vmem>>, vector<16xf32>,
      %scan3A_169 = arith.constant 0 : i32
      scf.yield %scan3A_169 : i32
    }
    %scan3A_52 = arith.constant 40 : i32
    %run_scoped3A_53 = arith.constant 3 : i32
    "tpu.region"() ({
      %run_scoped3A_160 = tpu.sem_alloc : memref<!tpu.dma_semaphore, #tpu.memory_space<semaphore_mem>>
      %dma_start3A = tpu.memref_slice %arg8[%run_scoped3A_53, %mul3A_22] : memref<16x10240xf32, #tpu.memory_space<vmem_shared>> -> memref<1x640xf32, #tpu.memory_space<vmem_shared>>
      %dma_start3A_161 = tpu.memref_squeeze %dma_start3A : memref<1x640xf32, #tpu.memory_space<vmem_shared>> -> memref<640xf32, #tpu.memory_space<vmem_shared>>
      %dma_start3A_162 = tpu.memref_slice %arg8[%run_scoped3A_53, %mul3A_22] : memref<16x10240xf32, #tpu.memory_space<vmem_shared>> -> memref<1x640xf32, #tpu.memory_space<vmem_shared>>
      %dma_start3A_163 = tpu.memref_squeeze %dma_start3A_162 : memref<1x640xf32, #tpu.memory_space<vmem_shared>> -> memref<640xf32, #tpu.memory_space<vmem_shared>>
      tpu.enqueue_dma source(%dma_start3A_163 : memref<640xf32, #tpu.memory_space<vmem_shared>>) target(%arg7 : memref<640xf32, #tpu.memory_space<vmem>>) target_semaphore(%run_scoped3A_160 : memref<!tpu.dma_semaphore, #tpu.memory_space<semaphore_mem>>)
      %dma_wait3A = tpu.memref_slice %arg8[%run_scoped3A_53, %mul3A_22] : memref<16x10240xf32, #tpu.memory_space<vmem_shared>> -> memref<1x640xf32, #tpu.memory_space<vmem_shared>>
      %dma_wait3A_164 = tpu.memref_squeeze %dma_wait3A : memref<1x640xf32, #tpu.memory_space<vmem_shared>> -> memref<640xf32, #tpu.memory_space<vmem_shared>>
      %dma_wait3A_165 = tpu.memref_slice %arg8[%run_scoped3A_53, %mul3A_22] : memref<16x10240xf32, #tpu.memory_space<vmem_shared>> -> memref<1x640xf32, #tpu.memory_space<vmem_shared>>
      %dma_wait3A_166 = tpu.memref_squeeze %dma_wait3A_165 : memref<1x640xf32, #tpu.memory_space<vmem_shared>> -> memref<640xf32, #tpu.memory_space<vmem_shared>>
      tpu.wait_dma2 semaphore(%run_scoped3A_160 : memref<!tpu.dma_semaphore, #tpu.memory_space<semaphore_mem>>) src(%dma_wait3A_166 : memref<640xf32, #tpu.memory_space<vmem_shared>>) dst(%arg7 : memref<640xf32, #tpu.memory_space<vmem>>)
      tpu.yield
    }) : () -> ()
    %scan3A_54 = arith.constant 0 : i32
    %scan3A_55 = arith.constant 0 : i32
    %scan3A_56 = arith.constant 40 : i32
    %scan3A_57 = arith.addi %scan3A_55, %scan3A_56 : i32
    %scan3A_58 = arith.constant 1 : i32
    %scan3A_59 = scf.for %scan3A_160 = %scan3A_55 to %scan3A_57 step %scan3A_58 iter_args(%scan3A_161 = %scan3A_54) -> (i32)  : i32 {
      %mul3A_162 = arith.constant 16 : i32
      %mul3A_163 = arith.muli %scan3A_160, %mul3A_162 : i32
      %get3A = arith.index_cast %mul3A_163 : i32 to index
      %get3A_164 = tpu.vector_load %arg6[%get3A] {strides = array<i32>} : memref<640xf32, #tpu.memory_space<vmem>>, vector<16xf32>,
      %get3A_165 = arith.index_cast %mul3A_163 : i32 to index
      %get3A_166 = tpu.vector_load %arg7[%get3A_165] {strides = array<i32>} : memref<640xf32, #tpu.memory_space<vmem>>, vector<16xf32>,
      %add3A_167 = arith.addf %get3A_164, %get3A_166 : vector<16xf32>
      %swap3A = arith.index_cast %mul3A_163 : i32 to index
      %swap3A_168 = tpu.vector_load %arg6[%swap3A] {strides = array<i32>} : memref<640xf32, #tpu.memory_space<vmem>>, vector<16xf32>,
      tpu.vector_store %arg6[%swap3A], %add3A_167 {strides = array<i32>} : memref<640xf32, #tpu.memory_space<vmem>>, vector<16xf32>,
      %scan3A_169 = arith.constant 0 : i32
      scf.yield %scan3A_169 : i32
    }
    %scan3A_60 = arith.constant 40 : i32
    %run_scoped3A_61 = arith.constant 4 : i32
    "tpu.region"() ({
      %run_scoped3A_160 = tpu.sem_alloc : memref<!tpu.dma_semaphore, #tpu.memory_space<semaphore_mem>>
      %dma_start3A = tpu.memref_slice %arg8[%run_scoped3A_61, %mul3A_22] : memref<16x10240xf32, #tpu.memory_space<vmem_shared>> -> memref<1x640xf32, #tpu.memory_space<vmem_shared>>
      %dma_start3A_161 = tpu.memref_squeeze %dma_start3A : memref<1x640xf32, #tpu.memory_space<vmem_shared>> -> memref<640xf32, #tpu.memory_space<vmem_shared>>
      %dma_start3A_162 = tpu.memref_slice %arg8[%run_scoped3A_61, %mul3A_22] : memref<16x10240xf32, #tpu.memory_space<vmem_shared>> -> memref<1x640xf32, #tpu.memory_space<vmem_shared>>
      %dma_start3A_163 = tpu.memref_squeeze %dma_start3A_162 : memref<1x640xf32, #tpu.memory_space<vmem_shared>> -> memref<640xf32, #tpu.memory_space<vmem_shared>>
      tpu.enqueue_dma source(%dma_start3A_163 : memref<640xf32, #tpu.memory_space<vmem_shared>>) target(%arg7 : memref<640xf32, #tpu.memory_space<vmem>>) target_semaphore(%run_scoped3A_160 : memref<!tpu.dma_semaphore, #tpu.memory_space<semaphore_mem>>)
      %dma_wait3A = tpu.memref_slice %arg8[%run_scoped3A_61, %mul3A_22] : memref<16x10240xf32, #tpu.memory_space<vmem_shared>> -> memref<1x640xf32, #tpu.memory_space<vmem_shared>>
      %dma_wait3A_164 = tpu.memref_squeeze %dma_wait3A : memref<1x640xf32, #tpu.memory_space<vmem_shared>> -> memref<640xf32, #tpu.memory_space<vmem_shared>>
      %dma_wait3A_165 = tpu.memref_slice %arg8[%run_scoped3A_61, %mul3A_22] : memref<16x10240xf32, #tpu.memory_space<vmem_shared>> -> memref<1x640xf32, #tpu.memory_space<vmem_shared>>
      %dma_wait3A_166 = tpu.memref_squeeze %dma_wait3A_165 : memref<1x640xf32, #tpu.memory_space<vmem_shared>> -> memref<640xf32, #tpu.memory_space<vmem_shared>>
      tpu.wait_dma2 semaphore(%run_scoped3A_160 : memref<!tpu.dma_semaphore, #tpu.memory_space<semaphore_mem>>) src(%dma_wait3A_166 : memref<640xf32, #tpu.memory_space<vmem_shared>>) dst(%arg7 : memref<640xf32, #tpu.memory_space<vmem>>)
      tpu.yield
    }) : () -> ()
    %scan3A_62 = arith.constant 0 : i32
    %scan3A_63 = arith.constant 0 : i32
    %scan3A_64 = arith.constant 40 : i32
    %scan3A_65 = arith.addi %scan3A_63, %scan3A_64 : i32
    %scan3A_66 = arith.constant 1 : i32
    %scan3A_67 = scf.for %scan3A_160 = %scan3A_63 to %scan3A_65 step %scan3A_66 iter_args(%scan3A_161 = %scan3A_62) -> (i32)  : i32 {
      %mul3A_162 = arith.constant 16 : i32
      %mul3A_163 = arith.muli %scan3A_160, %mul3A_162 : i32
      %get3A = arith.index_cast %mul3A_163 : i32 to index
      %get3A_164 = tpu.vector_load %arg6[%get3A] {strides = array<i32>} : memref<640xf32, #tpu.memory_space<vmem>>, vector<16xf32>,
      %get3A_165 = arith.index_cast %mul3A_163 : i32 to index
      %get3A_166 = tpu.vector_load %arg7[%get3A_165] {strides = array<i32>} : memref<640xf32, #tpu.memory_space<vmem>>, vector<16xf32>,
      %add3A_167 = arith.addf %get3A_164, %get3A_166 : vector<16xf32>
      %swap3A = arith.index_cast %mul3A_163 : i32 to index
      %swap3A_168 = tpu.vector_load %arg6[%swap3A] {strides = array<i32>} : memref<640xf32, #tpu.memory_space<vmem>>, vector<16xf32>,
      tpu.vector_store %arg6[%swap3A], %add3A_167 {strides = array<i32>} : memref<640xf32, #tpu.memory_space<vmem>>, vector<16xf32>,
      %scan3A_169 = arith.constant 0 : i32
      scf.yield %scan3A_169 : i32
    }
    %scan3A_68 = arith.constant 40 : i32
    %run_scoped3A_69 = arith.constant 5 : i32
    "tpu.region"() ({
      %run_scoped3A_160 = tpu.sem_alloc : memref<!tpu.dma_semaphore, #tpu.memory_space<semaphore_mem>>
      %dma_start3A = tpu.memref_slice %arg8[%run_scoped3A_69, %mul3A_22] : memref<16x10240xf32, #tpu.memory_space<vmem_shared>> -> memref<1x640xf32, #tpu.memory_space<vmem_shared>>
      %dma_start3A_161 = tpu.memref_squeeze %dma_start3A : memref<1x640xf32, #tpu.memory_space<vmem_shared>> -> memref<640xf32, #tpu.memory_space<vmem_shared>>
      %dma_start3A_162 = tpu.memref_slice %arg8[%run_scoped3A_69, %mul3A_22] : memref<16x10240xf32, #tpu.memory_space<vmem_shared>> -> memref<1x640xf32, #tpu.memory_space<vmem_shared>>
      %dma_start3A_163 = tpu.memref_squeeze %dma_start3A_162 : memref<1x640xf32, #tpu.memory_space<vmem_shared>> -> memref<640xf32, #tpu.memory_space<vmem_shared>>
      tpu.enqueue_dma source(%dma_start3A_163 : memref<640xf32, #tpu.memory_space<vmem_shared>>) target(%arg7 : memref<640xf32, #tpu.memory_space<vmem>>) target_semaphore(%run_scoped3A_160 : memref<!tpu.dma_semaphore, #tpu.memory_space<semaphore_mem>>)
      %dma_wait3A = tpu.memref_slice %arg8[%run_scoped3A_69, %mul3A_22] : memref<16x10240xf32, #tpu.memory_space<vmem_shared>> -> memref<1x640xf32, #tpu.memory_space<vmem_shared>>
      %dma_wait3A_164 = tpu.memref_squeeze %dma_wait3A : memref<1x640xf32, #tpu.memory_space<vmem_shared>> -> memref<640xf32, #tpu.memory_space<vmem_shared>>
      %dma_wait3A_165 = tpu.memref_slice %arg8[%run_scoped3A_69, %mul3A_22] : memref<16x10240xf32, #tpu.memory_space<vmem_shared>> -> memref<1x640xf32, #tpu.memory_space<vmem_shared>>
      %dma_wait3A_166 = tpu.memref_squeeze %dma_wait3A_165 : memref<1x640xf32, #tpu.memory_space<vmem_shared>> -> memref<640xf32, #tpu.memory_space<vmem_shared>>
      tpu.wait_dma2 semaphore(%run_scoped3A_160 : memref<!tpu.dma_semaphore, #tpu.memory_space<semaphore_mem>>) src(%dma_wait3A_166 : memref<640xf32, #tpu.memory_space<vmem_shared>>) dst(%arg7 : memref<640xf32, #tpu.memory_space<vmem>>)
      tpu.yield
    }) : () -> ()
    %scan3A_70 = arith.constant 0 : i32
    %scan3A_71 = arith.constant 0 : i32
    %scan3A_72 = arith.constant 40 : i32
    %scan3A_73 = arith.addi %scan3A_71, %scan3A_72 : i32
    %scan3A_74 = arith.constant 1 : i32
    %scan3A_75 = scf.for %scan3A_160 = %scan3A_71 to %scan3A_73 step %scan3A_74 iter_args(%scan3A_161 = %scan3A_70) -> (i32)  : i32 {
      %mul3A_162 = arith.constant 16 : i32
      %mul3A_163 = arith.muli %scan3A_160, %mul3A_162 : i32
      %get3A = arith.index_cast %mul3A_163 : i32 to index
      %get3A_164 = tpu.vector_load %arg6[%get3A] {strides = array<i32>} : memref<640xf32, #tpu.memory_space<vmem>>, vector<16xf32>,
      %get3A_165 = arith.index_cast %mul3A_163 : i32 to index
      %get3A_166 = tpu.vector_load %arg7[%get3A_165] {strides = array<i32>} : memref<640xf32, #tpu.memory_space<vmem>>, vector<16xf32>,
      %add3A_167 = arith.addf %get3A_164, %get3A_166 : vector<16xf32>
      %swap3A = arith.index_cast %mul3A_163 : i32 to index
      %swap3A_168 = tpu.vector_load %arg6[%swap3A] {strides = array<i32>} : memref<640xf32, #tpu.memory_space<vmem>>, vector<16xf32>,
      tpu.vector_store %arg6[%swap3A], %add3A_167 {strides = array<i32>} : memref<640xf32, #tpu.memory_space<vmem>>, vector<16xf32>,
      %scan3A_169 = arith.constant 0 : i32
      scf.yield %scan3A_169 : i32
    }
    %scan3A_76 = arith.constant 40 : i32
    %run_scoped3A_77 = arith.constant 6 : i32
    "tpu.region"() ({
      %run_scoped3A_160 = tpu.sem_alloc : memref<!tpu.dma_semaphore, #tpu.memory_space<semaphore_mem>>
      %dma_start3A = tpu.memref_slice %arg8[%run_scoped3A_77, %mul3A_22] : memref<16x10240xf32, #tpu.memory_space<vmem_shared>> -> memref<1x640xf32, #tpu.memory_space<vmem_shared>>
      %dma_start3A_161 = tpu.memref_squeeze %dma_start3A : memref<1x640xf32, #tpu.memory_space<vmem_shared>> -> memref<640xf32, #tpu.memory_space<vmem_shared>>
      %dma_start3A_162 = tpu.memref_slice %arg8[%run_scoped3A_77, %mul3A_22] : memref<16x10240xf32, #tpu.memory_space<vmem_shared>> -> memref<1x640xf32, #tpu.memory_space<vmem_shared>>
      %dma_start3A_163 = tpu.memref_squeeze %dma_start3A_162 : memref<1x640xf32, #tpu.memory_space<vmem_shared>> -> memref<640xf32, #tpu.memory_space<vmem_shared>>
      tpu.enqueue_dma source(%dma_start3A_163 : memref<640xf32, #tpu.memory_space<vmem_shared>>) target(%arg7 : memref<640xf32, #tpu.memory_space<vmem>>) target_semaphore(%run_scoped3A_160 : memref<!tpu.dma_semaphore, #tpu.memory_space<semaphore_mem>>)
      %dma_wait3A = tpu.memref_slice %arg8[%run_scoped3A_77, %mul3A_22] : memref<16x10240xf32, #tpu.memory_space<vmem_shared>> -> memref<1x640xf32, #tpu.memory_space<vmem_shared>>
      %dma_wait3A_164 = tpu.memref_squeeze %dma_wait3A : memref<1x640xf32, #tpu.memory_space<vmem_shared>> -> memref<640xf32, #tpu.memory_space<vmem_shared>>
      %dma_wait3A_165 = tpu.memref_slice %arg8[%run_scoped3A_77, %mul3A_22] : memref<16x10240xf32, #tpu.memory_space<vmem_shared>> -> memref<1x640xf32, #tpu.memory_space<vmem_shared>>
      %dma_wait3A_166 = tpu.memref_squeeze %dma_wait3A_165 : memref<1x640xf32, #tpu.memory_space<vmem_shared>> -> memref<640xf32, #tpu.memory_space<vmem_shared>>
      tpu.wait_dma2 semaphore(%run_scoped3A_160 : memref<!tpu.dma_semaphore, #tpu.memory_space<semaphore_mem>>) src(%dma_wait3A_166 : memref<640xf32, #tpu.memory_space<vmem_shared>>) dst(%arg7 : memref<640xf32, #tpu.memory_space<vmem>>)
      tpu.yield
    }) : () -> ()
    %scan3A_78 = arith.constant 0 : i32
    %scan3A_79 = arith.constant 0 : i32
    %scan3A_80 = arith.constant 40 : i32
    %scan3A_81 = arith.addi %scan3A_79, %scan3A_80 : i32
    %scan3A_82 = arith.constant 1 : i32
    %scan3A_83 = scf.for %scan3A_160 = %scan3A_79 to %scan3A_81 step %scan3A_82 iter_args(%scan3A_161 = %scan3A_78) -> (i32)  : i32 {
      %mul3A_162 = arith.constant 16 : i32
      %mul3A_163 = arith.muli %scan3A_160, %mul3A_162 : i32
      %get3A = arith.index_cast %mul3A_163 : i32 to index
      %get3A_164 = tpu.vector_load %arg6[%get3A] {strides = array<i32>} : memref<640xf32, #tpu.memory_space<vmem>>, vector<16xf32>,
      %get3A_165 = arith.index_cast %mul3A_163 : i32 to index
      %get3A_166 = tpu.vector_load %arg7[%get3A_165] {strides = array<i32>} : memref<640xf32, #tpu.memory_space<vmem>>, vector<16xf32>,
      %add3A_167 = arith.addf %get3A_164, %get3A_166 : vector<16xf32>
      %swap3A = arith.index_cast %mul3A_163 : i32 to index
      %swap3A_168 = tpu.vector_load %arg6[%swap3A] {strides = array<i32>} : memref<640xf32, #tpu.memory_space<vmem>>, vector<16xf32>,
      tpu.vector_store %arg6[%swap3A], %add3A_167 {strides = array<i32>} : memref<640xf32, #tpu.memory_space<vmem>>, vector<16xf32>,
      %scan3A_169 = arith.constant 0 : i32
      scf.yield %scan3A_169 : i32
    }
    %scan3A_84 = arith.constant 40 : i32
    %run_scoped3A_85 = arith.constant 7 : i32
    "tpu.region"() ({
      %run_scoped3A_160 = tpu.sem_alloc : memref<!tpu.dma_semaphore, #tpu.memory_space<semaphore_mem>>
      %dma_start3A = tpu.memref_slice %arg8[%run_scoped3A_85, %mul3A_22] : memref<16x10240xf32, #tpu.memory_space<vmem_shared>> -> memref<1x640xf32, #tpu.memory_space<vmem_shared>>
      %dma_start3A_161 = tpu.memref_squeeze %dma_start3A : memref<1x640xf32, #tpu.memory_space<vmem_shared>> -> memref<640xf32, #tpu.memory_space<vmem_shared>>
      %dma_start3A_162 = tpu.memref_slice %arg8[%run_scoped3A_85, %mul3A_22] : memref<16x10240xf32, #tpu.memory_space<vmem_shared>> -> memref<1x640xf32, #tpu.memory_space<vmem_shared>>
      %dma_start3A_163 = tpu.memref_squeeze %dma_start3A_162 : memref<1x640xf32, #tpu.memory_space<vmem_shared>> -> memref<640xf32, #tpu.memory_space<vmem_shared>>
      tpu.enqueue_dma source(%dma_start3A_163 : memref<640xf32, #tpu.memory_space<vmem_shared>>) target(%arg7 : memref<640xf32, #tpu.memory_space<vmem>>) target_semaphore(%run_scoped3A_160 : memref<!tpu.dma_semaphore, #tpu.memory_space<semaphore_mem>>)
      %dma_wait3A = tpu.memref_slice %arg8[%run_scoped3A_85, %mul3A_22] : memref<16x10240xf32, #tpu.memory_space<vmem_shared>> -> memref<1x640xf32, #tpu.memory_space<vmem_shared>>
      %dma_wait3A_164 = tpu.memref_squeeze %dma_wait3A : memref<1x640xf32, #tpu.memory_space<vmem_shared>> -> memref<640xf32, #tpu.memory_space<vmem_shared>>
      %dma_wait3A_165 = tpu.memref_slice %arg8[%run_scoped3A_85, %mul3A_22] : memref<16x10240xf32, #tpu.memory_space<vmem_shared>> -> memref<1x640xf32, #tpu.memory_space<vmem_shared>>
      %dma_wait3A_166 = tpu.memref_squeeze %dma_wait3A_165 : memref<1x640xf32, #tpu.memory_space<vmem_shared>> -> memref<640xf32, #tpu.memory_space<vmem_shared>>
      tpu.wait_dma2 semaphore(%run_scoped3A_160 : memref<!tpu.dma_semaphore, #tpu.memory_space<semaphore_mem>>) src(%dma_wait3A_166 : memref<640xf32, #tpu.memory_space<vmem_shared>>) dst(%arg7 : memref<640xf32, #tpu.memory_space<vmem>>)
      tpu.yield
    }) : () -> ()
    %scan3A_86 = arith.constant 0 : i32
    %scan3A_87 = arith.constant 0 : i32
    %scan3A_88 = arith.constant 40 : i32
    %scan3A_89 = arith.addi %scan3A_87, %scan3A_88 : i32
    %scan3A_90 = arith.constant 1 : i32
    %scan3A_91 = scf.for %scan3A_160 = %scan3A_87 to %scan3A_89 step %scan3A_90 iter_args(%scan3A_161 = %scan3A_86) -> (i32)  : i32 {
      %mul3A_162 = arith.constant 16 : i32
      %mul3A_163 = arith.muli %scan3A_160, %mul3A_162 : i32
      %get3A = arith.index_cast %mul3A_163 : i32 to index
      %get3A_164 = tpu.vector_load %arg6[%get3A] {strides = array<i32>} : memref<640xf32, #tpu.memory_space<vmem>>, vector<16xf32>,
      %get3A_165 = arith.index_cast %mul3A_163 : i32 to index
      %get3A_166 = tpu.vector_load %arg7[%get3A_165] {strides = array<i32>} : memref<640xf32, #tpu.memory_space<vmem>>, vector<16xf32>,
      %add3A_167 = arith.addf %get3A_164, %get3A_166 : vector<16xf32>
      %swap3A = arith.index_cast %mul3A_163 : i32 to index
      %swap3A_168 = tpu.vector_load %arg6[%swap3A] {strides = array<i32>} : memref<640xf32, #tpu.memory_space<vmem>>, vector<16xf32>,
      tpu.vector_store %arg6[%swap3A], %add3A_167 {strides = array<i32>} : memref<640xf32, #tpu.memory_space<vmem>>, vector<16xf32>,
      %scan3A_169 = arith.constant 0 : i32
      scf.yield %scan3A_169 : i32
    }
    %scan3A_92 = arith.constant 40 : i32
    %run_scoped3A_93 = arith.constant 8 : i32
    "tpu.region"() ({
      %run_scoped3A_160 = tpu.sem_alloc : memref<!tpu.dma_semaphore, #tpu.memory_space<semaphore_mem>>
      %dma_start3A = tpu.memref_slice %arg8[%run_scoped3A_93, %mul3A_22] : memref<16x10240xf32, #tpu.memory_space<vmem_shared>> -> memref<1x640xf32, #tpu.memory_space<vmem_shared>>
      %dma_start3A_161 = tpu.memref_squeeze %dma_start3A : memref<1x640xf32, #tpu.memory_space<vmem_shared>> -> memref<640xf32, #tpu.memory_space<vmem_shared>>
      %dma_start3A_162 = tpu.memref_slice %arg8[%run_scoped3A_93, %mul3A_22] : memref<16x10240xf32, #tpu.memory_space<vmem_shared>> -> memref<1x640xf32, #tpu.memory_space<vmem_shared>>
      %dma_start3A_163 = tpu.memref_squeeze %dma_start3A_162 : memref<1x640xf32, #tpu.memory_space<vmem_shared>> -> memref<640xf32, #tpu.memory_space<vmem_shared>>
      tpu.enqueue_dma source(%dma_start3A_163 : memref<640xf32, #tpu.memory_space<vmem_shared>>) target(%arg7 : memref<640xf32, #tpu.memory_space<vmem>>) target_semaphore(%run_scoped3A_160 : memref<!tpu.dma_semaphore, #tpu.memory_space<semaphore_mem>>)
      %dma_wait3A = tpu.memref_slice %arg8[%run_scoped3A_93, %mul3A_22] : memref<16x10240xf32, #tpu.memory_space<vmem_shared>> -> memref<1x640xf32, #tpu.memory_space<vmem_shared>>
      %dma_wait3A_164 = tpu.memref_squeeze %dma_wait3A : memref<1x640xf32, #tpu.memory_space<vmem_shared>> -> memref<640xf32, #tpu.memory_space<vmem_shared>>
      %dma_wait3A_165 = tpu.memref_slice %arg8[%run_scoped3A_93, %mul3A_22] : memref<16x10240xf32, #tpu.memory_space<vmem_shared>> -> memref<1x640xf32, #tpu.memory_space<vmem_shared>>
      %dma_wait3A_166 = tpu.memref_squeeze %dma_wait3A_165 : memref<1x640xf32, #tpu.memory_space<vmem_shared>> -> memref<640xf32, #tpu.memory_space<vmem_shared>>
      tpu.wait_dma2 semaphore(%run_scoped3A_160 : memref<!tpu.dma_semaphore, #tpu.memory_space<semaphore_mem>>) src(%dma_wait3A_166 : memref<640xf32, #tpu.memory_space<vmem_shared>>) dst(%arg7 : memref<640xf32, #tpu.memory_space<vmem>>)
      tpu.yield
    }) : () -> ()
    %scan3A_94 = arith.constant 0 : i32
    %scan3A_95 = arith.constant 0 : i32
    %scan3A_96 = arith.constant 40 : i32
    %scan3A_97 = arith.addi %scan3A_95, %scan3A_96 : i32
    %scan3A_98 = arith.constant 1 : i32
    %scan3A_99 = scf.for %scan3A_160 = %scan3A_95 to %scan3A_97 step %scan3A_98 iter_args(%scan3A_161 = %scan3A_94) -> (i32)  : i32 {
      %mul3A_162 = arith.constant 16 : i32
      %mul3A_163 = arith.muli %scan3A_160, %mul3A_162 : i32
      %get3A = arith.index_cast %mul3A_163 : i32 to index
      %get3A_164 = tpu.vector_load %arg6[%get3A] {strides = array<i32>} : memref<640xf32, #tpu.memory_space<vmem>>, vector<16xf32>,
      %get3A_165 = arith.index_cast %mul3A_163 : i32 to index
      %get3A_166 = tpu.vector_load %arg7[%get3A_165] {strides = array<i32>} : memref<640xf32, #tpu.memory_space<vmem>>, vector<16xf32>,
      %add3A_167 = arith.addf %get3A_164, %get3A_166 : vector<16xf32>
      %swap3A = arith.index_cast %mul3A_163 : i32 to index
      %swap3A_168 = tpu.vector_load %arg6[%swap3A] {strides = array<i32>} : memref<640xf32, #tpu.memory_space<vmem>>, vector<16xf32>,
      tpu.vector_store %arg6[%swap3A], %add3A_167 {strides = array<i32>} : memref<640xf32, #tpu.memory_space<vmem>>, vector<16xf32>,
      %scan3A_169 = arith.constant 0 : i32
      scf.yield %scan3A_169 : i32
    }
    %scan3A_100 = arith.constant 40 : i32
    %run_scoped3A_101 = arith.constant 9 : i32
    "tpu.region"() ({
      %run_scoped3A_160 = tpu.sem_alloc : memref<!tpu.dma_semaphore, #tpu.memory_space<semaphore_mem>>
      %dma_start3A = tpu.memref_slice %arg8[%run_scoped3A_101, %mul3A_22] : memref<16x10240xf32, #tpu.memory_space<vmem_shared>> -> memref<1x640xf32, #tpu.memory_space<vmem_shared>>
      %dma_start3A_161 = tpu.memref_squeeze %dma_start3A : memref<1x640xf32, #tpu.memory_space<vmem_shared>> -> memref<640xf32, #tpu.memory_space<vmem_shared>>
      %dma_start3A_162 = tpu.memref_slice %arg8[%run_scoped3A_101, %mul3A_22] : memref<16x10240xf32, #tpu.memory_space<vmem_shared>> -> memref<1x640xf32, #tpu.memory_space<vmem_shared>>
      %dma_start3A_163 = tpu.memref_squeeze %dma_start3A_162 : memref<1x640xf32, #tpu.memory_space<vmem_shared>> -> memref<640xf32, #tpu.memory_space<vmem_shared>>
      tpu.enqueue_dma source(%dma_start3A_163 : memref<640xf32, #tpu.memory_space<vmem_shared>>) target(%arg7 : memref<640xf32, #tpu.memory_space<vmem>>) target_semaphore(%run_scoped3A_160 : memref<!tpu.dma_semaphore, #tpu.memory_space<semaphore_mem>>)
      %dma_wait3A = tpu.memref_slice %arg8[%run_scoped3A_101, %mul3A_22] : memref<16x10240xf32, #tpu.memory_space<vmem_shared>> -> memref<1x640xf32, #tpu.memory_space<vmem_shared>>
      %dma_wait3A_164 = tpu.memref_squeeze %dma_wait3A : memref<1x640xf32, #tpu.memory_space<vmem_shared>> -> memref<640xf32, #tpu.memory_space<vmem_shared>>
      %dma_wait3A_165 = tpu.memref_slice %arg8[%run_scoped3A_101, %mul3A_22] : memref<16x10240xf32, #tpu.memory_space<vmem_shared>> -> memref<1x640xf32, #tpu.memory_space<vmem_shared>>
      %dma_wait3A_166 = tpu.memref_squeeze %dma_wait3A_165 : memref<1x640xf32, #tpu.memory_space<vmem_shared>> -> memref<640xf32, #tpu.memory_space<vmem_shared>>
      tpu.wait_dma2 semaphore(%run_scoped3A_160 : memref<!tpu.dma_semaphore, #tpu.memory_space<semaphore_mem>>) src(%dma_wait3A_166 : memref<640xf32, #tpu.memory_space<vmem_shared>>) dst(%arg7 : memref<640xf32, #tpu.memory_space<vmem>>)
      tpu.yield
    }) : () -> ()
    %scan3A_102 = arith.constant 0 : i32
    %scan3A_103 = arith.constant 0 : i32
    %scan3A_104 = arith.constant 40 : i32
    %scan3A_105 = arith.addi %scan3A_103, %scan3A_104 : i32
    %scan3A_106 = arith.constant 1 : i32
    %scan3A_107 = scf.for %scan3A_160 = %scan3A_103 to %scan3A_105 step %scan3A_106 iter_args(%scan3A_161 = %scan3A_102) -> (i32)  : i32 {
      %mul3A_162 = arith.constant 16 : i32
      %mul3A_163 = arith.muli %scan3A_160, %mul3A_162 : i32
      %get3A = arith.index_cast %mul3A_163 : i32 to index
      %get3A_164 = tpu.vector_load %arg6[%get3A] {strides = array<i32>} : memref<640xf32, #tpu.memory_space<vmem>>, vector<16xf32>,
      %get3A_165 = arith.index_cast %mul3A_163 : i32 to index
      %get3A_166 = tpu.vector_load %arg7[%get3A_165] {strides = array<i32>} : memref<640xf32, #tpu.memory_space<vmem>>, vector<16xf32>,
      %add3A_167 = arith.addf %get3A_164, %get3A_166 : vector<16xf32>
      %swap3A = arith.index_cast %mul3A_163 : i32 to index
      %swap3A_168 = tpu.vector_load %arg6[%swap3A] {strides = array<i32>} : memref<640xf32, #tpu.memory_space<vmem>>, vector<16xf32>,
      tpu.vector_store %arg6[%swap3A], %add3A_167 {strides = array<i32>} : memref<640xf32, #tpu.memory_space<vmem>>, vector<16xf32>,
      %scan3A_169 = arith.constant 0 : i32
      scf.yield %scan3A_169 : i32
    }
    %scan3A_108 = arith.constant 40 : i32
    %run_scoped3A_109 = arith.constant 10 : i32
    "tpu.region"() ({
      %run_scoped3A_160 = tpu.sem_alloc : memref<!tpu.dma_semaphore, #tpu.memory_space<semaphore_mem>>
      %dma_start3A = tpu.memref_slice %arg8[%run_scoped3A_109, %mul3A_22] : memref<16x10240xf32, #tpu.memory_space<vmem_shared>> -> memref<1x640xf32, #tpu.memory_space<vmem_shared>>
      %dma_start3A_161 = tpu.memref_squeeze %dma_start3A : memref<1x640xf32, #tpu.memory_space<vmem_shared>> -> memref<640xf32, #tpu.memory_space<vmem_shared>>
      %dma_start3A_162 = tpu.memref_slice %arg8[%run_scoped3A_109, %mul3A_22] : memref<16x10240xf32, #tpu.memory_space<vmem_shared>> -> memref<1x640xf32, #tpu.memory_space<vmem_shared>>
      %dma_start3A_163 = tpu.memref_squeeze %dma_start3A_162 : memref<1x640xf32, #tpu.memory_space<vmem_shared>> -> memref<640xf32, #tpu.memory_space<vmem_shared>>
      tpu.enqueue_dma source(%dma_start3A_163 : memref<640xf32, #tpu.memory_space<vmem_shared>>) target(%arg7 : memref<640xf32, #tpu.memory_space<vmem>>) target_semaphore(%run_scoped3A_160 : memref<!tpu.dma_semaphore, #tpu.memory_space<semaphore_mem>>)
      %dma_wait3A = tpu.memref_slice %arg8[%run_scoped3A_109, %mul3A_22] : memref<16x10240xf32, #tpu.memory_space<vmem_shared>> -> memref<1x640xf32, #tpu.memory_space<vmem_shared>>
      %dma_wait3A_164 = tpu.memref_squeeze %dma_wait3A : memref<1x640xf32, #tpu.memory_space<vmem_shared>> -> memref<640xf32, #tpu.memory_space<vmem_shared>>
      %dma_wait3A_165 = tpu.memref_slice %arg8[%run_scoped3A_109, %mul3A_22] : memref<16x10240xf32, #tpu.memory_space<vmem_shared>> -> memref<1x640xf32, #tpu.memory_space<vmem_shared>>
      %dma_wait3A_166 = tpu.memref_squeeze %dma_wait3A_165 : memref<1x640xf32, #tpu.memory_space<vmem_shared>> -> memref<640xf32, #tpu.memory_space<vmem_shared>>
      tpu.wait_dma2 semaphore(%run_scoped3A_160 : memref<!tpu.dma_semaphore, #tpu.memory_space<semaphore_mem>>) src(%dma_wait3A_166 : memref<640xf32, #tpu.memory_space<vmem_shared>>) dst(%arg7 : memref<640xf32, #tpu.memory_space<vmem>>)
      tpu.yield
    }) : () -> ()
    %scan3A_110 = arith.constant 0 : i32
    %scan3A_111 = arith.constant 0 : i32
    %scan3A_112 = arith.constant 40 : i32
    %scan3A_113 = arith.addi %scan3A_111, %scan3A_112 : i32
    %scan3A_114 = arith.constant 1 : i32
    %scan3A_115 = scf.for %scan3A_160 = %scan3A_111 to %scan3A_113 step %scan3A_114 iter_args(%scan3A_161 = %scan3A_110) -> (i32)  : i32 {
      %mul3A_162 = arith.constant 16 : i32
      %mul3A_163 = arith.muli %scan3A_160, %mul3A_162 : i32
      %get3A = arith.index_cast %mul3A_163 : i32 to index
      %get3A_164 = tpu.vector_load %arg6[%get3A] {strides = array<i32>} : memref<640xf32, #tpu.memory_space<vmem>>, vector<16xf32>,
      %get3A_165 = arith.index_cast %mul3A_163 : i32 to index
      %get3A_166 = tpu.vector_load %arg7[%get3A_165] {strides = array<i32>} : memref<640xf32, #tpu.memory_space<vmem>>, vector<16xf32>,
      %add3A_167 = arith.addf %get3A_164, %get3A_166 : vector<16xf32>
      %swap3A = arith.index_cast %mul3A_163 : i32 to index
      %swap3A_168 = tpu.vector_load %arg6[%swap3A] {strides = array<i32>} : memref<640xf32, #tpu.memory_space<vmem>>, vector<16xf32>,
      tpu.vector_store %arg6[%swap3A], %add3A_167 {strides = array<i32>} : memref<640xf32, #tpu.memory_space<vmem>>, vector<16xf32>,
      %scan3A_169 = arith.constant 0 : i32
      scf.yield %scan3A_169 : i32
    }
    %scan3A_116 = arith.constant 40 : i32
    %run_scoped3A_117 = arith.constant 11 : i32
    "tpu.region"() ({
      %run_scoped3A_160 = tpu.sem_alloc : memref<!tpu.dma_semaphore, #tpu.memory_space<semaphore_mem>>
      %dma_start3A = tpu.memref_slice %arg8[%run_scoped3A_117, %mul3A_22] : memref<16x10240xf32, #tpu.memory_space<vmem_shared>> -> memref<1x640xf32, #tpu.memory_space<vmem_shared>>
      %dma_start3A_161 = tpu.memref_squeeze %dma_start3A : memref<1x640xf32, #tpu.memory_space<vmem_shared>> -> memref<640xf32, #tpu.memory_space<vmem_shared>>
      %dma_start3A_162 = tpu.memref_slice %arg8[%run_scoped3A_117, %mul3A_22] : memref<16x10240xf32, #tpu.memory_space<vmem_shared>> -> memref<1x640xf32, #tpu.memory_space<vmem_shared>>
      %dma_start3A_163 = tpu.memref_squeeze %dma_start3A_162 : memref<1x640xf32, #tpu.memory_space<vmem_shared>> -> memref<640xf32, #tpu.memory_space<vmem_shared>>
      tpu.enqueue_dma source(%dma_start3A_163 : memref<640xf32, #tpu.memory_space<vmem_shared>>) target(%arg7 : memref<640xf32, #tpu.memory_space<vmem>>) target_semaphore(%run_scoped3A_160 : memref<!tpu.dma_semaphore, #tpu.memory_space<semaphore_mem>>)
      %dma_wait3A = tpu.memref_slice %arg8[%run_scoped3A_117, %mul3A_22] : memref<16x10240xf32, #tpu.memory_space<vmem_shared>> -> memref<1x640xf32, #tpu.memory_space<vmem_shared>>
      %dma_wait3A_164 = tpu.memref_squeeze %dma_wait3A : memref<1x640xf32, #tpu.memory_space<vmem_shared>> -> memref<640xf32, #tpu.memory_space<vmem_shared>>
      %dma_wait3A_165 = tpu.memref_slice %arg8[%run_scoped3A_117, %mul3A_22] : memref<16x10240xf32, #tpu.memory_space<vmem_shared>> -> memref<1x640xf32, #tpu.memory_space<vmem_shared>>
      %dma_wait3A_166 = tpu.memref_squeeze %dma_wait3A_165 : memref<1x640xf32, #tpu.memory_space<vmem_shared>> -> memref<640xf32, #tpu.memory_space<vmem_shared>>
      tpu.wait_dma2 semaphore(%run_scoped3A_160 : memref<!tpu.dma_semaphore, #tpu.memory_space<semaphore_mem>>) src(%dma_wait3A_166 : memref<640xf32, #tpu.memory_space<vmem_shared>>) dst(%arg7 : memref<640xf32, #tpu.memory_space<vmem>>)
      tpu.yield
    }) : () -> ()
    %scan3A_118 = arith.constant 0 : i32
    %scan3A_119 = arith.constant 0 : i32
    %scan3A_120 = arith.constant 40 : i32
    %scan3A_121 = arith.addi %scan3A_119, %scan3A_120 : i32
    %scan3A_122 = arith.constant 1 : i32
    %scan3A_123 = scf.for %scan3A_160 = %scan3A_119 to %scan3A_121 step %scan3A_122 iter_args(%scan3A_161 = %scan3A_118) -> (i32)  : i32 {
      %mul3A_162 = arith.constant 16 : i32
      %mul3A_163 = arith.muli %scan3A_160, %mul3A_162 : i32
      %get3A = arith.index_cast %mul3A_163 : i32 to index
      %get3A_164 = tpu.vector_load %arg6[%get3A] {strides = array<i32>} : memref<640xf32, #tpu.memory_space<vmem>>, vector<16xf32>,
      %get3A_165 = arith.index_cast %mul3A_163 : i32 to index
      %get3A_166 = tpu.vector_load %arg7[%get3A_165] {strides = array<i32>} : memref<640xf32, #tpu.memory_space<vmem>>, vector<16xf32>,
      %add3A_167 = arith.addf %get3A_164, %get3A_166 : vector<16xf32>
      %swap3A = arith.index_cast %mul3A_163 : i32 to index
      %swap3A_168 = tpu.vector_load %arg6[%swap3A] {strides = array<i32>} : memref<640xf32, #tpu.memory_space<vmem>>, vector<16xf32>,
      tpu.vector_store %arg6[%swap3A], %add3A_167 {strides = array<i32>} : memref<640xf32, #tpu.memory_space<vmem>>, vector<16xf32>,
      %scan3A_169 = arith.constant 0 : i32
      scf.yield %scan3A_169 : i32
    }
    %scan3A_124 = arith.constant 40 : i32
    %run_scoped3A_125 = arith.constant 12 : i32
    "tpu.region"() ({
      %run_scoped3A_160 = tpu.sem_alloc : memref<!tpu.dma_semaphore, #tpu.memory_space<semaphore_mem>>
      %dma_start3A = tpu.memref_slice %arg8[%run_scoped3A_125, %mul3A_22] : memref<16x10240xf32, #tpu.memory_space<vmem_shared>> -> memref<1x640xf32, #tpu.memory_space<vmem_shared>>
      %dma_start3A_161 = tpu.memref_squeeze %dma_start3A : memref<1x640xf32, #tpu.memory_space<vmem_shared>> -> memref<640xf32, #tpu.memory_space<vmem_shared>>
      %dma_start3A_162 = tpu.memref_slice %arg8[%run_scoped3A_125, %mul3A_22] : memref<16x10240xf32, #tpu.memory_space<vmem_shared>> -> memref<1x640xf32, #tpu.memory_space<vmem_shared>>
      %dma_start3A_163 = tpu.memref_squeeze %dma_start3A_162 : memref<1x640xf32, #tpu.memory_space<vmem_shared>> -> memref<640xf32, #tpu.memory_space<vmem_shared>>
      tpu.enqueue_dma source(%dma_start3A_163 : memref<640xf32, #tpu.memory_space<vmem_shared>>) target(%arg7 : memref<640xf32, #tpu.memory_space<vmem>>) target_semaphore(%run_scoped3A_160 : memref<!tpu.dma_semaphore, #tpu.memory_space<semaphore_mem>>)
      %dma_wait3A = tpu.memref_slice %arg8[%run_scoped3A_125, %mul3A_22] : memref<16x10240xf32, #tpu.memory_space<vmem_shared>> -> memref<1x640xf32, #tpu.memory_space<vmem_shared>>
      %dma_wait3A_164 = tpu.memref_squeeze %dma_wait3A : memref<1x640xf32, #tpu.memory_space<vmem_shared>> -> memref<640xf32, #tpu.memory_space<vmem_shared>>
      %dma_wait3A_165 = tpu.memref_slice %arg8[%run_scoped3A_125, %mul3A_22] : memref<16x10240xf32, #tpu.memory_space<vmem_shared>> -> memref<1x640xf32, #tpu.memory_space<vmem_shared>>
      %dma_wait3A_166 = tpu.memref_squeeze %dma_wait3A_165 : memref<1x640xf32, #tpu.memory_space<vmem_shared>> -> memref<640xf32, #tpu.memory_space<vmem_shared>>
      tpu.wait_dma2 semaphore(%run_scoped3A_160 : memref<!tpu.dma_semaphore, #tpu.memory_space<semaphore_mem>>) src(%dma_wait3A_166 : memref<640xf32, #tpu.memory_space<vmem_shared>>) dst(%arg7 : memref<640xf32, #tpu.memory_space<vmem>>)
      tpu.yield
    }) : () -> ()
    %scan3A_126 = arith.constant 0 : i32
    %scan3A_127 = arith.constant 0 : i32
    %scan3A_128 = arith.constant 40 : i32
    %scan3A_129 = arith.addi %scan3A_127, %scan3A_128 : i32
    %scan3A_130 = arith.constant 1 : i32
    %scan3A_131 = scf.for %scan3A_160 = %scan3A_127 to %scan3A_129 step %scan3A_130 iter_args(%scan3A_161 = %scan3A_126) -> (i32)  : i32 {
      %mul3A_162 = arith.constant 16 : i32
      %mul3A_163 = arith.muli %scan3A_160, %mul3A_162 : i32
      %get3A = arith.index_cast %mul3A_163 : i32 to index
      %get3A_164 = tpu.vector_load %arg6[%get3A] {strides = array<i32>} : memref<640xf32, #tpu.memory_space<vmem>>, vector<16xf32>,
      %get3A_165 = arith.index_cast %mul3A_163 : i32 to index
      %get3A_166 = tpu.vector_load %arg7[%get3A_165] {strides = array<i32>} : memref<640xf32, #tpu.memory_space<vmem>>, vector<16xf32>,
      %add3A_167 = arith.addf %get3A_164, %get3A_166 : vector<16xf32>
      %swap3A = arith.index_cast %mul3A_163 : i32 to index
      %swap3A_168 = tpu.vector_load %arg6[%swap3A] {strides = array<i32>} : memref<640xf32, #tpu.memory_space<vmem>>, vector<16xf32>,
      tpu.vector_store %arg6[%swap3A], %add3A_167 {strides = array<i32>} : memref<640xf32, #tpu.memory_space<vmem>>, vector<16xf32>,
      %scan3A_169 = arith.constant 0 : i32
      scf.yield %scan3A_169 : i32
    }
    %scan3A_132 = arith.constant 40 : i32
    %run_scoped3A_133 = arith.constant 13 : i32
    "tpu.region"() ({
      %run_scoped3A_160 = tpu.sem_alloc : memref<!tpu.dma_semaphore, #tpu.memory_space<semaphore_mem>>
      %dma_start3A = tpu.memref_slice %arg8[%run_scoped3A_133, %mul3A_22] : memref<16x10240xf32, #tpu.memory_space<vmem_shared>> -> memref<1x640xf32, #tpu.memory_space<vmem_shared>>
      %dma_start3A_161 = tpu.memref_squeeze %dma_start3A : memref<1x640xf32, #tpu.memory_space<vmem_shared>> -> memref<640xf32, #tpu.memory_space<vmem_shared>>
      %dma_start3A_162 = tpu.memref_slice %arg8[%run_scoped3A_133, %mul3A_22] : memref<16x10240xf32, #tpu.memory_space<vmem_shared>> -> memref<1x640xf32, #tpu.memory_space<vmem_shared>>
      %dma_start3A_163 = tpu.memref_squeeze %dma_start3A_162 : memref<1x640xf32, #tpu.memory_space<vmem_shared>> -> memref<640xf32, #tpu.memory_space<vmem_shared>>
      tpu.enqueue_dma source(%dma_start3A_163 : memref<640xf32, #tpu.memory_space<vmem_shared>>) target(%arg7 : memref<640xf32, #tpu.memory_space<vmem>>) target_semaphore(%run_scoped3A_160 : memref<!tpu.dma_semaphore, #tpu.memory_space<semaphore_mem>>)
      %dma_wait3A = tpu.memref_slice %arg8[%run_scoped3A_133, %mul3A_22] : memref<16x10240xf32, #tpu.memory_space<vmem_shared>> -> memref<1x640xf32, #tpu.memory_space<vmem_shared>>
      %dma_wait3A_164 = tpu.memref_squeeze %dma_wait3A : memref<1x640xf32, #tpu.memory_space<vmem_shared>> -> memref<640xf32, #tpu.memory_space<vmem_shared>>
      %dma_wait3A_165 = tpu.memref_slice %arg8[%run_scoped3A_133, %mul3A_22] : memref<16x10240xf32, #tpu.memory_space<vmem_shared>> -> memref<1x640xf32, #tpu.memory_space<vmem_shared>>
      %dma_wait3A_166 = tpu.memref_squeeze %dma_wait3A_165 : memref<1x640xf32, #tpu.memory_space<vmem_shared>> -> memref<640xf32, #tpu.memory_space<vmem_shared>>
      tpu.wait_dma2 semaphore(%run_scoped3A_160 : memref<!tpu.dma_semaphore, #tpu.memory_space<semaphore_mem>>) src(%dma_wait3A_166 : memref<640xf32, #tpu.memory_space<vmem_shared>>) dst(%arg7 : memref<640xf32, #tpu.memory_space<vmem>>)
      tpu.yield
    }) : () -> ()
    %scan3A_134 = arith.constant 0 : i32
    %scan3A_135 = arith.constant 0 : i32
    %scan3A_136 = arith.constant 40 : i32
    %scan3A_137 = arith.addi %scan3A_135, %scan3A_136 : i32
    %scan3A_138 = arith.constant 1 : i32
    %scan3A_139 = scf.for %scan3A_160 = %scan3A_135 to %scan3A_137 step %scan3A_138 iter_args(%scan3A_161 = %scan3A_134) -> (i32)  : i32 {
      %mul3A_162 = arith.constant 16 : i32
      %mul3A_163 = arith.muli %scan3A_160, %mul3A_162 : i32
      %get3A = arith.index_cast %mul3A_163 : i32 to index
      %get3A_164 = tpu.vector_load %arg6[%get3A] {strides = array<i32>} : memref<640xf32, #tpu.memory_space<vmem>>, vector<16xf32>,
      %get3A_165 = arith.index_cast %mul3A_163 : i32 to index
      %get3A_166 = tpu.vector_load %arg7[%get3A_165] {strides = array<i32>} : memref<640xf32, #tpu.memory_space<vmem>>, vector<16xf32>,
      %add3A_167 = arith.addf %get3A_164, %get3A_166 : vector<16xf32>
      %swap3A = arith.index_cast %mul3A_163 : i32 to index
      %swap3A_168 = tpu.vector_load %arg6[%swap3A] {strides = array<i32>} : memref<640xf32, #tpu.memory_space<vmem>>, vector<16xf32>,
      tpu.vector_store %arg6[%swap3A], %add3A_167 {strides = array<i32>} : memref<640xf32, #tpu.memory_space<vmem>>, vector<16xf32>,
      %scan3A_169 = arith.constant 0 : i32
      scf.yield %scan3A_169 : i32
    }
    %scan3A_140 = arith.constant 40 : i32
    %run_scoped3A_141 = arith.constant 14 : i32
    "tpu.region"() ({
      %run_scoped3A_160 = tpu.sem_alloc : memref<!tpu.dma_semaphore, #tpu.memory_space<semaphore_mem>>
      %dma_start3A = tpu.memref_slice %arg8[%run_scoped3A_141, %mul3A_22] : memref<16x10240xf32, #tpu.memory_space<vmem_shared>> -> memref<1x640xf32, #tpu.memory_space<vmem_shared>>
      %dma_start3A_161 = tpu.memref_squeeze %dma_start3A : memref<1x640xf32, #tpu.memory_space<vmem_shared>> -> memref<640xf32, #tpu.memory_space<vmem_shared>>
      %dma_start3A_162 = tpu.memref_slice %arg8[%run_scoped3A_141, %mul3A_22] : memref<16x10240xf32, #tpu.memory_space<vmem_shared>> -> memref<1x640xf32, #tpu.memory_space<vmem_shared>>
      %dma_start3A_163 = tpu.memref_squeeze %dma_start3A_162 : memref<1x640xf32, #tpu.memory_space<vmem_shared>> -> memref<640xf32, #tpu.memory_space<vmem_shared>>
      tpu.enqueue_dma source(%dma_start3A_163 : memref<640xf32, #tpu.memory_space<vmem_shared>>) target(%arg7 : memref<640xf32, #tpu.memory_space<vmem>>) target_semaphore(%run_scoped3A_160 : memref<!tpu.dma_semaphore, #tpu.memory_space<semaphore_mem>>)
      %dma_wait3A = tpu.memref_slice %arg8[%run_scoped3A_141, %mul3A_22] : memref<16x10240xf32, #tpu.memory_space<vmem_shared>> -> memref<1x640xf32, #tpu.memory_space<vmem_shared>>
      %dma_wait3A_164 = tpu.memref_squeeze %dma_wait3A : memref<1x640xf32, #tpu.memory_space<vmem_shared>> -> memref<640xf32, #tpu.memory_space<vmem_shared>>
      %dma_wait3A_165 = tpu.memref_slice %arg8[%run_scoped3A_141, %mul3A_22] : memref<16x10240xf32, #tpu.memory_space<vmem_shared>> -> memref<1x640xf32, #tpu.memory_space<vmem_shared>>
      %dma_wait3A_166 = tpu.memref_squeeze %dma_wait3A_165 : memref<1x640xf32, #tpu.memory_space<vmem_shared>> -> memref<640xf32, #tpu.memory_space<vmem_shared>>
      tpu.wait_dma2 semaphore(%run_scoped3A_160 : memref<!tpu.dma_semaphore, #tpu.memory_space<semaphore_mem>>) src(%dma_wait3A_166 : memref<640xf32, #tpu.memory_space<vmem_shared>>) dst(%arg7 : memref<640xf32, #tpu.memory_space<vmem>>)
      tpu.yield
    }) : () -> ()
    %scan3A_142 = arith.constant 0 : i32
    %scan3A_143 = arith.constant 0 : i32
    %scan3A_144 = arith.constant 40 : i32
    %scan3A_145 = arith.addi %scan3A_143, %scan3A_144 : i32
    %scan3A_146 = arith.constant 1 : i32
    %scan3A_147 = scf.for %scan3A_160 = %scan3A_143 to %scan3A_145 step %scan3A_146 iter_args(%scan3A_161 = %scan3A_142) -> (i32)  : i32 {
      %mul3A_162 = arith.constant 16 : i32
      %mul3A_163 = arith.muli %scan3A_160, %mul3A_162 : i32
      %get3A = arith.index_cast %mul3A_163 : i32 to index
      %get3A_164 = tpu.vector_load %arg6[%get3A] {strides = array<i32>} : memref<640xf32, #tpu.memory_space<vmem>>, vector<16xf32>,
      %get3A_165 = arith.index_cast %mul3A_163 : i32 to index
      %get3A_166 = tpu.vector_load %arg7[%get3A_165] {strides = array<i32>} : memref<640xf32, #tpu.memory_space<vmem>>, vector<16xf32>,
      %add3A_167 = arith.addf %get3A_164, %get3A_166 : vector<16xf32>
      %swap3A = arith.index_cast %mul3A_163 : i32 to index
      %swap3A_168 = tpu.vector_load %arg6[%swap3A] {strides = array<i32>} : memref<640xf32, #tpu.memory_space<vmem>>, vector<16xf32>,
      tpu.vector_store %arg6[%swap3A], %add3A_167 {strides = array<i32>} : memref<640xf32, #tpu.memory_space<vmem>>, vector<16xf32>,
      %scan3A_169 = arith.constant 0 : i32
      scf.yield %scan3A_169 : i32
    }
    %scan3A_148 = arith.constant 40 : i32
    %run_scoped3A_149 = arith.constant 15 : i32
    "tpu.region"() ({
      %run_scoped3A_160 = tpu.sem_alloc : memref<!tpu.dma_semaphore, #tpu.memory_space<semaphore_mem>>
      %dma_start3A = tpu.memref_slice %arg8[%run_scoped3A_149, %mul3A_22] : memref<16x10240xf32, #tpu.memory_space<vmem_shared>> -> memref<1x640xf32, #tpu.memory_space<vmem_shared>>
      %dma_start3A_161 = tpu.memref_squeeze %dma_start3A : memref<1x640xf32, #tpu.memory_space<vmem_shared>> -> memref<640xf32, #tpu.memory_space<vmem_shared>>
      %dma_start3A_162 = tpu.memref_slice %arg8[%run_scoped3A_149, %mul3A_22] : memref<16x10240xf32, #tpu.memory_space<vmem_shared>> -> memref<1x640xf32, #tpu.memory_space<vmem_shared>>
      %dma_start3A_163 = tpu.memref_squeeze %dma_start3A_162 : memref<1x640xf32, #tpu.memory_space<vmem_shared>> -> memref<640xf32, #tpu.memory_space<vmem_shared>>
      tpu.enqueue_dma source(%dma_start3A_163 : memref<640xf32, #tpu.memory_space<vmem_shared>>) target(%arg7 : memref<640xf32, #tpu.memory_space<vmem>>) target_semaphore(%run_scoped3A_160 : memref<!tpu.dma_semaphore, #tpu.memory_space<semaphore_mem>>)
      %dma_wait3A = tpu.memref_slice %arg8[%run_scoped3A_149, %mul3A_22] : memref<16x10240xf32, #tpu.memory_space<vmem_shared>> -> memref<1x640xf32, #tpu.memory_space<vmem_shared>>
      %dma_wait3A_164 = tpu.memref_squeeze %dma_wait3A : memref<1x640xf32, #tpu.memory_space<vmem_shared>> -> memref<640xf32, #tpu.memory_space<vmem_shared>>
      %dma_wait3A_165 = tpu.memref_slice %arg8[%run_scoped3A_149, %mul3A_22] : memref<16x10240xf32, #tpu.memory_space<vmem_shared>> -> memref<1x640xf32, #tpu.memory_space<vmem_shared>>
      %dma_wait3A_166 = tpu.memref_squeeze %dma_wait3A_165 : memref<1x640xf32, #tpu.memory_space<vmem_shared>> -> memref<640xf32, #tpu.memory_space<vmem_shared>>
      tpu.wait_dma2 semaphore(%run_scoped3A_160 : memref<!tpu.dma_semaphore, #tpu.memory_space<semaphore_mem>>) src(%dma_wait3A_166 : memref<640xf32, #tpu.memory_space<vmem_shared>>) dst(%arg7 : memref<640xf32, #tpu.memory_space<vmem>>)
      tpu.yield
    }) : () -> ()
    %scan3A_150 = arith.constant 0 : i32
    %scan3A_151 = arith.constant 0 : i32
    %scan3A_152 = arith.constant 40 : i32
    %scan3A_153 = arith.addi %scan3A_151, %scan3A_152 : i32
    %scan3A_154 = arith.constant 1 : i32
    %scan3A_155 = scf.for %scan3A_160 = %scan3A_151 to %scan3A_153 step %scan3A_154 iter_args(%scan3A_161 = %scan3A_150) -> (i32)  : i32 {
      %mul3A_162 = arith.constant 16 : i32
      %mul3A_163 = arith.muli %scan3A_160, %mul3A_162 : i32
      %get3A = arith.index_cast %mul3A_163 : i32 to index
      %get3A_164 = tpu.vector_load %arg6[%get3A] {strides = array<i32>} : memref<640xf32, #tpu.memory_space<vmem>>, vector<16xf32>,
      %get3A_165 = arith.index_cast %mul3A_163 : i32 to index
      %get3A_166 = tpu.vector_load %arg7[%get3A_165] {strides = array<i32>} : memref<640xf32, #tpu.memory_space<vmem>>, vector<16xf32>,
      %add3A_167 = arith.addf %get3A_164, %get3A_166 : vector<16xf32>
      %swap3A = arith.index_cast %mul3A_163 : i32 to index
      %swap3A_168 = tpu.vector_load %arg6[%swap3A] {strides = array<i32>} : memref<640xf32, #tpu.memory_space<vmem>>, vector<16xf32>,
      tpu.vector_store %arg6[%swap3A], %add3A_167 {strides = array<i32>} : memref<640xf32, #tpu.memory_space<vmem>>, vector<16xf32>,
      %scan3A_169 = arith.constant 0 : i32
      scf.yield %scan3A_169 : i32
    }
    %scan3A_156 = arith.constant 40 : i32
    %mul3A_157 = arith.constant 10240 : i32
    %mul3A_158 = arith.muli %arg0, %mul3A_157 : i32
    %add3A_159 = arith.addi %mul3A_158, %mul3A_22 : i32
    "tpu.region"() ({
      %run_scoped3A_160 = tpu.sem_alloc : memref<!tpu.dma_semaphore, #tpu.memory_space<semaphore_mem>>
      %dma_start3A = tpu.memref_slice %arg3[%add3A_159] : memref<20480xf32, #tpu.memory_space<hbm>> -> memref<640xf32, #tpu.memory_space<hbm>>
      %dma_start3A_161 = tpu.memref_slice %arg3[%add3A_159] : memref<20480xf32, #tpu.memory_space<hbm>> -> memref<640xf32, #tpu.memory_space<hbm>>
      tpu.enqueue_dma source(%arg6 : memref<640xf32, #tpu.memory_space<vmem>>) target(%dma_start3A_161 : memref<640xf32, #tpu.memory_space<hbm>>) target_semaphore(%run_scoped3A_160 : memref<!tpu.dma_semaphore, #tpu.memory_space<semaphore_mem>>)
      %dma_wait3A = tpu.memref_slice %arg3[%add3A_159] : memref<20480xf32, #tpu.memory_space<hbm>> -> memref<640xf32, #tpu.memory_space<hbm>>
      %dma_wait3A_162 = tpu.memref_slice %arg3[%add3A_159] : memref<20480xf32, #tpu.memory_space<hbm>> -> memref<640xf32, #tpu.memory_space<hbm>>
      tpu.wait_dma2 semaphore(%run_scoped3A_160 : memref<!tpu.dma_semaphore, #tpu.memory_space<semaphore_mem>>) src(%arg6 : memref<640xf32, #tpu.memory_space<vmem>>) dst(%dma_wait3A_162 : memref<640xf32, #tpu.memory_space<hbm>>)
      tpu.yield
    }) : () -> ()
    return
  }
}

module attributes {stable_mosaic.version = 14 : i64} {
  func.func @_tc_mid_body(%arg0: memref<2x10240xf32, #tpu.memory_space<vmem>>, %arg1: memref<10240x128xf32, #tpu.memory_space<vmem>>, %arg2: memref<1x10240xf32, #tpu.memory_space<vmem>>, %arg3: memref<10240x128xf32, #tpu.memory_space<vmem>>) attributes {dimension_semantics = [], scalar_prefetch = 0 : i64, scratch_operands = 0 : i64, tpu.core_type = #tpu.core_type<tc>} {
    %get3A = arith.constant 0 : index
    %get3A_0 = arith.constant 0 : index
    %get3A_1 = vector.load %arg0[%get3A, %get3A_0] : memref<2x10240xf32, #tpu.memory_space<vmem>>, vector<1x10240xf32>
    %get3A_2 = arith.constant 1 : index
    %get3A_3 = arith.constant 0 : index
    %get3A_4 = vector.load %arg0[%get3A_2, %get3A_3] : memref<2x10240xf32, #tpu.memory_space<vmem>>, vector<1x10240xf32>
    %add3A = arith.addf %get3A_1, %get3A_4 : vector<1x10240xf32>
    %add3A_5 = arith.constant 1.000000e+00 : f32
    %add3A_6 = vector.broadcast %add3A_5 : f32 to vector<1x10240xf32>
    %add3A_7 = arith.addf %add3A, %add3A_6 : vector<1x10240xf32>
    %rsqrt3A = math.rsqrt %add3A_7 : vector<1x10240xf32>
    %swap3A = arith.constant 0 : index
    %swap3A_8 = arith.constant 0 : index
    %swap3A_9 = vector.load %arg2[%swap3A, %swap3A_8] : memref<1x10240xf32, #tpu.memory_space<vmem>>, vector<1x10240xf32>
    tpu.vector_store %arg2[%swap3A, %swap3A_8], %rsqrt3A {strides = array<i32>} : memref<1x10240xf32, #tpu.memory_space<vmem>>, vector<1x10240xf32>,
    %get3A_10 = arith.constant 0 : index
    %get3A_11 = arith.constant 0 : index
    %get3A_12 = vector.load %arg1[%get3A_10, %get3A_11] : memref<10240x128xf32, #tpu.memory_space<vmem>>, vector<10240x128xf32>
    %reshape3A = vector.shape_cast %rsqrt3A : vector<1x10240xf32> to vector<10240x1xf32>
    %mul3A = vector.broadcast %reshape3A : vector<10240x1xf32> to vector<10240x128xf32>
    %mul3A_13 = arith.mulf %get3A_12, %mul3A : vector<10240x128xf32>
    %swap3A_14 = arith.constant 0 : index
    %swap3A_15 = arith.constant 0 : index
    %swap3A_16 = vector.load %arg3[%swap3A_14, %swap3A_15] : memref<10240x128xf32, #tpu.memory_space<vmem>>, vector<10240x128xf32>
    tpu.vector_store %arg3[%swap3A_14, %swap3A_15], %mul3A_13 {strides = array<i32>} : memref<10240x128xf32, #tpu.memory_space<vmem>>, vector<10240x128xf32>,
    return
  }
}

module attributes {stable_mosaic.version = 14 : i64} {
  func.func @_tc_h1_body(%arg0: memref<10000x128xf32, #tpu.memory_space<vmem>>, %arg1: memref<128x60xf32, #tpu.memory_space<vmem>>, %arg2: memref<10240x128xf32, #tpu.memory_space<vmem>>) attributes {dimension_semantics = [], scalar_prefetch = 0 : i64, scratch_operands = 0 : i64, tpu.core_type = #tpu.core_type<tc>} {
    %get3A = arith.constant 0 : index
    %get3A_0 = arith.constant 0 : index
    %get3A_1 = vector.load %arg0[%get3A, %get3A_0] : memref<10000x128xf32, #tpu.memory_space<vmem>>, vector<10000x128xf32>
    %convert_element_type3A = arith.truncf %get3A_1 : vector<10000x128xf32> to vector<10000x128xbf16>
    %convert_element_type3A_2 = arith.extf %convert_element_type3A : vector<10000x128xbf16> to vector<10000x128xf32>
    %get3A_3 = arith.constant 0 : index
    %get3A_4 = arith.constant 0 : index
    %get3A_5 = vector.load %arg1[%get3A_3, %get3A_4] : memref<128x60xf32, #tpu.memory_space<vmem>>, vector<128x60xf32>
    %convert_element_type3A_6 = arith.truncf %get3A_5 : vector<128x60xf32> to vector<128x60xbf16>
    %convert_element_type3A_7 = arith.extf %convert_element_type3A_6 : vector<128x60xbf16> to vector<128x60xf32>
    %dot_general3A = arith.constant dense<0.000000e+00> : vector<10000x60xf32>
    %dot_general3A_8 = tpu.matmul %convert_element_type3A_2, %convert_element_type3A_7, %dot_general3A {dimension_numbers = #tpu.dot_dimension_numbers<[1], [0], [0], [1], [0, 0, 1, 1], [], []>, precision = #tpu.contract_precision<fp32>, transpose_lhs_hint = false} : vector<10000x128xf32>, vector<128x60xf32>, vector<10000x60xf32> -> vector<10000x60xf32>
    %jit3A = arith.constant 0 : i32
    %convert_element_type3A_9 = arith.sitofp %jit3A : i32 to f32
    %pad3A = vector.broadcast %convert_element_type3A_9 : f32 to vector<240x60xf32>
    %pad3A_10 = tpu.concatenate %dot_general3A_8, %pad3A in 0 : vector<10000x60xf32>, vector<240x60xf32> -> vector<10240x60xf32>
    %pad3A_11 = vector.broadcast %convert_element_type3A_9 : f32 to vector<10240x68xf32>
    %pad3A_12 = tpu.concatenate %pad3A_10, %pad3A_11 in 1 : vector<10240x60xf32>, vector<10240x68xf32> -> vector<10240x128xf32>
    %swap3A = arith.constant 0 : index
    %swap3A_13 = arith.constant 0 : index
    %swap3A_14 = vector.load %arg2[%swap3A, %swap3A_13] : memref<10240x128xf32, #tpu.memory_space<vmem>>, vector<10240x128xf32>
    tpu.vector_store %arg2[%swap3A, %swap3A_13], %pad3A_12 {strides = array<i32>} : memref<10240x128xf32, #tpu.memory_space<vmem>>, vector<10240x128xf32>,
    return
  }
}

module attributes {stable_mosaic.version = 14 : i64} {
  func.func @_tc_fin_body(%arg0: memref<2x10240x128xf32, #tpu.memory_space<vmem>>, %arg1: memref<10240x128xf32, #tpu.memory_space<vmem>>, %arg2: memref<1x10240xf32, #tpu.memory_space<vmem>>, %arg3: memref<2x64x10240xf32, #tpu.memory_space<vmem>>, %arg4: memref<10000xi32, #tpu.memory_space<vmem>>, %arg5: memref<60xf32, #tpu.memory_space<vmem>>, %arg6: memref<60x50xf32, #tpu.memory_space<vmem>>, %arg7: memref<50xf32, #tpu.memory_space<vmem>>, %arg8: memref<50x40xf32, #tpu.memory_space<vmem>>, %arg9: memref<40xf32, #tpu.memory_space<vmem>>, %arg10: memref<40x20xf32, #tpu.memory_space<vmem>>, %arg11: memref<20xf32, #tpu.memory_space<vmem>>, %arg12: memref<20x1xf32, #tpu.memory_space<vmem>>, %arg13: memref<1xf32, #tpu.memory_space<vmem>>, %arg14: memref<64x1xf32, #tpu.memory_space<vmem>>) attributes {dimension_semantics = [], scalar_prefetch = 0 : i64, scratch_operands = 0 : i64, tpu.core_type = #tpu.core_type<tc>} {
    %get3A = arith.constant 0 : index
    %get3A_0 = arith.constant 0 : index
    %get3A_1 = vector.load %arg2[%get3A, %get3A_0] : memref<1x10240xf32, #tpu.memory_space<vmem>>, vector<1x10240xf32>
    %get3A_2 = vector.shape_cast %get3A_1 : vector<1x10240xf32> to vector<10240xf32>
    %get3A_3 = arith.constant 0 : index
    %get3A_4 = arith.constant 0 : index
    %get3A_5 = arith.constant 0 : index
    %get3A_6 = vector.load %arg0[%get3A_3, %get3A_4, %get3A_5] : memref<2x10240x128xf32, #tpu.memory_space<vmem>>, vector<1x10240x128xf32>
    %get3A_7 = vector.shape_cast %get3A_6 : vector<1x10240x128xf32> to vector<10240x128xf32>
    %get3A_8 = arith.constant 1 : index
    %get3A_9 = arith.constant 0 : index
    %get3A_10 = arith.constant 0 : index
    %get3A_11 = vector.load %arg0[%get3A_8, %get3A_9, %get3A_10] : memref<2x10240x128xf32, #tpu.memory_space<vmem>>, vector<1x10240x128xf32>
    %get3A_12 = vector.shape_cast %get3A_11 : vector<1x10240x128xf32> to vector<10240x128xf32>
    %add3A = arith.addf %get3A_7, %get3A_12 : vector<10240x128xf32>
    %get3A_13 = arith.constant 0 : index
    %get3A_14 = arith.constant 0 : index
    %get3A_15 = vector.load %arg1[%get3A_13, %get3A_14] : memref<10240x128xf32, #tpu.memory_space<vmem>>, vector<10240x128xf32>
    %add3A_16 = arith.addf %add3A, %get3A_15 : vector<10240x128xf32>
    %iota3A = tpu.iota {dimensions = array<i32: 1>} : vector<1x128xi32>
    %lt3A = arith.constant 60 : i32
    %lt3A_17 = vector.broadcast %lt3A : i32 to vector<1x128xi32>
    %lt3A_18 = arith.cmpi slt, %iota3A, %lt3A_17 : vector<1x128xi32>
    %get3A_19 = arith.constant 0 : index
    %get3A_20 = vector.load %arg5[%get3A_19] : memref<60xf32, #tpu.memory_space<vmem>>, vector<60xf32>
    %jit3A = arith.constant 0 : i32
    %convert_element_type3A = arith.sitofp %jit3A : i32 to f32
    %pad3A = vector.broadcast %convert_element_type3A : f32 to vector<68xf32>
    %pad3A_21 = tpu.concatenate %get3A_20, %pad3A in 0 : vector<60xf32>, vector<68xf32> -> vector<128xf32>
    %broadcast_in_dim3A = vector.shape_cast %pad3A_21 : vector<128xf32> to vector<1x128xf32>
    %jit3A_22 = arith.constant 0.000000e+00 : f32
    %broadcast_in_dim3A_23 = vector.broadcast %jit3A_22 : f32 to vector<1x128xf32>
    %select_n3A = arith.select %lt3A_18, %broadcast_in_dim3A, %broadcast_in_dim3A_23 : vector<1x128xi1>, vector<1x128xf32>
    %broadcast_in_dim3A_24 = vector.shape_cast %get3A_2 : vector<10240xf32> to vector<10240x1xf32>
    %mul3A = vector.broadcast %broadcast_in_dim3A_24 : vector<10240x1xf32> to vector<10240x128xf32>
    %mul3A_25 = arith.mulf %add3A_16, %mul3A : vector<10240x128xf32>
    %add3A_26 = vector.broadcast %select_n3A : vector<1x128xf32> to vector<10240x128xf32>
    %add3A_27 = arith.addf %mul3A_25, %add3A_26 : vector<10240x128xf32>
    %convert_element_type3A_28 = arith.truncf %add3A_27 : vector<10240x128xf32> to vector<10240x128xbf16>
    %convert_element_type3A_29 = arith.extf %convert_element_type3A_28 : vector<10240x128xbf16> to vector<10240x128xf32>
    %iota3A_30 = tpu.iota {dimensions = array<i32: 0>} : vector<64x10240xi32>
    %iota3A_31 = tpu.iota {dimensions = array<i32: 1>} : vector<64x10240xi32>
    %get3A_32 = arith.constant 0 : index
    %get3A_33 = vector.load %arg4[%get3A_32] : memref<10000xi32, #tpu.memory_space<vmem>>, vector<10000xi32>
    %jit3A_34 = arith.constant -1 : i32
    %pad3A_35 = vector.broadcast %jit3A_34 : i32 to vector<240xi32>
    %pad3A_36 = tpu.concatenate %get3A_33, %pad3A_35 in 0 : vector<10000xi32>, vector<240xi32> -> vector<10240xi32>
    %broadcast_in_dim3A_37 = vector.shape_cast %pad3A_36 : vector<10240xi32> to vector<1x10240xi32>
    %eq3A = vector.broadcast %broadcast_in_dim3A_37 : vector<1x10240xi32> to vector<64x10240xi32>
    %eq3A_38 = arith.cmpi eq, %iota3A_30, %eq3A : vector<64x10240xi32>
    %lt3A_39 = arith.constant 10000 : i32
    %lt3A_40 = vector.broadcast %lt3A_39 : i32 to vector<64x10240xi32>
    %lt3A_41 = arith.cmpi slt, %iota3A_31, %lt3A_40 : vector<64x10240xi32>
    %and3A = arith.andi %eq3A_38, %lt3A_41 : vector<64x10240xi1>
    %jit3A_42 = arith.constant 1.000000e+00 : f32
    %jit3A_43 = arith.constant 0.000000e+00 : f32
    %broadcast_in_dim3A_44 = vector.broadcast %jit3A_42 : f32 to vector<64x10240xf32>
    %broadcast_in_dim3A_45 = vector.broadcast %jit3A_43 : f32 to vector<64x10240xf32>
    %select_n3A_46 = arith.select %and3A, %broadcast_in_dim3A_44, %broadcast_in_dim3A_45 : vector<64x10240xi1>, vector<64x10240xf32>
    %get3A_47 = arith.constant 0 : index
    %get3A_48 = arith.constant 0 : index
    %get3A_49 = arith.constant 0 : index
    %get3A_50 = vector.load %arg3[%get3A_47, %get3A_48, %get3A_49] : memref<2x64x10240xf32, #tpu.memory_space<vmem>>, vector<1x64x10240xf32>
    %get3A_51 = vector.shape_cast %get3A_50 : vector<1x64x10240xf32> to vector<64x10240xf32>
    %get3A_52 = arith.constant 1 : index
    %get3A_53 = arith.constant 0 : index
    %get3A_54 = arith.constant 0 : index
    %get3A_55 = vector.load %arg3[%get3A_52, %get3A_53, %get3A_54] : memref<2x64x10240xf32, #tpu.memory_space<vmem>>, vector<1x64x10240xf32>
    %get3A_56 = vector.shape_cast %get3A_55 : vector<1x64x10240xf32> to vector<64x10240xf32>
    %add3A_57 = arith.addf %get3A_51, %get3A_56 : vector<64x10240xf32>
    %mul3A_58 = arith.mulf %get3A_2, %get3A_2 : vector<10240xf32>
    %broadcast_in_dim3A_59 = vector.shape_cast %mul3A_58 : vector<10240xf32> to vector<1x10240xf32>
    %mul3A_60 = vector.broadcast %broadcast_in_dim3A_59 : vector<1x10240xf32> to vector<64x10240xf32>
    %mul3A_61 = arith.mulf %select_n3A_46, %mul3A_60 : vector<64x10240xf32>
    %add3A_62 = arith.addf %add3A_57, %mul3A_61 : vector<64x10240xf32>
    %dot_general3A = arith.constant dense<0.000000e+00> : vector<64x128xf32>
    %dot_general3A_63 = tpu.matmul %add3A_62, %convert_element_type3A_29, %dot_general3A {dimension_numbers = #tpu.dot_dimension_numbers<[1], [0], [0], [1], [0, 0, 1, 1], [], []>, precision = #tpu.contract_precision<fp32>, transpose_lhs_hint = false} : vector<64x10240xf32>, vector<10240x128xf32>, vector<64x128xf32> -> vector<64x128xf32>
    %get3A_64 = arith.constant 0 : index
    %get3A_65 = arith.constant 0 : index
    %get3A_66 = vector.load %arg6[%get3A_64, %get3A_65] : memref<60x50xf32, #tpu.memory_space<vmem>>, vector<60x50xf32>
    %convert_element_type3A_67 = arith.truncf %get3A_66 : vector<60x50xf32> to vector<60x50xbf16>
    %convert_element_type3A_68 = arith.extf %convert_element_type3A_67 : vector<60x50xbf16> to vector<60x50xf32>
    %jit3A_69 = arith.constant 0 : i32
    %convert_element_type3A_70 = arith.sitofp %jit3A_69 : i32 to f32
    %pad3A_71 = vector.broadcast %convert_element_type3A_70 : f32 to vector<68x50xf32>
    %pad3A_72 = tpu.concatenate %convert_element_type3A_68, %pad3A_71 in 0 : vector<60x50xf32>, vector<68x50xf32> -> vector<128x50xf32>
    %dot_general3A_73 = arith.constant dense<0.000000e+00> : vector<64x50xf32>
    %dot_general3A_74 = tpu.matmul %dot_general3A_63, %pad3A_72, %dot_general3A_73 {dimension_numbers = #tpu.dot_dimension_numbers<[1], [0], [0], [1], [0, 0, 1, 1], [], []>, precision = #tpu.contract_precision<fp32>, transpose_lhs_hint = false} : vector<64x128xf32>, vector<128x50xf32>, vector<64x50xf32> -> vector<64x50xf32>
    %reduce_sum3A = arith.constant dense<0.000000e+00> : vector<64xf32>
    %reduce_sum3A_75 = vector.multi_reduction <add>, %select_n3A_46, %reduce_sum3A [1] : vector<64x10240xf32> to vector<64xf32>
    %broadcast_in_dim3A_76 = vector.shape_cast %reduce_sum3A_75 : vector<64xf32> to vector<64x1xf32>
    %get3A_77 = arith.constant 0 : index
    %get3A_78 = vector.load %arg7[%get3A_77] : memref<50xf32, #tpu.memory_space<vmem>>, vector<50xf32>
    %broadcast_in_dim3A_79 = vector.shape_cast %get3A_78 : vector<50xf32> to vector<1x50xf32>
    %mul3A_80 = vector.broadcast %broadcast_in_dim3A_76 : vector<64x1xf32> to vector<64x50xf32>
    %mul3A_81 = vector.broadcast %broadcast_in_dim3A_79 : vector<1x50xf32> to vector<64x50xf32>
    %mul3A_82 = arith.mulf %mul3A_80, %mul3A_81 : vector<64x50xf32>
    %add3A_83 = arith.addf %dot_general3A_74, %mul3A_82 : vector<64x50xf32>
    %convert_element_type3A_84 = arith.truncf %add3A_83 : vector<64x50xf32> to vector<64x50xbf16>
    %convert_element_type3A_85 = arith.extf %convert_element_type3A_84 : vector<64x50xbf16> to vector<64x50xf32>
    %get3A_86 = arith.constant 0 : index
    %get3A_87 = arith.constant 0 : index
    %get3A_88 = vector.load %arg8[%get3A_86, %get3A_87] : memref<50x40xf32, #tpu.memory_space<vmem>>, vector<50x40xf32>
    %convert_element_type3A_89 = arith.truncf %get3A_88 : vector<50x40xf32> to vector<50x40xbf16>
    %convert_element_type3A_90 = arith.extf %convert_element_type3A_89 : vector<50x40xbf16> to vector<50x40xf32>
    %dot_general3A_91 = arith.constant dense<0.000000e+00> : vector<64x40xf32>
    %dot_general3A_92 = tpu.matmul %convert_element_type3A_85, %convert_element_type3A_90, %dot_general3A_91 {dimension_numbers = #tpu.dot_dimension_numbers<[1], [0], [0], [1], [0, 0, 1, 1], [], []>, precision = #tpu.contract_precision<fp32>, transpose_lhs_hint = false} : vector<64x50xf32>, vector<50x40xf32>, vector<64x40xf32> -> vector<64x40xf32>
    %get3A_93 = arith.constant 0 : index
    %get3A_94 = vector.load %arg9[%get3A_93] : memref<40xf32, #tpu.memory_space<vmem>>, vector<40xf32>
    %broadcast_in_dim3A_95 = vector.shape_cast %get3A_94 : vector<40xf32> to vector<1x40xf32>
    %add3A_96 = vector.broadcast %broadcast_in_dim3A_95 : vector<1x40xf32> to vector<64x40xf32>
    %add3A_97 = arith.addf %dot_general3A_92, %add3A_96 : vector<64x40xf32>
    %convert_element_type3A_98 = arith.truncf %add3A_97 : vector<64x40xf32> to vector<64x40xbf16>
    %convert_element_type3A_99 = arith.extf %convert_element_type3A_98 : vector<64x40xbf16> to vector<64x40xf32>
    %get3A_100 = arith.constant 0 : index
    %get3A_101 = arith.constant 0 : index
    %get3A_102 = vector.load %arg10[%get3A_100, %get3A_101] : memref<40x20xf32, #tpu.memory_space<vmem>>, vector<40x20xf32>
    %convert_element_type3A_103 = arith.truncf %get3A_102 : vector<40x20xf32> to vector<40x20xbf16>
    %convert_element_type3A_104 = arith.extf %convert_element_type3A_103 : vector<40x20xbf16> to vector<40x20xf32>
    %dot_general3A_105 = arith.constant dense<0.000000e+00> : vector<64x20xf32>
    %dot_general3A_106 = tpu.matmul %convert_element_type3A_99, %convert_element_type3A_104, %dot_general3A_105 {dimension_numbers = #tpu.dot_dimension_numbers<[1], [0], [0], [1], [0, 0, 1, 1], [], []>, precision = #tpu.contract_precision<fp32>, transpose_lhs_hint = false} : vector<64x40xf32>, vector<40x20xf32>, vector<64x20xf32> -> vector<64x20xf32>
    %get3A_107 = arith.constant 0 : index
    %get3A_108 = vector.load %arg11[%get3A_107] : memref<20xf32, #tpu.memory_space<vmem>>, vector<20xf32>
    %broadcast_in_dim3A_109 = vector.shape_cast %get3A_108 : vector<20xf32> to vector<1x20xf32>
    %add3A_110 = vector.broadcast %broadcast_in_dim3A_109 : vector<1x20xf32> to vector<64x20xf32>
    %add3A_111 = arith.addf %dot_general3A_106, %add3A_110 : vector<64x20xf32>
    %convert_element_type3A_112 = arith.truncf %add3A_111 : vector<64x20xf32> to vector<64x20xbf16>
    %convert_element_type3A_113 = arith.extf %convert_element_type3A_112 : vector<64x20xbf16> to vector<64x20xf32>
    %get3A_114 = arith.constant 0 : index
    %get3A_115 = arith.constant 0 : index
    %get3A_116 = vector.load %arg12[%get3A_114, %get3A_115] : memref<20x1xf32, #tpu.memory_space<vmem>>, vector<20x1xf32>
    %convert_element_type3A_117 = arith.truncf %get3A_116 : vector<20x1xf32> to vector<20x1xbf16>
    %convert_element_type3A_118 = arith.extf %convert_element_type3A_117 : vector<20x1xbf16> to vector<20x1xf32>
    %squeeze3A = vector.shape_cast %convert_element_type3A_118 : vector<20x1xf32> to vector<20xf32>
    %broadcast_in_dim3A_119 = vector.shape_cast %squeeze3A : vector<20xf32> to vector<1x20xf32>
    %mul3A_120 = vector.broadcast %broadcast_in_dim3A_119 : vector<1x20xf32> to vector<64x20xf32>
    %mul3A_121 = arith.mulf %convert_element_type3A_113, %mul3A_120 : vector<64x20xf32>
    %reduce_sum3A_122 = arith.constant dense<0.000000e+00> : vector<64xf32>
    %reduce_sum3A_123 = vector.multi_reduction <add>, %mul3A_121, %reduce_sum3A_122 [1] : vector<64x20xf32> to vector<64xf32>
    %broadcast_in_dim3A_124 = vector.shape_cast %reduce_sum3A_123 : vector<64xf32> to vector<64x1xf32>
    %get3A_125 = arith.constant 0 : index
    %get3A_126 = vector.load %arg13[%get3A_125] : memref<1xf32, #tpu.memory_space<vmem>>, vector<1xf32>
    %broadcast_in_dim3A_127 = vector.shape_cast %get3A_126 : vector<1xf32> to vector<1x1xf32>
    %add3A_128 = vector.broadcast %broadcast_in_dim3A_127 : vector<1x1xf32> to vector<64x1xf32>
    %add3A_129 = arith.addf %broadcast_in_dim3A_124, %add3A_128 : vector<64x1xf32>
    %swap3A = arith.constant 0 : index
    %swap3A_130 = arith.constant 0 : index
    %swap3A_131 = vector.load %arg14[%swap3A, %swap3A_130] : memref<64x1xf32, #tpu.memory_space<vmem>>, vector<64x1xf32>
    tpu.vector_store %arg14[%swap3A, %swap3A_130], %add3A_129 {strides = array<i32>} : memref<64x1xf32, #tpu.memory_space<vmem>>, vector<64x1xf32>,
    return
  }
}

</mosaic_0001>

<sc_bundles>
// kernel: kernel.11.cloned.1.call-start
scs
__scs_entry_jumppad:
0x0: {  	(pc) =	sbr.rel $0x88, $3  }
0x1: {  	(tag) =	ssettag $0x0;
	lr =	simm.s32 $0x1  }
0x2: {  	[smem:$0x3F94] =	sst lr;
	_ =	strace $0xD0000000  }
0x3: {  	_ = 	snop  }
0x4: {  	_ = 	snop  }
0x5: {  	_ = 	snop  }
0x6: {  	_ = 	snop  }
0x7: {  	_ = 	snop  }
__scs_overlays_trampoline_lowered:
0x8: {  	[smem:$0x3FA3] =	sst s0  }
0x9: {  	[smem:$0x3FA4] =	sst s1  }
0xa: {  	[smem:$0x3FA5] =	sst s2  }
0xb: {  	[smem:$0x3FA6] =	sst s3  }
0xc: {  	[smem:$0x3FA7] =	sst s4  }
0xd: {  	[smem:$0x3FA8] =	sst s5  }
0xe: {  	[smem:$0x3FA9] =	sst s6  }
0xf: {  	[smem:$0x3FAA] =	sst s7  }
0x10: {  	[smem:$0x3FAB] =	sst s8  }
0x11: {  	[smem:$0x3FAC] =	sst s9;
	s0 =	simm.s32 @!p0 $0x0  }
0x12: {  	s1 =	sld [smem:$0x3F92];
	s0 =	simm.s32 @p0 $0x1  }
0x13: {  	[smem:$0x3FAD] =	sst s0;
	s0 =	simm.s32 @!p1 $0x0  }
0x14: {  	s2 =	sld [smem:$0x3F91];
	s0 =	simm.s32 @p1 $0x1  }
0x15: {  	[smem:$0x3FAE] =	sst s0;
	s0 =	simm.s32 @!p2 $0x0  }
0x16: {  	s3 =	sld [smem:$0x3FDB];
	s0 =	simm.s32 @p2 $0x1  }
0x17: {  	s4 =	simm.s32 $0x1BF5;
	[smem:$0x3FB0] =	sst s0  }
0x18: {  	s0 =	sld [smem:$0x3F93];
	_ =	swait.ge [sflag:s4], $0x0  }
0x19: {  	s7 =	sld [smem:$0x3F94]  }
0x1a: {  	s8 =	sadd.s32 $0xFFFFE003, lr  }
0x1b: {  	s9 =	sadd.s32 $0xFFFFFEF7, lr;
	s5 =	simm.s32 $0xFFFFFFFF;
	p2 =	slt.u32 s8, $0xFFFFF086  }
0x1c: {  	p1 =	slt.u32 s9, $0xF7A;
	s5 =	simm.s32 @!p2 $0x0  }
0x1d: {  	s5 =	simm.s32 @p1 $0x1;
	p0 =	seq.s32 s7, s2  }
0x1e: {  	s7 =	smul.u32 @!p0 $0xF7A, s2;
	p2 =	seq.s32 @!p0 s5, $0x0  }
0x1f: {  	s9 =	smul.u32 $0xF7A, s1;
	s8 =	simm.s32 @!p0 $0x1BF5;
	p2 =	por !p2, p0  }
0x20: {  	[sflag:s8] =	ssyncset.s32 @!p0 $0xFFFFF086;
	s6 =	sadd.s32 @!p0 s3, s7;
	s7 =	simm.s32 @!p0 $0x108  }
0x21: {  	s3 =	sadd.s32 s3, s9;
	s6 =	sadd.s32 @!p0 $0x88, s6;
	s7 =	simm.s32 @p2 $0x1082  }
0x22: {  	[simem:s7], [sflag:s8] =	dma.local @!p0 [hbm:s6], $0xF7A  }
0x23: {  	s9 =	sor.u32 $0xD0000000, s2;
	s6 =	simm.s32 $0x108;
	_ =	swait.ge @!p0 [sflag:s8], $0x0  }
0x24: {  	s3 =	sadd.s32 $0x88, s3;
	s6 =	simm.s32 @!p1 $0x1082;
	[sflag:s4] =	ssyncset.s32 $0xFFFFF086  }
0x25: {  	[simem:s6], [sflag:s4] =	dma.local [hbm:s3], $0xF7A  }
0x26: {  	[smem:$0x3F94] =	sst s1;
	(tag) =	ssettag s2;
	_ =	strace s9  }
0x27: {  	s1 =	sld [smem:$0x3FA4]  }
0x28: {  	s2 =	sld [smem:$0x3FA5]  }
0x29: {  	s4 =	sld [smem:$0x3FA7]  }
0x2a: {  	p0 =	seq.s32 s5, $0x0;
	s5 =	sld [smem:$0x3FA8]  }
0x2b: {  	s6 =	sld [smem:$0x3FA9]  }
0x2c: {  	s7 =	sld [smem:$0x3FAA]  }
0x2d: {  	s3 =	simm.s32 $0x108;
	s8 =	sld [smem:$0x3FAB]  }
0x2e: {  	s3 =	simm.s32 @!p0 $0x1082;
	s9 =	sld [smem:$0x3FAC]  }
0x2f: {  	lr =	sadd.s32 s0, s3;
	s0 =	sld [smem:$0x3FA3]  }
0x30: {  	s3 =	sld [smem:$0x3FA6]  }
0x31: {  	[smem:$0x3FAF] =	sst s10  }
0x32: {  	s10 =	sld [smem:$0x3FAD];
	_ =	sdelay $0x3  }
0x33: {  	p0 =	seq.s32 s10, $0x1;
	s10 =	sld [smem:$0x3FAF];
	_ =	sdelay $0x3  }
0x34: {  	[smem:$0x3FAF] =	sst s10  }
0x35: {  	s10 =	sld [smem:$0x3FAE];
	_ =	sdelay $0x3  }
0x36: {  	p1 =	seq.s32 s10, $0x1;
	s10 =	sld [smem:$0x3FAF];
	_ =	sdelay $0x3  }
0x37: {  	[smem:$0x3FAF] =	sst s10  }
0x38: {  	s10 =	sld [smem:$0x3FB0]  }
0x39: {  	_ = 	snop;
	(pc) =	sbr.ind lr, $3  }
0x3a: {  	_ = 	snop  }
0x3b: {  	_ = 	snop  }
0x3c: {  	p2 =	seq.s32 s10, $0x1;
	s10 =	sld [smem:$0x3FAF]  }
0x3d: {  	_ =	shalt  }
0x3e: {  	_ =	shalt  }
0x3f: {  	_ =	shalt  }
0x40: {  	_ =	shalt  }
0x41: {  	_ =	shalt  }
0x42: {  	_ =	shalt  }
0x43: {  	_ =	shalt  }
0x44: {  	_ =	shalt  }
0x45: {  	_ =	shalt  }
0x46: {  	_ =	shalt  }
0x47: {  	_ =	shalt  }
0x48: {  	_ =	shalt  }
0x49: {  	_ =	shalt  }
0x4a: {  	_ =	shalt  }
0x4b: {  	_ =	shalt  }
0x4c: {  	_ =	shalt  }
0x4d: {  	_ =	shalt  }
0x4e: {  	_ =	shalt  }
0x4f: {  	_ =	shalt  }
0x50: {  	_ =	shalt  }
0x51: {  	_ =	shalt  }
0x52: {  	_ =	shalt  }
0x53: {  	_ =	shalt  }
0x54: {  	_ =	shalt  }
0x55: {  	_ =	shalt  }
0x56: {  	_ =	shalt  }
0x57: {  	_ =	shalt  }
0x58: {  	_ =	shalt  }
0x59: {  	_ =	shalt  }
0x5a: {  	_ =	shalt  }
0x5b: {  	_ =	shalt  }
0x5c: {  	_ =	shalt  }
0x5d: {  	_ =	shalt  }
0x5e: {  	_ =	shalt  }
0x5f: {  	_ =	shalt  }
0x60: {  	_ =	shalt  }
0x61: {  	_ =	shalt  }
0x62: {  	_ =	shalt  }
0x63: {  	_ =	shalt  }
0x64: {  	_ =	shalt  }
0x65: {  	_ =	shalt  }
0x66: {  	_ =	shalt  }
0x67: {  	_ =	shalt  }
0x68: {  	_ =	shalt  }
0x69: {  	_ =	shalt  }
0x6a: {  	_ =	shalt  }
0x6b: {  	_ =	shalt  }
0x6c: {  	_ =	shalt  }
0x6d: {  	_ =	shalt  }
0x6e: {  	_ =	shalt  }
0x6f: {  	_ =	shalt  }
0x70: {  	_ =	shalt  }
0x71: {  	_ =	shalt  }
0x72: {  	_ =	shalt  }
0x73: {  	_ =	shalt  }
0x74: {  	_ =	shalt  }
0x75: {  	_ =	shalt  }
0x76: {  	_ =	shalt  }
0x77: {  	_ =	shalt  }
0x78: {  	_ =	shalt  }
0x79: {  	_ =	shalt  }
0x7a: {  	_ =	shalt  }
0x7b: {  	_ =	shalt  }
0x7c: {  	_ =	shalt  }
0x7d: {  	_ =	shalt  }
0x7e: {  	_ =	shalt  }
0x7f: {  	_ =	shalt  }
0x80: {  	_ =	shalt  }
0x81: {  	_ =	shalt  }
0x82: {  	_ =	shalt  }
0x83: {  	_ =	shalt  }
0x84: {  	_ =	shalt  }
0x85: {  	_ =	shalt  }
0x86: {  	_ =	shalt  }
0x87: {  	_ =	shalt  }
.Lfunc_end0:
.L_simem_size_0:
called_computation.1_lowered:
.L_overlay_start_0:
0x88: {  	s2 =	sld [smem:$0x3FD9]  }
0x89: {  	s3 =	sld [smem:$0x3FFE];
	_ =	sdelay $0x1  }
0x8a: {  	s1 =	srdreg.scid  }
0x8b: {  	s0 =	sand.u32 $0x1, s1  }
0x8c: {  	s17 =	sshll.u32 s0, $0xA;
	s2 =	sadd.s32 s3, s2  }
0x8d: {  	s2 =	sadd.s32 s2, s17  }
0x8e: {  	[smem:$0x3FBB] =	sst s2  }
0x8f: {  	_ = 	snop  }
0x90: {  	(tm) =	ssettm $0x1  }
0x91: {  	s18 =	sld [smem:$0x3FFB];
	_ =	sdelay $0x3  }
0x92: {  	_ =	strace s18  }
0x93: {  	s2 =	sld [smem:$0x3FFC];
	_ =	sdelay $0x3  }
0x94: {  	_ =	strace s2  }
0x95: {  	s2 =	sld [smem:$0x3FFD];
	_ =	sdelay $0x3  }
0x96: {  	_ =	strace s2  }
0x97: {  	_ =	strace $0x8FFFFFFF  }
0x98: {  	s19 =	sld [smem:$0x3FDB];
	_ =	sdelay $0x1  }
0x99: {  	s20 =	simm.s32 $_scs_section_size  }
0x9a: {  	s4 =	simm.s32 $_size__tile_overlayer_lowered;
	s5 =	simm.s32 $_tile_overlayer_lowered  }
0x9b: {  	s6 =	simm.s32 $0x1BFF;
	s21 =	sshll.u32 s5, $0x1;
	s3 =	sadd.s32 s20, s19  }
0x9c: {  	s22 =	simm.s32 $0x0;
	s4 =	sshll.u32 s4, $0x1;
	s5 =	sadd.s32 s21, s3  }
0x9d: {  	[timem:s22], [sflag:s6] =	dma.local [hbm:s5], s4  }
0x9e: {  	_ =	swait.ge [sflag:s6], s4  }
0x9f: {  	s4 =	ssub.s32 $0x0, s4;
	[sflag:s6] =	ssyncset.done $0x0  }
0xa0: {  	[sflag:s6] =	ssyncadd.s32 s4;
	_ =	sdelay $0x1  }
0xa1: {  	s23 =	simm.s32 $0x1B8B  }
0xa2: {  	_ =	swait.ge [sflag:s23], $0x1  }
0xa3: {  	[sflag:s23] =	ssyncset.done $0x0  }
0xa4: {  	[sflag:s23] =	ssyncadd.s32 $0xFFFFFFFF  }
0xa5: {  	s4 =	sld [smem:$0x0]  }
0xa6: {  	s5 =	sand.u32 $0xFFFFFFFE, s1  }
0xa7: {  	p0 =	sne.s32 s1, s5  }
0xa8: {  	s5 =	sshll.u32 @p0 s5, $0xE  }
0xa9: {  	s5 =	sadd.s32 @p0 $0x11B8D, s5;
	s6 =	sshll.u32 @p0 s4, $0x11  }
0xaa: {  	s5 =	sor.u32 @p0 s6, s5  }
0xab: {  	[sflag:s5] =	ssyncadd.remote.s32 @p0 $0x1;
	_ =	sdelay $0x1  }
0xac: {  	s5 =	simm.s32 @p0 $0x1B8D  }
0xad: {  	_ =	swait.eq @p0 [sflag:s5], $0x1  }
0xae: {  	[sflag:s5] =	ssyncadd.s32 @p0 $0xFFFFFFFF  }
0xaf: {  	s6 =	sshll.u32 @!p0 s1, $0xE  }
0xb0: {  	s6 =	sor.u32 @!p0 $0x4000, s6;
	s5 =	simm.s32 @!p0 $0x1B8D  }
0xb1: {  	s4 =	sshll.u32 @!p0 s4, $0x11;
	s6 =	sadd.s32 @!p0 $0x11B8D, s6;
	_ =	swait.eq @!p0 [sflag:s5], $0x1  }
0xb2: {  	s4 =	sor.u32 @!p0 s4, s6;
	[sflag:s5] =	ssyncadd.s32 @!p0 $0xFFFFFFFF  }
0xb3: {  	s25 =	simm.s32 $0x1B8E;
	s24 =	sld [smem:$0x3FFE];
	[sflag:s4] =	ssyncadd.remote.s32 @!p0 $0x1  }
0xb4: {  	s26 =	simm.s32 $execute0_lowered;
	[smem:$0x3FD2] =	sst s25  }
0xb5: {  	s5 =	sshll.u32 s26, $0x1;
	_ =	strace $0x8000004C;
	[dreg:$0x1] =	wrdreg $0xFFFFFFFF  }
0xb6: {  	s28 =	simm.s32 $_size_execute0_lowered;
	s3 =	sadd.s32 s3, s5;
	[dreg:$0x0] =	wrdreg $0x0  }
0xb7: {  	s5 =	sshll.u32 s28, $0x1;
	[dreg:$0x2] =	wrdreg s3  }
0xb8: {  	[dreg:$0x3] =	wrdreg s5  }
0xb9: {  	[dreg:$0x4] =	wrdreg $0xC0  }
0xba: {  	_ =	task [dreg:s22], $0x5FFFF  }
0xbb: {  	[dreg:$0x1] =	wrdreg $0xFFFFFFFF  }
0xbc: {  	[dreg:$0x0] =	wrdreg $0x60  }
0xbd: {  	[dreg:$0x2] =	wrdreg s24  }
0xbe: {  	[dreg:$0x3] =	wrdreg $0xA0000  }
0xbf: {  	[dreg:$0x4] =	wrdreg $0x9  }
0xc0: {  	_ =	task.clear_ibuf [dreg:s22], $0x5FFFF;
	_ =	strace $0x9000004C  }
0xc1: {  	s29 =	simm.s32 $0x9;
	_ =	strace $0x8000004E  }
0xc2: {  	_ =	swait.ge [sflag:s29], $0x1  }
0xc3: {  	[sflag:s29] =	ssyncadd.s32 $0xFFFFFFFF  }
0xc4: {  	_ =	strace $0x9000004E  }
0xc5: {  	_ =	sfence  }
0xc6: {  	s30 =	sld [smem:$0x0];
	_ =	sdelay $0x2  }
0xc7: {  	s31 =	sshll.u32 s1, $0xD;
	s1 =	sshrl.u32 s1, $0x2  }
0xc8: {  	s4 =	sand.u32 $0x4000, s31;
	s1 =	sadd.s32 s1, s30  }
0xc9: {  	s0 =	sor.u32 s4, s0;
	s1 =	sshll.u32 s1, $0x11  }
0xca: {  	s0 =	sor.u32 s1, s0  }
0xcb: {  	s0 =	sadd.s32 $0x8F2B, s0  }
0xcc: {  	[sflag:s0] =	ssyncadd.remote.s32 $0x1  }
0xcd: {  	_ =	sfence.sel $0xFFFF  }
0xce: {  	[dreg:$0x0] =	wrdreg $0xFFFFFFFF;
	(pc) =	sbr.abs _section_cstart, $3  }
0xcf: {  	[dreg:$0x1] =	wrdreg $0xFFFFFFFF  }
0xd0: {  	_ =	task.clear_ibuf [dreg:s22], $0x2FFFF;
	_ =	strace $0x9FFFFFFF  }
0xd1: {  	(tm) =	ssettm $0x7FFFFFFF  }
tec
execute0_lowered:
.L_overlay_start_1:
0x0: {  	(tag) =	ssettag $0x1  }
0x1: {  	s0 =	srdreg.scid;
	s5 =	rddreg [dreg:$0x0]  }
0x2: {  	s7 =	stileid.u32;
	s2 =	rddreg [dreg:$0x1]  }
0x3: {  	s3 =	simm.s32 $0x0;
	s24 =	simm.s32 $0x1;
	s28 =	simm.s32 $0x50  }
0x4: {  	s29 =	simm.s32 $0x9F00;
	s30 =	simm.s32 $0x4F00;
	s31 =	simm.s32 $0x9F80  }
0x5: {  	s0 =	sand.u32 $0x1, s0;
	s4 =	smul.u32 $0x280, s7;
	[smem:$0x7FF] =	sst s3  }
0x6: {  	s1 =	sshll.u32 s0, $0x4;
	s6 =	smul.u32 $0x2800, s0;
	_ =	strace $0x8000004D  }
0x7: {  	s0 =	ssub.s32 $0x2, s0;
	s1 =	sor.u32 s7, s1;
	s7 =	smul.u32 $0x50000, s7  }
0x8: {  	s8 =	sshrl.u32 s0, $0x1;
	s1 =	smul.u32 $0x2710, s1;
	s6 =	sadd.s32 s6, s4  }
0x9: {  	s4 =	sadd.s32 $0x17A00, s5;
	s0 =	ssub.s32 s0, s8;
	s6 =	sshll.u32 s6, $0x4  }
0xa: {  	s25 =	sshrl.u32 s7, $0x2;
	s8 =	smax.u32 s0, $0x1;
	s1 =	sshrl.u32 s1, $0x3  }
0xb: {  	s7 =	sadd.s32 s25, s2;
	s1 =	sadd.s32 s1, s5;
	s5 =	sadd.s32 s6, s5  }
0xc: {  	s9 =	sadd.s32 $0x2800, s7;
	s10 =	sadd.s32 $0x5000, s7;
	s11 =	sadd.s32 $0x7800, s7  }
0xd: {  	s12 =	sadd.s32 $0xA000, s7;
	s13 =	sadd.s32 $0xC800, s7;
	s14 =	sadd.s32 $0xF000, s7  }
0xe: {  	s15 =	sadd.s32 $0x11800, s7;
	s26 =	sadd.s32 $0x3A00, s1;
	s1 =	sadd.s32 $0xD640, s1  }
0xf: {  	s16 =	sadd.s32 $0x67A00, s5;
	s17 =	sadd.s32 $0x67F00, s5;
	s18 =	sadd.s32 $0x68400, s5  }
0x10: {  	s19 =	sadd.s32 $0x68900, s5;
	s20 =	sadd.s32 $0x68E00, s5;
	s21 =	sadd.s32 $0x69300, s5  }
0x11: {  	s22 =	sadd.s32 $0x69800, s5;
	s23 =	sadd.s32 $0x69D00, s5;
	[dreg:$0x3] =	wrdreg s26  }
0x12: {  	v0 =	vimm.f32 $0.0e+00;
	[dreg:$0x4] =	wrdreg s1;
	s26 =	simm.s32 $0x7700;
	s1 =	simm.s32 $0x0  }
.LBB2_1:
0x13: {  	s0 =	rddreg [dreg:$0x3]  }
0x14: {  	[tilespmem:s3], [sflag:$0x1] =	stream.linear.gather [hbm4b:s0+s3], $0x2710, $0x38;
	[tilespmem:$0x1E000] =	vst v63  }
0x15: {  	_ =	swait.ge [sflag:s24], $0x2710  }
0x16: {  	[sflag:s24] =	ssyncset.done $0x0  }
0x17: {  	s5 =	simm.s32 $0x2780;
	s25 =	rddreg [dreg:$0x4];
	[sflag:s24] =	ssyncadd.s32 $0xFFFFD8F0  }
0x18: {  	[tilespmem:s5], [sflag:$0x1] =	stream.linear.gather [hbm4b:s25+s3], $0x2710, $0x38;
	[tilespmem:$0x1E000] =	vst v63  }
0x19: {  	_ =	swait.ge [sflag:s24], $0x2710  }
0x1a: {  	[sflag:s24] =	ssyncset.done $0x0  }
0x1b: {  	s0 =	simm.s32 $0x0;
	s5 =	simm.s32 $0x200;
	[sflag:s24] =	ssyncadd.s32 $0xFFFFD8F0  }
.LBB2_2:
0x1c: {  	p0 =	sne.s32 s5, $0x9E00;
	[tilespmem:s0+$0x7770] =	vst v0  }
0x1d: {  	[tilespmem:s0+$0x7700] =	vst v0  }
0x1e: {  	[tilespmem:s0+$0x7710] =	vst v0  }
.Ltmp0:
0x1f: {  	[tilespmem:s0+$0x7720] =	vst v0;
	(pc) =	sbr.rel @p0 .LBB2_2-.Ltmp0, $4  }
0x20: {  	[tilespmem:s0+$0x7730] =	vst v0  }
0x21: {  	[tilespmem:s0+$0x7740] =	vst v0  }
0x22: {  	[tilespmem:s0+$0x7750] =	vst v0  }
0x23: {  	[tilespmem:s0+$0x7760] =	vst v0;
	s0 =	sshra.s32 s5, $0x2;
	s5 =	sadd.s32 $0x200, s5  }
0x24: {  	[tilespmem:s0+$0x7770] =	vst v0  }
0x25: {  	[tilespmem:s0+$0x7700] =	vst v0  }
0x26: {  	[tilespmem:s0+$0x7710] =	vst v0  }
0x27: {  	[tilespmem:s0+$0x7720] =	vst v0  }
0x28: {  	[tilespmem:s0+$0x7730] =	vst v0  }
0x29: {  	[tilespmem:s0+$0x7740] =	vst v0  }
0x2a: {  	[tilespmem:s0+$0x7750] =	vst v0  }
0x2b: {  	[tilespmem:s0+$0x7760] =	vst v0  }
0x2c: {  	[spmem:s7] =	stream.linear.scatter [tilespmem:s26], [sflag:$0x1], $0x2800, $0x38;
	[tilespmem:$0x1E000] =	vst v63  }
0x2d: {  	_ =	swait.ge [sflag:s24], $0x2800  }
0x2e: {  	[sflag:s24] =	ssyncset.done $0x0  }
0x2f: {  	[sflag:s24] =	ssyncadd.s32 $0xFFFFD800  }
0x30: {  	[spmem:s9] =	stream.linear.scatter [tilespmem:s26], [sflag:$0x1], $0x2800, $0x38;
	[tilespmem:$0x1E000] =	vst v63  }
0x31: {  	_ =	swait.ge [sflag:s24], $0x2800  }
0x32: {  	[sflag:s24] =	ssyncset.done $0x0  }
0x33: {  	[sflag:s24] =	ssyncadd.s32 $0xFFFFD800  }
0x34: {  	[spmem:s10] =	stream.linear.scatter [tilespmem:s26], [sflag:$0x1], $0x2800, $0x38;
	[tilespmem:$0x1E000] =	vst v63  }
0x35: {  	_ =	swait.ge [sflag:s24], $0x2800  }
0x36: {  	[sflag:s24] =	ssyncset.done $0x0  }
0x37: {  	[sflag:s24] =	ssyncadd.s32 $0xFFFFD800  }
0x38: {  	[spmem:s11] =	stream.linear.scatter [tilespmem:s26], [sflag:$0x1], $0x2800, $0x38;
	[tilespmem:$0x1E000] =	vst v63  }
0x39: {  	_ =	swait.ge [sflag:s24], $0x2800  }
0x3a: {  	[sflag:s24] =	ssyncset.done $0x0  }
0x3b: {  	[sflag:s24] =	ssyncadd.s32 $0xFFFFD800  }
0x3c: {  	[spmem:s12] =	stream.linear.scatter [tilespmem:s26], [sflag:$0x1], $0x2800, $0x38;
	[tilespmem:$0x1E000] =	vst v63  }
0x3d: {  	_ =	swait.ge [sflag:s24], $0x2800  }
0x3e: {  	[sflag:s24] =	ssyncset.done $0x0  }
0x3f: {  	[sflag:s24] =	ssyncadd.s32 $0xFFFFD800  }
0x40: {  	[spmem:s13] =	stream.linear.scatter [tilespmem:s26], [sflag:$0x1], $0x2800, $0x38;
	[tilespmem:$0x1E000] =	vst v63  }
0x41: {  	_ =	swait.ge [sflag:s24], $0x2800  }
0x42: {  	[sflag:s24] =	ssyncset.done $0x0  }
0x43: {  	[sflag:s24] =	ssyncadd.s32 $0xFFFFD800  }
0x44: {  	[spmem:s14] =	stream.linear.scatter [tilespmem:s26], [sflag:$0x1], $0x2800, $0x38;
	[tilespmem:$0x1E000] =	vst v63  }
0x45: {  	_ =	swait.ge [sflag:s24], $0x2800  }
0x46: {  	[sflag:s24] =	ssyncset.done $0x0  }
0x47: {  	[sflag:s24] =	ssyncadd.s32 $0xFFFFD800  }
0x48: {  	[spmem:s15] =	stream.linear.scatter [tilespmem:s26], [sflag:$0x1], $0x2800, $0x38;
	[tilespmem:$0x1E000] =	vst v63  }
0x49: {  	_ =	swait.ge [sflag:s24], $0x2800  }
0x4a: {  	[sflag:s24] =	ssyncset.done $0x0  }
0x4b: {  	[sflag:s24] =	ssyncadd.s32 $0xFFFFD800  }
0x4c: {  	s25 =	simm.s32 $0x0;
	[bflag:$0x0] =	sbarrier.arrive $0xFFFF  }
0x4d: {  	v1 =	vld [tilespmem:s25+$0x0];
	_ =	sdelay $0x4  }
0x4e: {  	[tilespmem:$0x9F00] =	vst v1  }
0x4f: {  	v1 =	vld [tilespmem:s25+$0x2780];
	_ =	sdelay $0x4  }
0x50: {  	[tilespmem:$0x9F80] =	vst v1  }
0x51: {  	v1 =	vld [tilespmem:s25+$0x10];
	_ =	sdelay $0x4  }
0x52: {  	[tilespmem:$0x9F10] =	vst v1  }
0x53: {  	v1 =	vld [tilespmem:s25+$0x2790];
	_ =	sdelay $0x4  }
0x54: {  	[tilespmem:$0x9F90] =	vst v1  }
0x55: {  	v1 =	vld [tilespmem:s25+$0x20];
	_ =	sdelay $0x4  }
0x56: {  	[tilespmem:$0x9F20] =	vst v1  }
0x57: {  	v1 =	vld [tilespmem:s25+$0x27A0];
	_ =	sdelay $0x4  }
0x58: {  	[tilespmem:$0x9FA0] =	vst v1  }
0x59: {  	v1 =	vld [tilespmem:s25+$0x30];
	_ =	sdelay $0x4  }
0x5a: {  	[tilespmem:$0x9F30] =	vst v1  }
0x5b: {  	v1 =	vld [tilespmem:s25+$0x27B0];
	_ =	sdelay $0x4  }
0x5c: {  	[tilespmem:$0x9FB0] =	vst v1  }
0x5d: {  	v1 =	vld [tilespmem:s25+$0x40];
	_ =	sdelay $0x4  }
0x5e: {  	[tilespmem:$0x9F40] =	vst v1  }
0x5f: {  	v1 =	vld [tilespmem:s25+$0x27C0];
	_ =	sdelay $0x4  }
0x60: {  	[tilespmem:$0x9FC0] =	vst v1  }
0x61: {  	[tilespmem:s30], [sflag:$0x1] =	stream.indirect.gather [hbm4b:s4+s28], $0x80, s29, s28, $0xb8;
	[tilespmem:$0x1E000] =	vst v63  }
0x62: {  	_ =	swait.ge [sflag:s24], $0x2800  }
0x63: {  	[sflag:s24] =	ssyncset.done $0x0  }
0x64: {  	[sflag:s24] =	ssyncadd.s32 $0xFFFFD800  }
0x65: {  	[spmem:s2] =	stream.indirect.scatter.add.f32 [tilespmem:s30], [sflag:$0x1], $0x80, s31, s28, $0xb8;
	[tilespmem:$0x1E000] =	vst v63  }
0x66: {  	_ =	swait.ge [sflag:s24], $0x2800  }
0x67: {  	s0 =	simm.s32 $0x140;
	s25 =	simm.s32 $0x280;
	[sflag:s24] =	ssyncset.done $0x0  }
.LBB2_4:
0x68: {  	s5 =	sshra.s32 s0, $0x2  }
0x69: {  	[sflag:s24] =	ssyncadd.s32 $0xFFFFD800;
	s0 =	smov.u32 s25;
	s6 =	sadd.s32 $0x140, s25  }
0x6a: {  	p0 =	sne.s32 s25, $0x9B00;
	v1 =	vld [tilespmem:s5+$0x0];
	_ =	sdelay $0x4  }
0x6b: {  	[tilespmem:$0x9F00] =	vst v1  }
0x6c: {  	v1 =	vld [tilespmem:s5+$0x2780];
	_ =	sdelay $0x4  }
0x6d: {  	[tilespmem:$0x9F80] =	vst v1  }
0x6e: {  	v1 =	vld [tilespmem:s5+$0x10];
	_ =	sdelay $0x4  }
0x6f: {  	[tilespmem:$0x9F10] =	vst v1  }
0x70: {  	v1 =	vld [tilespmem:s5+$0x2790];
	_ =	sdelay $0x4  }
0x71: {  	[tilespmem:$0x9F90] =	vst v1  }
0x72: {  	v1 =	vld [tilespmem:s5+$0x20];
	_ =	sdelay $0x4  }
0x73: {  	[tilespmem:$0x9F20] =	vst v1  }
0x74: {  	v1 =	vld [tilespmem:s5+$0x27A0];
	_ =	sdelay $0x4  }
0x75: {  	[tilespmem:$0x9FA0] =	vst v1  }
0x76: {  	v1 =	vld [tilespmem:s5+$0x30];
	_ =	sdelay $0x4  }
0x77: {  	[tilespmem:$0x9F30] =	vst v1  }
0x78: {  	v1 =	vld [tilespmem:s5+$0x27B0];
	_ =	sdelay $0x4  }
0x79: {  	[tilespmem:$0x9FB0] =	vst v1  }
0x7a: {  	v1 =	vld [tilespmem:s5+$0x40];
	_ =	sdelay $0x4  }
0x7b: {  	[tilespmem:$0x9F40] =	vst v1  }
0x7c: {  	v1 =	vld [tilespmem:s5+$0x27C0];
	_ =	sdelay $0x4  }
0x7d: {  	[tilespmem:$0x9FC0] =	vst v1  }
0x7e: {  	[tilespmem:s30], [sflag:$0x1] =	stream.indirect.gather [hbm4b:s4+s28], $0x80, s29, s28, $0xb8;
	[tilespmem:$0x1E000] =	vst v63  }
0x7f: {  	_ =	swait.ge [sflag:s24], $0x2800  }
.Ltmp1:
0x80: {  	[sflag:s24] =	ssyncset.done $0x0;
	(pc) =	sbr.rel @p0 .LBB2_4-.Ltmp1, $4  }
0x81: {  	[sflag:s24] =	ssyncadd.s32 $0xFFFFD800  }
0x82: {  	[spmem:s2] =	stream.indirect.scatter.add.f32 [tilespmem:s30], [sflag:$0x1], $0x80, s31, s28, $0xb8;
	[tilespmem:$0x1E000] =	vst v63  }
0x83: {  	_ =	swait.ge [sflag:s24], $0x2800  }
0x84: {  	s25 =	smov.u32 s6;
	[sflag:s24] =	ssyncset.done $0x0  }
0x85: {  	s0 =	sshra.s32 s0, $0x2;
	[sflag:s24] =	ssyncadd.s32 $0xFFFFD800  }
0x86: {  	v1 =	vld [tilespmem:s0+$0x0];
	_ =	sdelay $0x4  }
0x87: {  	[tilespmem:$0x9F00] =	vst v1  }
0x88: {  	v1 =	vld [tilespmem:s0+$0x2780];
	_ =	sdelay $0x4  }
0x89: {  	[tilespmem:$0x9F80] =	vst v1  }
0x8a: {  	v1 =	vld [tilespmem:s0+$0x10];
	_ =	sdelay $0x4  }
0x8b: {  	[tilespmem:$0x9F10] =	vst v1  }
0x8c: {  	v1 =	vld [tilespmem:s0+$0x2790];
	_ =	sdelay $0x4  }
0x8d: {  	[tilespmem:$0x9F90] =	vst v1  }
0x8e: {  	v1 =	vld [tilespmem:s0+$0x20];
	_ =	sdelay $0x4  }
0x8f: {  	[tilespmem:$0x9F20] =	vst v1  }
0x90: {  	v1 =	vld [tilespmem:s0+$0x27A0];
	_ =	sdelay $0x4  }
0x91: {  	[tilespmem:$0x9FA0] =	vst v1  }
0x92: {  	v1 =	vld [tilespmem:s0+$0x30];
	_ =	sdelay $0x4  }
0x93: {  	[tilespmem:$0x9F30] =	vst v1  }
0x94: {  	v1 =	vld [tilespmem:s0+$0x27B0];
	_ =	sdelay $0x4  }
0x95: {  	[tilespmem:$0x9FB0] =	vst v1  }
0x96: {  	v1 =	vld [tilespmem:s0+$0x40];
	_ =	sdelay $0x4  }
0x97: {  	[tilespmem:$0x9F40] =	vst v1  }
0x98: {  	v1 =	vld [tilespmem:s0+$0x27C0];
	_ =	sdelay $0x4  }
0x99: {  	[tilespmem:$0x9FC0] =	vst v1  }
0x9a: {  	[tilespmem:s30], [sflag:$0x1] =	stream.indirect.gather [hbm4b:s4+s28], $0x80, s29, s28, $0xb8;
	[tilespmem:$0x1E000] =	vst v63  }
0x9b: {  	_ =	swait.ge [sflag:s24], $0x2800  }
0x9c: {  	[sflag:s24] =	ssyncset.done $0x0  }
0x9d: {  	[sflag:s24] =	ssyncadd.s32 $0xFFFFD800  }
0x9e: {  	[spmem:s2] =	stream.indirect.scatter.add.f32 [tilespmem:s30], [sflag:$0x1], $0x80, s31, s28, $0xb8;
	[tilespmem:$0x1E000] =	vst v63  }
0x9f: {  	_ =	swait.ge [sflag:s24], $0x2800  }
0xa0: {  	[sflag:s24] =	ssyncset.done $0x0  }
0xa1: {  	[sflag:s24] =	ssyncadd.s32 $0xFFFFD800  }
0xa2: {  	[bflag:$0x0] =	sbarrier.arrive $0xFFFF  }
0xa3: {  	[tilespmem:s30], [sflag:$0x1] =	stream.linear.gather [spmem:s7], $0x2800, $0x38;
	[tilespmem:$0x1E000] =	vst v63  }
0xa4: {  	_ =	swait.ge [sflag:s24], $0x2800  }
0xa5: {  	[sflag:s24] =	ssyncset.done $0x0  }
0xa6: {  	[sflag:s24] =	ssyncadd.s32 $0xFFFFD800  }
0xa7: {  	[hbm4b:s16+s3] =	stream.linear.scatter [tilespmem:s30], [sflag:$0x1], $0x2800, $0x38;
	[tilespmem:$0x1E000] =	vst v63  }
0xa8: {  	_ =	swait.ge [sflag:s24], $0x2800  }
0xa9: {  	[sflag:s24] =	ssyncset.done $0x0  }
0xaa: {  	[sflag:s24] =	ssyncadd.s32 $0xFFFFD800  }
0xab: {  	[tilespmem:s30], [sflag:$0x1] =	stream.linear.gather [spmem:s9], $0x2800, $0x38;
	[tilespmem:$0x1E000] =	vst v63  }
0xac: {  	_ =	swait.ge [sflag:s24], $0x2800  }
0xad: {  	[sflag:s24] =	ssyncset.done $0x0  }
0xae: {  	[sflag:s24] =	ssyncadd.s32 $0xFFFFD800  }
0xaf: {  	[hbm4b:s17+s3] =	stream.linear.scatter [tilespmem:s30], [sflag:$0x1], $0x2800, $0x38;
	[tilespmem:$0x1E000] =	vst v63  }
0xb0: {  	_ =	swait.ge [sflag:s24], $0x2800  }
0xb1: {  	[sflag:s24] =	ssyncset.done $0x0  }
0xb2: {  	[sflag:s24] =	ssyncadd.s32 $0xFFFFD800  }
0xb3: {  	[tilespmem:s30], [sflag:$0x1] =	stream.linear.gather [spmem:s10], $0x2800, $0x38;
	[tilespmem:$0x1E000] =	vst v63  }
0xb4: {  	_ =	swait.ge [sflag:s24], $0x2800  }
0xb5: {  	[sflag:s24] =	ssyncset.done $0x0  }
0xb6: {  	[sflag:s24] =	ssyncadd.s32 $0xFFFFD800  }
0xb7: {  	[hbm4b:s18+s3] =	stream.linear.scatter [tilespmem:s30], [sflag:$0x1], $0x2800, $0x38;
	[tilespmem:$0x1E000] =	vst v63  }
0xb8: {  	_ =	swait.ge [sflag:s24], $0x2800  }
0xb9: {  	[sflag:s24] =	ssyncset.done $0x0  }
0xba: {  	[sflag:s24] =	ssyncadd.s32 $0xFFFFD800  }
0xbb: {  	[tilespmem:s30], [sflag:$0x1] =	stream.linear.gather [spmem:s11], $0x2800, $0x38;
	[tilespmem:$0x1E000] =	vst v63  }
0xbc: {  	_ =	swait.ge [sflag:s24], $0x2800  }
0xbd: {  	[sflag:s24] =	ssyncset.done $0x0  }
0xbe: {  	[sflag:s24] =	ssyncadd.s32 $0xFFFFD800  }
0xbf: {  	[hbm4b:s19+s3] =	stream.linear.scatter [tilespmem:s30], [sflag:$0x1], $0x2800, $0x38;
	[tilespmem:$0x1E000] =	vst v63  }
0xc0: {  	_ =	swait.ge [sflag:s24], $0x2800  }
0xc1: {  	[sflag:s24] =	ssyncset.done $0x0  }
0xc2: {  	[sflag:s24] =	ssyncadd.s32 $0xFFFFD800  }
0xc3: {  	[tilespmem:s30], [sflag:$0x1] =	stream.linear.gather [spmem:s12], $0x2800, $0x38;
	[tilespmem:$0x1E000] =	vst v63  }
0xc4: {  	_ =	swait.ge [sflag:s24], $0x2800  }
0xc5: {  	[sflag:s24] =	ssyncset.done $0x0  }
0xc6: {  	[sflag:s24] =	ssyncadd.s32 $0xFFFFD800  }
0xc7: {  	[hbm4b:s20+s3] =	stream.linear.scatter [tilespmem:s30], [sflag:$0x1], $0x2800, $0x38;
	[tilespmem:$0x1E000] =	vst v63  }
0xc8: {  	_ =	swait.ge [sflag:s24], $0x2800  }
0xc9: {  	[sflag:s24] =	ssyncset.done $0x0  }
0xca: {  	[sflag:s24] =	ssyncadd.s32 $0xFFFFD800  }
0xcb: {  	[tilespmem:s30], [sflag:$0x1] =	stream.linear.gather [spmem:s13], $0x2800, $0x38;
	[tilespmem:$0x1E000] =	vst v63  }
0xcc: {  	_ =	swait.ge [sflag:s24], $0x2800  }
0xcd: {  	[sflag:s24] =	ssyncset.done $0x0  }
0xce: {  	[sflag:s24] =	ssyncadd.s32 $0xFFFFD800  }
0xcf: {  	[hbm4b:s21+s3] =	stream.linear.scatter [tilespmem:s30], [sflag:$0x1], $0x2800, $0x38;
	[tilespmem:$0x1E000] =	vst v63  }
0xd0: {  	_ =	swait.ge [sflag:s24], $0x2800  }
0xd1: {  	[sflag:s24] =	ssyncset.done $0x0  }
0xd2: {  	[sflag:s24] =	ssyncadd.s32 $0xFFFFD800  }
0xd3: {  	[tilespmem:s30], [sflag:$0x1] =	stream.linear.gather [spmem:s14], $0x2800, $0x38;
	[tilespmem:$0x1E000] =	vst v63  }
0xd4: {  	_ =	swait.ge [sflag:s24], $0x2800  }
0xd5: {  	[sflag:s24] =	ssyncset.done $0x0  }
0xd6: {  	[sflag:s24] =	ssyncadd.s32 $0xFFFFD800  }
0xd7: {  	[hbm4b:s22+s3] =	stream.linear.scatter [tilespmem:s30], [sflag:$0x1], $0x2800, $0x38;
	[tilespmem:$0x1E000] =	vst v63  }
0xd8: {  	_ =	swait.ge [sflag:s24], $0x2800  }
0xd9: {  	[sflag:s24] =	ssyncset.done $0x0  }
0xda: {  	[sflag:s24] =	ssyncadd.s32 $0xFFFFD800  }
0xdb: {  	[tilespmem:s30], [sflag:$0x1] =	stream.linear.gather [spmem:s15], $0x2800, $0x38;
	[tilespmem:$0x1E000] =	vst v63  }
0xdc: {  	s1 =	sadd.s32 $0x1, s1;
	_ =	swait.ge [sflag:s24], $0x2800  }
0xdd: {  	p0 =	sne.s32 s1, s8;
	[sflag:s24] =	ssyncset.done $0x0  }
.Ltmp2:
0xde: {  	[sflag:s24] =	ssyncadd.s32 $0xFFFFD800;
	(pc) =	sbr.rel @p0 .LBB2_1-.Ltmp2, $4  }
0xdf: {  	[hbm4b:s23+s3] =	stream.linear.scatter [tilespmem:s30], [sflag:$0x1], $0x2800, $0x38;
	[tilespmem:$0x1E000] =	vst v63  }
0xe0: {  	_ =	swait.ge [sflag:s24], $0x2800  }
0xe1: {  	[sflag:s24] =	ssyncset.done $0x0  }
0xe2: {  	[sflag:s24] =	ssyncadd.s32 $0xFFFFD800  }
0xe3: {  	_ =	sfence.sel $0x180000  }
0xe4: {  	[bflag:$0x0] =	sbarrier.arrive $0xFFFF  }
0xe5: {  	_ =	strace $0x9000004D  }
0xe6: {  	s0 =	stileid.u32;
	[bflag:$0x2] =	sbarrier.arrive $0xFFFF  }
0xe7: {  	p0 =	sne.s32 s0, $0x0;
	s0 =	rddreg [dreg:$0x2]  }
0xe8: {  	s0 =	sadd.s32 @!p0 $0x100000, s0  }
0xe9: {  	[sflag:s0] =	ssyncadd.tile.s32 @!p0 $0x1;
	_ =	shalt  }
.Lfunc_end2:
_tile_overlayer_lowered:
.L_overlay_start_2:
0xea: {  	(tag) =	ssettag $0x2  }
0xeb: {  	s0 =	rddreg [dreg:$0x0];
	s2 =	stileid.u32  }
0xec: {  	s1 =	rddreg [dreg:$0x1];
	p0 =	sne.s32 s2, $0x0  }
0xed: {  	s3 =	rddreg [dreg:$0x2];
	[bflag:$0x3] =	sbarrier.arrive $0xFFFF;
	s2 =	simm.s32 @!p0 $0x1C01  }
0xee: {  	[timem:s3], [sflag:s2] =	dma.local @!p0 [hbm:s0], s1  }
0xef: {  	s0 =	simm.s32 @!p0 $0x1  }
0xf0: {  	_ =	swait.ge @!p0 [sflag:s0], s1  }
0xf1: {  	s1 =	ssub.s32 @!p0 $0x0, s1;
	[sflag:s0] =	ssyncset.done @!p0 $0x0  }
0xf2: {  	[sflag:s0] =	ssyncadd.s32 @!p0 s1  }
0xf3: {  	[bflag:$0x3] =	sbarrier.arrive $0xFFFF  }
0xf4: {  	_ =	shalt  }

// kernel: kernel.14.cloned.1.call-start
scs
__scs_entry_jumppad:
0x0: {  	(pc) =	sbr.rel $0x88, $3  }
0x1: {  	(tag) =	ssettag $0x0;
	lr =	simm.s32 $0x1  }
0x2: {  	[smem:$0x3F94] =	sst lr;
	_ =	strace $0xD0000000  }
0x3: {  	_ = 	snop  }
0x4: {  	_ = 	snop  }
0x5: {  	_ = 	snop  }
0x6: {  	_ = 	snop  }
0x7: {  	_ = 	snop  }
__scs_overlays_trampoline_lowered:
0x8: {  	[smem:$0x3FA3] =	sst s0  }
0x9: {  	[smem:$0x3FA4] =	sst s1  }
0xa: {  	[smem:$0x3FA5] =	sst s2  }
0xb: {  	[smem:$0x3FA6] =	sst s3  }
0xc: {  	[smem:$0x3FA7] =	sst s4  }
0xd: {  	[smem:$0x3FA8] =	sst s5  }
0xe: {  	[smem:$0x3FA9] =	sst s6  }
0xf: {  	[smem:$0x3FAA] =	sst s7  }
0x10: {  	[smem:$0x3FAB] =	sst s8  }
0x11: {  	[smem:$0x3FAC] =	sst s9;
	s0 =	simm.s32 @!p0 $0x0  }
0x12: {  	s1 =	sld [smem:$0x3F92];
	s0 =	simm.s32 @p0 $0x1  }
0x13: {  	[smem:$0x3FAD] =	sst s0;
	s0 =	simm.s32 @!p1 $0x0  }
0x14: {  	s2 =	sld [smem:$0x3F91];
	s0 =	simm.s32 @p1 $0x1  }
0x15: {  	[smem:$0x3FAE] =	sst s0;
	s0 =	simm.s32 @!p2 $0x0  }
0x16: {  	s3 =	sld [smem:$0x3FDB];
	s0 =	simm.s32 @p2 $0x1  }
0x17: {  	s4 =	simm.s32 $0x1BF5;
	[smem:$0x3FB0] =	sst s0  }
0x18: {  	s0 =	sld [smem:$0x3F93];
	_ =	swait.ge [sflag:s4], $0x0  }
0x19: {  	s7 =	sld [smem:$0x3F94]  }
0x1a: {  	s8 =	sadd.s32 $0xFFFFE003, lr  }
0x1b: {  	s9 =	sadd.s32 $0xFFFFFEF7, lr;
	s5 =	simm.s32 $0xFFFFFFFF;
	p2 =	slt.u32 s8, $0xFFFFF086  }
0x1c: {  	p1 =	slt.u32 s9, $0xF7A;
	s5 =	simm.s32 @!p2 $0x0  }
0x1d: {  	s5 =	simm.s32 @p1 $0x1;
	p0 =	seq.s32 s7, s2  }
0x1e: {  	s7 =	smul.u32 @!p0 $0xF7A, s2;
	p2 =	seq.s32 @!p0 s5, $0x0  }
0x1f: {  	s9 =	smul.u32 $0xF7A, s1;
	s8 =	simm.s32 @!p0 $0x1BF5;
	p2 =	por !p2, p0  }
0x20: {  	[sflag:s8] =	ssyncset.s32 @!p0 $0xFFFFF086;
	s6 =	sadd.s32 @!p0 s3, s7;
	s7 =	simm.s32 @!p0 $0x108  }
0x21: {  	s3 =	sadd.s32 s3, s9;
	s6 =	sadd.s32 @!p0 $0x88, s6;
	s7 =	simm.s32 @p2 $0x1082  }
0x22: {  	[simem:s7], [sflag:s8] =	dma.local @!p0 [hbm:s6], $0xF7A  }
0x23: {  	s9 =	sor.u32 $0xD0000000, s2;
	s6 =	simm.s32 $0x108;
	_ =	swait.ge @!p0 [sflag:s8], $0x0  }
0x24: {  	s3 =	sadd.s32 $0x88, s3;
	s6 =	simm.s32 @!p1 $0x1082;
	[sflag:s4] =	ssyncset.s32 $0xFFFFF086  }
0x25: {  	[simem:s6], [sflag:s4] =	dma.local [hbm:s3], $0xF7A  }
0x26: {  	[smem:$0x3F94] =	sst s1;
	(tag) =	ssettag s2;
	_ =	strace s9  }
0x27: {  	s1 =	sld [smem:$0x3FA4]  }
0x28: {  	s2 =	sld [smem:$0x3FA5]  }
0x29: {  	s4 =	sld [smem:$0x3FA7]  }
0x2a: {  	p0 =	seq.s32 s5, $0x0;
	s5 =	sld [smem:$0x3FA8]  }
0x2b: {  	s6 =	sld [smem:$0x3FA9]  }
0x2c: {  	s7 =	sld [smem:$0x3FAA]  }
0x2d: {  	s3 =	simm.s32 $0x108;
	s8 =	sld [smem:$0x3FAB]  }
0x2e: {  	s3 =	simm.s32 @!p0 $0x1082;
	s9 =	sld [smem:$0x3FAC]  }
0x2f: {  	lr =	sadd.s32 s0, s3;
	s0 =	sld [smem:$0x3FA3]  }
0x30: {  	s3 =	sld [smem:$0x3FA6]  }
0x31: {  	[smem:$0x3FAF] =	sst s10  }
0x32: {  	s10 =	sld [smem:$0x3FAD];
	_ =	sdelay $0x3  }
0x33: {  	p0 =	seq.s32 s10, $0x1;
	s10 =	sld [smem:$0x3FAF];
	_ =	sdelay $0x3  }
0x34: {  	[smem:$0x3FAF] =	sst s10  }
0x35: {  	s10 =	sld [smem:$0x3FAE];
	_ =	sdelay $0x3  }
0x36: {  	p1 =	seq.s32 s10, $0x1;
	s10 =	sld [smem:$0x3FAF];
	_ =	sdelay $0x3  }
0x37: {  	[smem:$0x3FAF] =	sst s10  }
0x38: {  	s10 =	sld [smem:$0x3FB0]  }
0x39: {  	_ = 	snop;
	(pc) =	sbr.ind lr, $3  }
0x3a: {  	_ = 	snop  }
0x3b: {  	_ = 	snop  }
0x3c: {  	p2 =	seq.s32 s10, $0x1;
	s10 =	sld [smem:$0x3FAF]  }
0x3d: {  	_ =	shalt  }
0x3e: {  	_ =	shalt  }
0x3f: {  	_ =	shalt  }
0x40: {  	_ =	shalt  }
0x41: {  	_ =	shalt  }
0x42: {  	_ =	shalt  }
0x43: {  	_ =	shalt  }
0x44: {  	_ =	shalt  }
0x45: {  	_ =	shalt  }
0x46: {  	_ =	shalt  }
0x47: {  	_ =	shalt  }
0x48: {  	_ =	shalt  }
0x49: {  	_ =	shalt  }
0x4a: {  	_ =	shalt  }
0x4b: {  	_ =	shalt  }
0x4c: {  	_ =	shalt  }
0x4d: {  	_ =	shalt  }
0x4e: {  	_ =	shalt  }
0x4f: {  	_ =	shalt  }
0x50: {  	_ =	shalt  }
0x51: {  	_ =	shalt  }
0x52: {  	_ =	shalt  }
0x53: {  	_ =	shalt  }
0x54: {  	_ =	shalt  }
0x55: {  	_ =	shalt  }
0x56: {  	_ =	shalt  }
0x57: {  	_ =	shalt  }
0x58: {  	_ =	shalt  }
0x59: {  	_ =	shalt  }
0x5a: {  	_ =	shalt  }
0x5b: {  	_ =	shalt  }
0x5c: {  	_ =	shalt  }
0x5d: {  	_ =	shalt  }
0x5e: {  	_ =	shalt  }
0x5f: {  	_ =	shalt  }
0x60: {  	_ =	shalt  }
0x61: {  	_ =	shalt  }
0x62: {  	_ =	shalt  }
0x63: {  	_ =	shalt  }
0x64: {  	_ =	shalt  }
0x65: {  	_ =	shalt  }
0x66: {  	_ =	shalt  }
0x67: {  	_ =	shalt  }
0x68: {  	_ =	shalt  }
0x69: {  	_ =	shalt  }
0x6a: {  	_ =	shalt  }
0x6b: {  	_ =	shalt  }
0x6c: {  	_ =	shalt  }
0x6d: {  	_ =	shalt  }
0x6e: {  	_ =	shalt  }
0x6f: {  	_ =	shalt  }
0x70: {  	_ =	shalt  }
0x71: {  	_ =	shalt  }
0x72: {  	_ =	shalt  }
0x73: {  	_ =	shalt  }
0x74: {  	_ =	shalt  }
0x75: {  	_ =	shalt  }
0x76: {  	_ =	shalt  }
0x77: {  	_ =	shalt  }
0x78: {  	_ =	shalt  }
0x79: {  	_ =	shalt  }
0x7a: {  	_ =	shalt  }
0x7b: {  	_ =	shalt  }
0x7c: {  	_ =	shalt  }
0x7d: {  	_ =	shalt  }
0x7e: {  	_ =	shalt  }
0x7f: {  	_ =	shalt  }
0x80: {  	_ =	shalt  }
0x81: {  	_ =	shalt  }
0x82: {  	_ =	shalt  }
0x83: {  	_ =	shalt  }
0x84: {  	_ =	shalt  }
0x85: {  	_ =	shalt  }
0x86: {  	_ =	shalt  }
0x87: {  	_ =	shalt  }
.Lfunc_end0:
.L_simem_size_0:
called_computation.2_lowered:
.L_overlay_start_0:
0x88: {  	s2 =	sld [smem:$0x3FD9]  }
0x89: {  	s3 =	sld [smem:$0x3FFE];
	_ =	sdelay $0x1  }
0x8a: {  	s1 =	srdreg.scid  }
0x8b: {  	s0 =	sand.u32 $0x1, s1  }
0x8c: {  	s17 =	sshll.u32 s0, $0xA;
	s2 =	sadd.s32 s3, s2  }
0x8d: {  	s2 =	sadd.s32 s2, s17  }
0x8e: {  	[smem:$0x3FBB] =	sst s2  }
0x8f: {  	_ = 	snop  }
0x90: {  	s2 =	sld [smem:$0x3FBD];
	(tm) =	ssettm $0x1  }
0x91: {  	s18 =	sld [smem:$0x3FFB];
	_ =	sdelay $0x3  }
0x92: {  	_ =	strace s18  }
0x93: {  	s3 =	sld [smem:$0x3FFC];
	_ =	sdelay $0x3  }
0x94: {  	_ =	strace s3  }
0x95: {  	s3 =	sld [smem:$0x3FFD];
	_ =	sdelay $0x3  }
0x96: {  	_ =	strace s3  }
0x97: {  	_ =	strace $0x8FFFFFFF  }
0x98: {  	s19 =	sld [smem:$0x3FDB];
	_ =	sdelay $0x1  }
0x99: {  	s4 =	simm.s32 $_scs_section_size  }
0x9a: {  	s5 =	simm.s32 $_size__tile_overlayer_lowered;
	s6 =	simm.s32 $_tile_overlayer_lowered  }
0x9b: {  	s22 =	simm.s32 $0x1BFF;
	s21 =	sshll.u32 s6, $0x1;
	s3 =	sadd.s32 s4, s19  }
0x9c: {  	s7 =	simm.s32 $0x0;
	s20 =	sshll.u32 s5, $0x1;
	s5 =	sadd.s32 s21, s3  }
0x9d: {  	[timem:s7], [sflag:s22] =	dma.local [hbm:s5], s20  }
0x9e: {  	_ =	swait.ge [sflag:s22], s20  }
0x9f: {  	s4 =	ssub.s32 $0x0, s20;
	[sflag:s22] =	ssyncset.done $0x0  }
0xa0: {  	[sflag:s22] =	ssyncadd.s32 s4;
	_ =	sdelay $0x1  }
0xa1: {  	s23 =	simm.s32 $0x1B8B  }
0xa2: {  	_ =	swait.ge [sflag:s23], $0x1  }
0xa3: {  	[sflag:s23] =	ssyncset.done $0x0  }
0xa4: {  	s25 =	simm.s32 $0x1B8E;
	s24 =	sld [smem:$0x3FFE];
	[sflag:s23] =	ssyncadd.s32 $0xFFFFFFFF  }
0xa5: {  	s26 =	simm.s32 $execute0_lowered;
	[smem:$0x3FD2] =	sst s25  }
0xa6: {  	s5 =	sshll.u32 s26, $0x1;
	_ =	strace $0x80000049;
	[dreg:$0x1] =	wrdreg $0xFFFFFFFF  }
0xa7: {  	s28 =	simm.s32 $_size_execute0_lowered;
	s3 =	sadd.s32 s3, s5;
	[dreg:$0x0] =	wrdreg $0x0  }
0xa8: {  	s5 =	sshll.u32 s28, $0x1;
	[dreg:$0x2] =	wrdreg s3  }
0xa9: {  	[dreg:$0x3] =	wrdreg s5  }
0xaa: {  	[dreg:$0x4] =	wrdreg $0xC0  }
0xab: {  	_ =	task [dreg:s7], $0x5FFFF  }
0xac: {  	[dreg:$0x1] =	wrdreg $0xFFFFFFFF  }
0xad: {  	[dreg:$0x0] =	wrdreg $0x60  }
0xae: {  	[dreg:$0x2] =	wrdreg s24  }
0xaf: {  	[dreg:$0x3] =	wrdreg s2  }
0xb0: {  	[dreg:$0x4] =	wrdreg $0xC7800  }
0xb1: {  	[dreg:$0x5] =	wrdreg $0xA  }
0xb2: {  	_ =	task.clear_ibuf [dreg:s7], $0x6FFFF;
	_ =	strace $0x90000049  }
0xb3: {  	s29 =	simm.s32 $0xA;
	_ =	strace $0x8000004B  }
0xb4: {  	_ =	swait.ge [sflag:s29], $0x1  }
0xb5: {  	[sflag:s29] =	ssyncadd.s32 $0xFFFFFFFF  }
0xb6: {  	_ =	strace $0x9000004B  }
0xb7: {  	_ =	sfence  }
0xb8: {  	s30 =	sld [smem:$0x0];
	_ =	sdelay $0x2  }
0xb9: {  	s31 =	sshll.u32 s1, $0xD;
	s1 =	sshrl.u32 s1, $0x2  }
0xba: {  	s3 =	sand.u32 $0x4000, s31;
	s1 =	sadd.s32 s1, s30  }
0xbb: {  	s0 =	sor.u32 s3, s0;
	s1 =	sshll.u32 s1, $0x11  }
0xbc: {  	s0 =	sor.u32 s1, s0  }
0xbd: {  	s0 =	sadd.s32 $0x8F2B, s0  }
0xbe: {  	[sflag:s0] =	ssyncadd.remote.s32 $0x1  }
0xbf: {  	_ =	sfence.sel $0xFFFF  }
0xc0: {  	[dreg:$0x0] =	wrdreg $0xFFFFFFFF;
	(pc) =	sbr.abs _section_cstart, $3  }
0xc1: {  	[dreg:$0x1] =	wrdreg $0xFFFFFFFF  }
0xc2: {  	_ =	task.clear_ibuf [dreg:s7], $0x2FFFF;
	_ =	strace $0x9FFFFFFF  }
0xc3: {  	(tm) =	ssettm $0x7FFFFFFF  }
tec
execute0_lowered:
.L_overlay_start_1:
0x0: {  	(tag) =	ssettag $0x1  }
0x1: {  	s1 =	rddreg [dreg:$0x0]  }
0x2: {  	s2 =	rddreg [dreg:$0x1]  }
0x3: {  	s0 =	srdreg.scid;
	s3 =	rddreg [dreg:$0x2]  }
0x4: {  	s22 =	simm.s32 $0x2780;
	s23 =	simm.s32 $0x4F00;
	s24 =	simm.s32 $0x7700  }
0x5: {  	s25 =	simm.s32 $0x9F00;
	s8 =	sand.u32 $0x1, s0;
	s0 =	stileid.u32  }
0x6: {  	s28 =	simm.s32 $0xC700;
	s29 =	simm.s32 $0x9E80;
	s10 =	smul.u32 $0x28000, s0  }
0x7: {  	s30 =	simm.s32 $0x0;
	s4 =	sshll.u32 s8, $0x4;
	s16 =	smul.u32 $0xA000, s0  }
0x8: {  	s6 =	ssub.s32 $0x2, s8;
	s17 =	smul.u32 $0xA0000, s8;
	s5 =	sor.u32 s0, s4  }
0x9: {  	s4 =	simm.s32 $0x0;
	s9 =	sshrl.u32 s6, $0x1;
	s5 =	smul.u32 $0x2710, s5  }
0xa: {  	[smem:$0x7FF] =	sst s4;
	s11 =	ssub.s32 s6, s9;
	s26 =	sshrl.u32 s10, $0x2  }
0xb: {  	s9 =	sadd.s32 s16, s3;
	s14 =	sadd.s32 s17, s16;
	s18 =	sadd.s32 $0x2800, s16  }
0xc: {  	s19 =	sadd.s32 $0x5000, s16;
	s20 =	sadd.s32 $0x7800, s16;
	_ =	strace $0x8000004A  }
0xd: {  	s8 =	sadd.s32 s26, s3;
	s10 =	smax.u32 s11, $0x1;
	s14 =	sshrl.u32 s14, $0x3  }
0xe: {  	s15 =	sadd.s32 s18, s3;
	s18 =	sadd.s32 s17, s18;
	s31 =	sadd.s32 s17, s19  }
0xf: {  	s21 =	sadd.s32 s17, s20;
	s17 =	sadd.s32 s19, s3;
	s19 =	sadd.s32 s20, s3  }
0x10: {  	s26 =	simm.s32 $0x50;
	s5 =	sshrl.u32 s5, $0x3;
	s11 =	sadd.s32 $0x2800, s8  }
0x11: {  	s12 =	sadd.s32 $0x5000, s8;
	s13 =	sadd.s32 $0x7800, s8;
	s18 =	sshrl.u32 s18, $0x3  }
0x12: {  	s21 =	sshrl.u32 s21, $0x3;
	s7 =	sadd.s32 s5, s1;
	s5 =	sadd.s32 $0x17400, s1  }
0x13: {  	s1 =	sadd.s32 $0x3FA00, s1;
	s6 =	sadd.s32 $0x3A00, s7;
	s7 =	sadd.s32 $0xD640, s7  }
0x14: {  	s14 =	sadd.s32 s1, s14;
	s16 =	sadd.s32 s1, s18;
	s18 =	sshrl.u32 s31, $0x3  }
0x15: {  	v0 =	vimm.f32 $0.0e+00;
	s20 =	sadd.s32 s1, s21;
	s21 =	simm.s32 $0x1;
	s18 =	sadd.s32 s1, s18  }
.LBB2_1:
0x16: {  	[tilespmem:s4], [sflag:$0x1] =	stream.linear.gather [hbm4b:s6+s4], $0x2710, $0x38;
	[tilespmem:$0x16780] =	vst v63  }
0x17: {  	_ =	swait.ge [sflag:s21], $0x2710  }
0x18: {  	[sflag:s21] =	ssyncset.done $0x0  }
0x19: {  	[sflag:s21] =	ssyncadd.s32 $0xFFFFD8F0  }
0x1a: {  	[tilespmem:s22], [sflag:$0x1] =	stream.linear.gather [hbm4b:s7+s4], $0x2710, $0x38;
	[tilespmem:$0x16780] =	vst v63  }
0x1b: {  	_ =	swait.ge [sflag:s21], $0x2710  }
0x1c: {  	[sflag:s21] =	ssyncset.done $0x0  }
0x1d: {  	[sflag:s21] =	ssyncadd.s32 $0xFFFFD8F0  }
0x1e: {  	[tilespmem:s23], [sflag:$0x1] =	stream.linear.gather [hbm4b:s5+s4], $0x2800, $0x38;
	[tilespmem:$0x16780] =	vst v63  }
0x1f: {  	_ =	swait.ge [sflag:s21], $0x2800  }
0x20: {  	[sflag:s21] =	ssyncset.done $0x0  }
0x21: {  	[sflag:s21] =	ssyncadd.s32 $0xFFFFD800  }
0x22: {  	[tilespmem:s24], [sflag:$0x1] =	stream.linear.gather [hbm4b:s2+s4], $0x2780, $0x38;
	[tilespmem:$0x16780] =	vst v63  }
0x23: {  	_ =	swait.ge [sflag:s21], $0x2780  }
0x24: {  	[sflag:s21] =	ssyncset.done $0x0  }
0x25: {  	s31 =	simm.s32 $0x40;
	s1 =	simm.s32 $0x0;
	[sflag:s21] =	ssyncadd.s32 $0xFFFFD880  }
.LBB2_2:
0x26: {  	p0 =	sne.s32 s31, $0x9FC0;
	[tilespmem:s1+$0x9F00] =	vst v0;
	s1 =	smov.u32 s31;
	s31 =	sadd.s32 $0x40, s31  }
.Ltmp0:
0x27: {  	(pc) =	sbr.rel @p0 .LBB2_2-.Ltmp0, $2  }
0x28: {  	_ =	sdelay $0x2  }
0x29: {  	s1 =	sshra.s32 s1, $0x2  }
0x2a: {  	[tilespmem:s1+$0x9F00] =	vst v0  }
0x2b: {  	[spmem:s8] =	stream.linear.scatter [tilespmem:s25], [sflag:$0x1], $0x2800, $0x38;
	[tilespmem:$0x16780] =	vst v63  }
0x2c: {  	_ =	swait.ge [sflag:s21], $0x2800  }
0x2d: {  	[sflag:s21] =	ssyncset.done $0x0  }
0x2e: {  	[sflag:s21] =	ssyncadd.s32 $0xFFFFD800  }
0x2f: {  	[spmem:s11] =	stream.linear.scatter [tilespmem:s25], [sflag:$0x1], $0x2800, $0x38;
	[tilespmem:$0x16780] =	vst v63  }
0x30: {  	_ =	swait.ge [sflag:s21], $0x2800  }
0x31: {  	[sflag:s21] =	ssyncset.done $0x0  }
0x32: {  	[sflag:s21] =	ssyncadd.s32 $0xFFFFD800  }
0x33: {  	[spmem:s12] =	stream.linear.scatter [tilespmem:s25], [sflag:$0x1], $0x2800, $0x38;
	[tilespmem:$0x16780] =	vst v63  }
0x34: {  	_ =	swait.ge [sflag:s21], $0x2800  }
0x35: {  	[sflag:s21] =	ssyncset.done $0x0  }
0x36: {  	[sflag:s21] =	ssyncadd.s32 $0xFFFFD800  }
0x37: {  	[spmem:s13] =	stream.linear.scatter [tilespmem:s25], [sflag:$0x1], $0x2800, $0x38;
	[tilespmem:$0x16780] =	vst v63  }
0x38: {  	_ =	swait.ge [sflag:s21], $0x2800  }
0x39: {  	[sflag:s21] =	ssyncset.done $0x0  }
0x3a: {  	[sflag:s21] =	ssyncadd.s32 $0xFFFFD800  }
0x3b: {  	s31 =	simm.s32 $0x0;
	[bflag:$0x0] =	sbarrier.arrive $0xFFFF  }
.LBB2_4:
0x3c: {  	s1 =	sshra.s32 s31, $0x2  }
0x3d: {  	v1 =	vld [tilespmem:s1+$0x2780]  }
0x3e: {  	v2 =	vld [tilespmem:s1+$0x0];
	_ =	sdelay $0x6  }
0x3f: {  	v3 =	vld.idx.msk [tilespmem:v1+s24+$0x0], $0xffff  }
0x40: {  	v4 =	vld.idx.msk [tilespmem:v2+s23+$0x0], $0xffff  }
0x41: {  	v1 =	vld.idx.msk [tilespmem:v1+s23+$0x0], $0xffff;
	_ =	sdelay $0x4  }
0x42: {  	v3 =	vmul.u32 $0x2800, v3;
	v1 =	vmul.f32 v1, v4;
	_ =	sdelay $0x1  }
0x43: {  	v2 =	vadd.s32 v2, v3;
	[tilespmem:$0x9E80] =	vst v1  }
0x44: {  	[tilespmem:$0xC700] =	vst v2  }
0x45: {  	v1 =	vld [tilespmem:s1+$0x2790]  }
0x46: {  	v2 =	vld [tilespmem:s1+$0x10];
	_ =	sdelay $0x6  }
0x47: {  	v3 =	vld.idx.msk [tilespmem:v1+s24+$0x0], $0xffff  }
0x48: {  	v60 =	vld.idx.msk [tilespmem:v2+s23+$0x0], $0xffff  }
0x49: {  	v1 =	vld.idx.msk [tilespmem:v1+s23+$0x0], $0xffff;
	_ =	sdelay $0x4  }
0x4a: {  	v3 =	vmul.u32 $0x2800, v3;
	v1 =	vmul.f32 v1, v60;
	_ =	sdelay $0x1  }
0x4b: {  	v2 =	vadd.s32 v2, v3;
	[tilespmem:$0x9E90] =	vst v1  }
0x4c: {  	[tilespmem:$0xC710] =	vst v2  }
0x4d: {  	v1 =	vld [tilespmem:s1+$0x27A0]  }
0x4e: {  	v2 =	vld [tilespmem:s1+$0x20];
	_ =	sdelay $0x6  }
0x4f: {  	v3 =	vld.idx.msk [tilespmem:v1+s24+$0x0], $0xffff  }
0x50: {  	v61 =	vld.idx.msk [tilespmem:v2+s23+$0x0], $0xffff  }
0x51: {  	v1 =	vld.idx.msk [tilespmem:v1+s23+$0x0], $0xffff;
	_ =	sdelay $0x4  }
0x52: {  	v3 =	vmul.u32 $0x2800, v3;
	v1 =	vmul.f32 v1, v61;
	_ =	sdelay $0x1  }
0x53: {  	v2 =	vadd.s32 v2, v3;
	[tilespmem:$0x9EA0] =	vst v1  }
0x54: {  	[tilespmem:$0xC720] =	vst v2  }
0x55: {  	v1 =	vld [tilespmem:s1+$0x27B0]  }
0x56: {  	v2 =	vld [tilespmem:s1+$0x30];
	_ =	sdelay $0x6  }
0x57: {  	v3 =	vld.idx.msk [tilespmem:v1+s24+$0x0], $0xffff  }
0x58: {  	v62 =	vld.idx.msk [tilespmem:v2+s23+$0x0], $0xffff  }
0x59: {  	v1 =	vld.idx.msk [tilespmem:v1+s23+$0x0], $0xffff;
	_ =	sdelay $0x4  }
0x5a: {  	v3 =	vmul.u32 $0x2800, v3;
	v1 =	vmul.f32 v1, v62;
	_ =	sdelay $0x1  }
0x5b: {  	v2 =	vadd.s32 v2, v3;
	[tilespmem:$0x9EB0] =	vst v1  }
0x5c: {  	[tilespmem:$0xC730] =	vst v2  }
0x5d: {  	v1 =	vld [tilespmem:s1+$0x27C0]  }
0x5e: {  	v2 =	vld [tilespmem:s1+$0x40];
	_ =	sdelay $0x6  }
0x5f: {  	v3 =	vld.idx.msk [tilespmem:v1+s24+$0x0], $0xffff  }
0x60: {  	v63 =	vld.idx.msk [tilespmem:v2+s23+$0x0], $0xffff  }
0x61: {  	v1 =	vld.idx.msk [tilespmem:v1+s23+$0x0], $0xffff;
	_ =	sdelay $0x4  }
0x62: {  	v3 =	vmul.u32 $0x2800, v3;
	v1 =	vmul.f32 v1, v63;
	_ =	sdelay $0x1  }
0x63: {  	p0 =	sne.s32 s31, $0x9B00;
	v2 =	vadd.s32 v2, v3;
	[tilespmem:$0x9EC0] =	vst v1  }
.Ltmp1:
0x64: {  	[tilespmem:$0xC740] =	vst v2;
	(pc) =	sbr.rel @p0 .LBB2_4-.Ltmp1, $4  }
0x65: {  	[spmem:s3] =	stream.indirect.scatter.add.f32 [tilespmem:s29], [sflag:$0x1], $0x1, s28, s26, $0xb8;
	[tilespmem:$0x16780] =	vst v63  }
0x66: {  	_ =	swait.ge [sflag:s21], $0x50  }
0x67: {  	[sflag:s21] =	ssyncset.done $0x0  }
0x68: {  	s31 =	sadd.s32 $0x140, s31;
	[sflag:s21] =	ssyncadd.s32 $0xFFFFFFB0  }
0x69: {  	[bflag:$0x0] =	sbarrier.arrive $0xFFFF  }
0x6a: {  	[tilespmem:s25], [sflag:$0x1] =	stream.linear.gather [spmem:s9], $0x2800, $0x38;
	[tilespmem:$0x16780] =	vst v63  }
0x6b: {  	_ =	swait.ge [sflag:s21], $0x2800  }
0x6c: {  	[sflag:s21] =	ssyncset.done $0x0  }
0x6d: {  	[sflag:s21] =	ssyncadd.s32 $0xFFFFD800  }
0x6e: {  	[hbm4b:s14+s4] =	stream.linear.scatter [tilespmem:s25], [sflag:$0x1], $0x2800, $0x38;
	[tilespmem:$0x16780] =	vst v63  }
0x6f: {  	_ =	swait.ge [sflag:s21], $0x2800  }
0x70: {  	[sflag:s21] =	ssyncset.done $0x0  }
0x71: {  	[sflag:s21] =	ssyncadd.s32 $0xFFFFD800  }
0x72: {  	[tilespmem:s25], [sflag:$0x1] =	stream.linear.gather [spmem:s15], $0x2800, $0x38;
	[tilespmem:$0x16780] =	vst v63  }
0x73: {  	_ =	swait.ge [sflag:s21], $0x2800  }
0x74: {  	[sflag:s21] =	ssyncset.done $0x0  }
0x75: {  	[sflag:s21] =	ssyncadd.s32 $0xFFFFD800  }
0x76: {  	[hbm4b:s16+s4] =	stream.linear.scatter [tilespmem:s25], [sflag:$0x1], $0x2800, $0x38;
	[tilespmem:$0x16780] =	vst v63  }
0x77: {  	_ =	swait.ge [sflag:s21], $0x2800  }
0x78: {  	[sflag:s21] =	ssyncset.done $0x0  }
0x79: {  	[sflag:s21] =	ssyncadd.s32 $0xFFFFD800  }
0x7a: {  	[tilespmem:s25], [sflag:$0x1] =	stream.linear.gather [spmem:s17], $0x2800, $0x38;
	[tilespmem:$0x16780] =	vst v63  }
0x7b: {  	_ =	swait.ge [sflag:s21], $0x2800  }
0x7c: {  	[sflag:s21] =	ssyncset.done $0x0  }
0x7d: {  	[sflag:s21] =	ssyncadd.s32 $0xFFFFD800  }
0x7e: {  	[hbm4b:s18+s4] =	stream.linear.scatter [tilespmem:s25], [sflag:$0x1], $0x2800, $0x38;
	[tilespmem:$0x16780] =	vst v63  }
0x7f: {  	_ =	swait.ge [sflag:s21], $0x2800  }
0x80: {  	[sflag:s21] =	ssyncset.done $0x0  }
0x81: {  	[sflag:s21] =	ssyncadd.s32 $0xFFFFD800  }
0x82: {  	[tilespmem:s25], [sflag:$0x1] =	stream.linear.gather [spmem:s19], $0x2800, $0x38;
	[tilespmem:$0x16780] =	vst v63  }
0x83: {  	s30 =	sadd.s32 $0x1, s30;
	_ =	swait.ge [sflag:s21], $0x2800  }
0x84: {  	p0 =	sne.s32 s30, s10;
	[sflag:s21] =	ssyncset.done $0x0  }
.Ltmp2:
0x85: {  	[sflag:s21] =	ssyncadd.s32 $0xFFFFD800;
	(pc) =	sbr.rel @p0 .LBB2_1-.Ltmp2, $4  }
0x86: {  	[hbm4b:s20+s4] =	stream.linear.scatter [tilespmem:s25], [sflag:$0x1], $0x2800, $0x38;
	[tilespmem:$0x16780] =	vst v63  }
0x87: {  	_ =	swait.ge [sflag:s21], $0x2800  }
0x88: {  	[sflag:s21] =	ssyncset.done $0x0  }
0x89: {  	[sflag:s21] =	ssyncadd.s32 $0xFFFFD800  }
0x8a: {  	_ =	sfence.sel $0x180000  }
0x8b: {  	[bflag:$0x0] =	sbarrier.arrive $0xFFFF  }
0x8c: {  	_ =	strace $0x9000004A  }
0x8d: {  	[bflag:$0x2] =	sbarrier.arrive $0xFFFF  }
0x8e: {  	p0 =	sne.s32 s0, $0x0;
	s0 =	rddreg [dreg:$0x3]  }
0x8f: {  	s0 =	sadd.s32 @!p0 $0x100000, s0  }
0x90: {  	[sflag:s0] =	ssyncadd.tile.s32 @!p0 $0x1;
	_ =	shalt  }
.Lfunc_end2:
_tile_overlayer_lowered:
.L_overlay_start_2:
0x91: {  	(tag) =	ssettag $0x2  }
0x92: {  	s0 =	rddreg [dreg:$0x0];
	s2 =	stileid.u32  }
0x93: {  	s1 =	rddreg [dreg:$0x1];
	p0 =	sne.s32 s2, $0x0  }
0x94: {  	s3 =	rddreg [dreg:$0x2];
	[bflag:$0x3] =	sbarrier.arrive $0xFFFF;
	s2 =	simm.s32 @!p0 $0x1C01  }
0x95: {  	[timem:s3], [sflag:s2] =	dma.local @!p0 [hbm:s0], s1  }
0x96: {  	s0 =	simm.s32 @!p0 $0x1  }
0x97: {  	_ =	swait.ge @!p0 [sflag:s0], s1  }
0x98: {  	s1 =	ssub.s32 @!p0 $0x0, s1;
	[sflag:s0] =	ssyncset.done @!p0 $0x0  }
0x99: {  	[sflag:s0] =	ssyncadd.s32 @!p0 s1  }
0x9a: {  	[bflag:$0x3] =	sbarrier.arrive $0xFFFF  }
0x9b: {  	_ =	shalt  }

// kernel: kernel.8.cloned.1.call-start
scs
__scs_entry_jumppad:
0x0: {  	(pc) =	sbr.rel $0x88, $3  }
0x1: {  	(tag) =	ssettag $0x0;
	lr =	simm.s32 $0x1  }
0x2: {  	[smem:$0x3F94] =	sst lr;
	_ =	strace $0xD0000000  }
0x3: {  	_ = 	snop  }
0x4: {  	_ = 	snop  }
0x5: {  	_ = 	snop  }
0x6: {  	_ = 	snop  }
0x7: {  	_ = 	snop  }
__scs_overlays_trampoline_lowered:
0x8: {  	[smem:$0x3FA3] =	sst s0  }
0x9: {  	[smem:$0x3FA4] =	sst s1  }
0xa: {  	[smem:$0x3FA5] =	sst s2  }
0xb: {  	[smem:$0x3FA6] =	sst s3  }
0xc: {  	[smem:$0x3FA7] =	sst s4  }
0xd: {  	[smem:$0x3FA8] =	sst s5  }
0xe: {  	[smem:$0x3FA9] =	sst s6  }
0xf: {  	[smem:$0x3FAA] =	sst s7  }
0x10: {  	[smem:$0x3FAB] =	sst s8  }
0x11: {  	[smem:$0x3FAC] =	sst s9;
	s0 =	simm.s32 @!p0 $0x0  }
0x12: {  	s1 =	sld [smem:$0x3F92];
	s0 =	simm.s32 @p0 $0x1  }
0x13: {  	[smem:$0x3FAD] =	sst s0;
	s0 =	simm.s32 @!p1 $0x0  }
0x14: {  	s2 =	sld [smem:$0x3F91];
	s0 =	simm.s32 @p1 $0x1  }
0x15: {  	[smem:$0x3FAE] =	sst s0;
	s0 =	simm.s32 @!p2 $0x0  }
0x16: {  	s3 =	sld [smem:$0x3FDB];
	s0 =	simm.s32 @p2 $0x1  }
0x17: {  	s4 =	simm.s32 $0x1BF5;
	[smem:$0x3FB0] =	sst s0  }
0x18: {  	s0 =	sld [smem:$0x3F93];
	_ =	swait.ge [sflag:s4], $0x0  }
0x19: {  	s7 =	sld [smem:$0x3F94]  }
0x1a: {  	s8 =	sadd.s32 $0xFFFFE003, lr  }
0x1b: {  	s9 =	sadd.s32 $0xFFFFFEF7, lr;
	s5 =	simm.s32 $0xFFFFFFFF;
	p2 =	slt.u32 s8, $0xFFFFF086  }
0x1c: {  	p1 =	slt.u32 s9, $0xF7A;
	s5 =	simm.s32 @!p2 $0x0  }
0x1d: {  	s5 =	simm.s32 @p1 $0x1;
	p0 =	seq.s32 s7, s2  }
0x1e: {  	s7 =	smul.u32 @!p0 $0xF7A, s2;
	p2 =	seq.s32 @!p0 s5, $0x0  }
0x1f: {  	s9 =	smul.u32 $0xF7A, s1;
	s8 =	simm.s32 @!p0 $0x1BF5;
	p2 =	por !p2, p0  }
0x20: {  	[sflag:s8] =	ssyncset.s32 @!p0 $0xFFFFF086;
	s6 =	sadd.s32 @!p0 s3, s7;
	s7 =	simm.s32 @!p0 $0x108  }
0x21: {  	s3 =	sadd.s32 s3, s9;
	s6 =	sadd.s32 @!p0 $0x88, s6;
	s7 =	simm.s32 @p2 $0x1082  }
0x22: {  	[simem:s7], [sflag:s8] =	dma.local @!p0 [hbm:s6], $0xF7A  }
0x23: {  	s9 =	sor.u32 $0xD0000000, s2;
	s6 =	simm.s32 $0x108;
	_ =	swait.ge @!p0 [sflag:s8], $0x0  }
0x24: {  	s3 =	sadd.s32 $0x88, s3;
	s6 =	simm.s32 @!p1 $0x1082;
	[sflag:s4] =	ssyncset.s32 $0xFFFFF086  }
0x25: {  	[simem:s6], [sflag:s4] =	dma.local [hbm:s3], $0xF7A  }
0x26: {  	[smem:$0x3F94] =	sst s1;
	(tag) =	ssettag s2;
	_ =	strace s9  }
0x27: {  	s1 =	sld [smem:$0x3FA4]  }
0x28: {  	s2 =	sld [smem:$0x3FA5]  }
0x29: {  	s4 =	sld [smem:$0x3FA7]  }
0x2a: {  	p0 =	seq.s32 s5, $0x0;
	s5 =	sld [smem:$0x3FA8]  }
0x2b: {  	s6 =	sld [smem:$0x3FA9]  }
0x2c: {  	s7 =	sld [smem:$0x3FAA]  }
0x2d: {  	s3 =	simm.s32 $0x108;
	s8 =	sld [smem:$0x3FAB]  }
0x2e: {  	s3 =	simm.s32 @!p0 $0x1082;
	s9 =	sld [smem:$0x3FAC]  }
0x2f: {  	lr =	sadd.s32 s0, s3;
	s0 =	sld [smem:$0x3FA3]  }
0x30: {  	s3 =	sld [smem:$0x3FA6]  }
0x31: {  	[smem:$0x3FAF] =	sst s10  }
0x32: {  	s10 =	sld [smem:$0x3FAD];
	_ =	sdelay $0x3  }
0x33: {  	p0 =	seq.s32 s10, $0x1;
	s10 =	sld [smem:$0x3FAF];
	_ =	sdelay $0x3  }
0x34: {  	[smem:$0x3FAF] =	sst s10  }
0x35: {  	s10 =	sld [smem:$0x3FAE];
	_ =	sdelay $0x3  }
0x36: {  	p1 =	seq.s32 s10, $0x1;
	s10 =	sld [smem:$0x3FAF];
	_ =	sdelay $0x3  }
0x37: {  	[smem:$0x3FAF] =	sst s10  }
0x38: {  	s10 =	sld [smem:$0x3FB0]  }
0x39: {  	_ = 	snop;
	(pc) =	sbr.ind lr, $3  }
0x3a: {  	_ = 	snop  }
0x3b: {  	_ = 	snop  }
0x3c: {  	p2 =	seq.s32 s10, $0x1;
	s10 =	sld [smem:$0x3FAF]  }
0x3d: {  	_ =	shalt  }
0x3e: {  	_ =	shalt  }
0x3f: {  	_ =	shalt  }
0x40: {  	_ =	shalt  }
0x41: {  	_ =	shalt  }
0x42: {  	_ =	shalt  }
0x43: {  	_ =	shalt  }
0x44: {  	_ =	shalt  }
0x45: {  	_ =	shalt  }
0x46: {  	_ =	shalt  }
0x47: {  	_ =	shalt  }
0x48: {  	_ =	shalt  }
0x49: {  	_ =	shalt  }
0x4a: {  	_ =	shalt  }
0x4b: {  	_ =	shalt  }
0x4c: {  	_ =	shalt  }
0x4d: {  	_ =	shalt  }
0x4e: {  	_ =	shalt  }
0x4f: {  	_ =	shalt  }
0x50: {  	_ =	shalt  }
0x51: {  	_ =	shalt  }
0x52: {  	_ =	shalt  }
0x53: {  	_ =	shalt  }
0x54: {  	_ =	shalt  }
0x55: {  	_ =	shalt  }
0x56: {  	_ =	shalt  }
0x57: {  	_ =	shalt  }
0x58: {  	_ =	shalt  }
0x59: {  	_ =	shalt  }
0x5a: {  	_ =	shalt  }
0x5b: {  	_ =	shalt  }
0x5c: {  	_ =	shalt  }
0x5d: {  	_ =	shalt  }
0x5e: {  	_ =	shalt  }
0x5f: {  	_ =	shalt  }
0x60: {  	_ =	shalt  }
0x61: {  	_ =	shalt  }
0x62: {  	_ =	shalt  }
0x63: {  	_ =	shalt  }
0x64: {  	_ =	shalt  }
0x65: {  	_ =	shalt  }
0x66: {  	_ =	shalt  }
0x67: {  	_ =	shalt  }
0x68: {  	_ =	shalt  }
0x69: {  	_ =	shalt  }
0x6a: {  	_ =	shalt  }
0x6b: {  	_ =	shalt  }
0x6c: {  	_ =	shalt  }
0x6d: {  	_ =	shalt  }
0x6e: {  	_ =	shalt  }
0x6f: {  	_ =	shalt  }
0x70: {  	_ =	shalt  }
0x71: {  	_ =	shalt  }
0x72: {  	_ =	shalt  }
0x73: {  	_ =	shalt  }
0x74: {  	_ =	shalt  }
0x75: {  	_ =	shalt  }
0x76: {  	_ =	shalt  }
0x77: {  	_ =	shalt  }
0x78: {  	_ =	shalt  }
0x79: {  	_ =	shalt  }
0x7a: {  	_ =	shalt  }
0x7b: {  	_ =	shalt  }
0x7c: {  	_ =	shalt  }
0x7d: {  	_ =	shalt  }
0x7e: {  	_ =	shalt  }
0x7f: {  	_ =	shalt  }
0x80: {  	_ =	shalt  }
0x81: {  	_ =	shalt  }
0x82: {  	_ =	shalt  }
0x83: {  	_ =	shalt  }
0x84: {  	_ =	shalt  }
0x85: {  	_ =	shalt  }
0x86: {  	_ =	shalt  }
0x87: {  	_ =	shalt  }
.Lfunc_end0:
.L_simem_size_0:
called_computation_lowered:
.L_overlay_start_0:
0x88: {  	s2 =	sld [smem:$0x3FD9]  }
0x89: {  	s3 =	sld [smem:$0x3FFE];
	_ =	sdelay $0x1  }
0x8a: {  	s1 =	srdreg.scid  }
0x8b: {  	s0 =	sand.u32 $0x1, s1  }
0x8c: {  	s16 =	sshll.u32 s0, $0xA;
	s2 =	sadd.s32 s3, s2  }
0x8d: {  	s2 =	sadd.s32 s2, s16  }
0x8e: {  	[smem:$0x3FBB] =	sst s2  }
0x8f: {  	_ = 	snop  }
0x90: {  	(tm) =	ssettm $0x1  }
0x91: {  	s17 =	sld [smem:$0x3FFB];
	_ =	sdelay $0x3  }
0x92: {  	_ =	strace s17  }
0x93: {  	s2 =	sld [smem:$0x3FFC];
	_ =	sdelay $0x3  }
0x94: {  	_ =	strace s2  }
0x95: {  	s2 =	sld [smem:$0x3FFD];
	_ =	sdelay $0x3  }
0x96: {  	_ =	strace s2  }
0x97: {  	_ =	strace $0x8FFFFFFF  }
0x98: {  	s18 =	sld [smem:$0x3FDB];
	_ =	sdelay $0x1  }
0x99: {  	s19 =	simm.s32 $_scs_section_size  }
0x9a: {  	s4 =	simm.s32 $_size__tile_overlayer_lowered;
	s5 =	simm.s32 $_tile_overlayer_lowered  }
0x9b: {  	s22 =	simm.s32 $0x1BFF;
	s21 =	sshll.u32 s5, $0x1;
	s2 =	sadd.s32 s19, s18  }
0x9c: {  	s6 =	simm.s32 $0x0;
	s20 =	sshll.u32 s4, $0x1;
	s4 =	sadd.s32 s21, s2  }
0x9d: {  	[timem:s6], [sflag:s22] =	dma.local [hbm:s4], s20  }
0x9e: {  	_ =	swait.ge [sflag:s22], s20  }
0x9f: {  	s3 =	ssub.s32 $0x0, s20;
	[sflag:s22] =	ssyncset.done $0x0  }
0xa0: {  	[sflag:s22] =	ssyncadd.s32 s3;
	_ =	sdelay $0x1  }
0xa1: {  	s23 =	simm.s32 $0x1B8B  }
0xa2: {  	_ =	swait.ge [sflag:s23], $0x1  }
0xa3: {  	[sflag:s23] =	ssyncset.done $0x0  }
0xa4: {  	s25 =	simm.s32 $0x1B8E;
	s24 =	sld [smem:$0x3FFE];
	[sflag:s23] =	ssyncadd.s32 $0xFFFFFFFF  }
0xa5: {  	s26 =	simm.s32 $execute0_lowered;
	[smem:$0x3FD2] =	sst s25  }
0xa6: {  	s4 =	sshll.u32 s26, $0x1;
	_ =	strace $0x80000046;
	[dreg:$0x1] =	wrdreg $0xFFFFFFFF  }
0xa7: {  	s28 =	simm.s32 $_size_execute0_lowered;
	s2 =	sadd.s32 s2, s4;
	[dreg:$0x0] =	wrdreg $0x0  }
0xa8: {  	s4 =	sshll.u32 s28, $0x1;
	[dreg:$0x2] =	wrdreg s2  }
0xa9: {  	[dreg:$0x3] =	wrdreg s4  }
0xaa: {  	[dreg:$0x4] =	wrdreg $0xC0  }
0xab: {  	_ =	task [dreg:s6], $0x5FFFF  }
0xac: {  	[dreg:$0x1] =	wrdreg $0xFFFFFFFF  }
0xad: {  	[dreg:$0x0] =	wrdreg $0x60  }
0xae: {  	[dreg:$0x2] =	wrdreg s24  }
0xaf: {  	[dreg:$0x3] =	wrdreg $0x54800  }
0xb0: {  	[dreg:$0x4] =	wrdreg $0x9  }
0xb1: {  	_ =	task.clear_ibuf [dreg:s6], $0x5FFFF;
	_ =	strace $0x90000046  }
0xb2: {  	s29 =	simm.s32 $0x9;
	_ =	strace $0x80000048  }
0xb3: {  	_ =	swait.ge [sflag:s29], $0x1  }
0xb4: {  	[sflag:s29] =	ssyncadd.s32 $0xFFFFFFFF  }
0xb5: {  	_ =	strace $0x90000048  }
0xb6: {  	_ =	sfence  }
0xb7: {  	s30 =	sld [smem:$0x0];
	_ =	sdelay $0x2  }
0xb8: {  	s31 =	sshll.u32 s1, $0xD;
	s1 =	sshrl.u32 s1, $0x2  }
0xb9: {  	s3 =	sand.u32 $0x4000, s31;
	s1 =	sadd.s32 s1, s30  }
0xba: {  	s0 =	sor.u32 s3, s0;
	s1 =	sshll.u32 s1, $0x11  }
0xbb: {  	s0 =	sor.u32 s1, s0  }
0xbc: {  	s0 =	sadd.s32 $0x8F2B, s0  }
0xbd: {  	[sflag:s0] =	ssyncadd.remote.s32 $0x1  }
0xbe: {  	_ =	sfence.sel $0xFFFF  }
0xbf: {  	[dreg:$0x0] =	wrdreg $0xFFFFFFFF;
	(pc) =	sbr.abs _section_cstart, $3  }
0xc0: {  	[dreg:$0x1] =	wrdreg $0xFFFFFFFF  }
0xc1: {  	_ =	task.clear_ibuf [dreg:s6], $0x2FFFF;
	_ =	strace $0x9FFFFFFF  }
0xc2: {  	(tm) =	ssettm $0x7FFFFFFF  }
0xc3: {  	_ =	shalt  }
tec
execute0_lowered:
.L_overlay_start_1:
0x0: {  	(tag) =	ssettag $0x1  }
0x1: {  	s1 =	srdreg.scid;
	s3 =	rddreg [dreg:$0x0]  }
0x2: {  	s0 =	stileid.u32;
	s5 =	rddreg [dreg:$0x1];
	s2 =	simm.s32 $0x0  }
0x3: {  	s28 =	simm.s32 $0x5200;
	s29 =	simm.s32 $0x4F80;
	s30 =	simm.s32 $0x0  }
0x4: {  	s1 =	sand.u32 $0x1, s1;
	s4 =	smul.u32 $0x280, s0;
	[smem:$0x7FF] =	sst s2  }
0x5: {  	s7 =	sshrl.u32 s0, $0x3;
	s26 =	smul.u32 $0x5000, s0;
	s31 =	sshll.u32 s0, $0x7  }
0x6: {  	s6 =	smul.u32 $0x2800, s1;
	s23 =	sshll.u32 s1, $0x4;
	s1 =	ssub.s32 $0x2, s1  }
0x7: {  	_ =	strace $0x80000047;
	s7 =	smul.u32 $0x50000, s7;
	s24 =	sshrl.u32 s1, $0x1  }
0x8: {  	s4 =	sadd.s32 s4, s6;
	s6 =	sor.u32 s0, s23;
	s1 =	ssub.s32 s1, s24  }
0x9: {  	s7 =	sshrl.u32 s7, $0x2;
	s23 =	simm.s32 $0x1;
	s24 =	simm.s32 $0x2780  }
0xa: {  	s4 =	sshrl.u32 s4, $0x3;
	s6 =	smul.u32 $0x2710, s6;
	s7 =	sadd.s32 s7, s5  }
0xb: {  	s22 =	smax.u32 s1, $0x1;
	s21 =	sadd.s32 s4, s3;
	s4 =	sand.u32 $0x380, s31  }
0xc: {  	s25 =	sshrl.u32 s6, $0x3;
	s6 =	sshrl.u32 s26, $0x2;
	s4 =	sadd.s32 s4, s7  }
0xd: {  	s21 =	sadd.s32 $0x17400, s21;
	s26 =	simm.s32 $0x400;
	s3 =	sadd.s32 s3, s25  }
0xe: {  	s5 =	sadd.s32 s6, s5;
	s25 =	simm.s32 $0x80;
	s3 =	sadd.s32 $0xD640, s3  }
0xf: {  	s6 =	sadd.s32 $0x80, s5;
	s7 =	sadd.s32 $0x100, s5;
	s8 =	sadd.s32 $0x180, s5  }
0x10: {  	s9 =	sadd.s32 $0x200, s5;
	s10 =	sadd.s32 $0x280, s5;
	s11 =	sadd.s32 $0x300, s5  }
0x11: {  	s12 =	sadd.s32 $0x380, s5;
	s13 =	sadd.s32 $0x14000, s5;
	s14 =	sadd.s32 $0x14080, s5  }
0x12: {  	s15 =	sadd.s32 $0x14100, s5;
	s16 =	sadd.s32 $0x14180, s5;
	s17 =	sadd.s32 $0x14200, s5  }
0x13: {  	v0 =	vimm.f32 $0.0e+00;
	v1 =	vimm.f32 $1.000000000e+00;
	s18 =	sadd.s32 $0x14280, s5;
	s19 =	sadd.s32 $0x14300, s5;
	s20 =	sadd.s32 $0x14380, s5  }
.LBB2_1:
0x14: {  	[tilespmem:s2], [sflag:$0x1] =	stream.linear.gather [hbm4b:s3+s2], $0x2710, $0x38;
	[tilespmem:$0x7C80] =	vst v63  }
0x15: {  	_ =	swait.ge [sflag:s23], $0x2710  }
0x16: {  	[sflag:s23] =	ssyncset.done $0x0  }
0x17: {  	s1 =	simm.s32 $0x0;
	[sflag:s23] =	ssyncadd.s32 $0xFFFFD8F0  }
.LBB2_2:
0x18: {  	p0 =	sne.s32 s1, $0x9FC0  }
.Ltmp0:
0x19: {  	_ = 	snop;
	(pc) =	sbr.rel @p0 .LBB2_2-.Ltmp0, $3  }
0x1a: {  	_ =	sdelay $0x1  }
0x1b: {  	s31 =	sshra.s32 s1, $0x2  }
0x1c: {  	s1 =	sadd.s32 $0x40, s1;
	[tilespmem:s31+$0x2780] =	vst v0  }
0x1d: {  	s31 =	simm.s32 $0x0;
	s1 =	simm.s32 $0x40  }
.LBB2_4:
0x1e: {  	p0 =	sne.s32 s1, $0x9C00;
	v2 =	vld [tilespmem:s31+$0x0];
	_ =	sdelay $0x3  }
.Ltmp1:
0x1f: {  	(pc) =	sbr.rel @p0 .LBB2_4-.Ltmp1, $2  }
0x20: {  	_ =	sdelay $0x2  }
0x21: {  	s31 =	sshra.s32 s1, $0x2;
	s1 =	sadd.s32 $0x40, s1;
	[tilespmem:v2+s24+$0x0] =	vst.idx.add.f32.msk $0xffff, v1  }
0x22: {  	v2 =	vld [tilespmem:s31+$0x0];
	_ =	sdelay $0x7  }
0x23: {  	[tilespmem:v2+s24+$0x0] =	vst.idx.add.f32.msk $0xffff, v1  }
0x24: {  	[spmem:s4] =	stream.strided.scatter [tilespmem:s24], [sflag:$0x1], $0x2800, s26, s25, $0x38;
	[tilespmem:$0x7C80] =	vst v63  }
0x25: {  	_ =	swait.ge [sflag:s23], $0x2800  }
0x26: {  	[sflag:s23] =	ssyncset.done $0x0  }
0x27: {  	[sflag:s23] =	ssyncadd.s32 $0xFFFFD800  }
0x28: {  	[bflag:$0x0] =	sbarrier.arrive $0xFFFF  }
0x29: {  	[tilespmem:$0x4F80] =	vst v0  }
0x2a: {  	[tilespmem:$0x4F90] =	vst v0  }
0x2b: {  	[tilespmem:$0x4FA0] =	vst v0  }
0x2c: {  	[tilespmem:$0x4FB0] =	vst v0  }
0x2d: {  	[tilespmem:$0x4FC0] =	vst v0  }
0x2e: {  	[tilespmem:$0x4FD0] =	vst v0  }
0x2f: {  	[tilespmem:$0x4FE0] =	vst v0  }
0x30: {  	[tilespmem:$0x4FF0] =	vst v0  }
0x31: {  	[tilespmem:$0x5000] =	vst v0  }
0x32: {  	[tilespmem:$0x5010] =	vst v0  }
0x33: {  	[tilespmem:$0x5020] =	vst v0  }
0x34: {  	[tilespmem:$0x5030] =	vst v0  }
0x35: {  	[tilespmem:$0x5040] =	vst v0  }
0x36: {  	[tilespmem:$0x5050] =	vst v0  }
0x37: {  	[tilespmem:$0x5060] =	vst v0  }
0x38: {  	[tilespmem:$0x5070] =	vst v0  }
0x39: {  	[tilespmem:$0x5080] =	vst v0  }
0x3a: {  	[tilespmem:$0x5090] =	vst v0  }
0x3b: {  	[tilespmem:$0x50A0] =	vst v0  }
0x3c: {  	[tilespmem:$0x50B0] =	vst v0  }
0x3d: {  	[tilespmem:$0x50C0] =	vst v0  }
0x3e: {  	[tilespmem:$0x50D0] =	vst v0  }
0x3f: {  	[tilespmem:$0x50E0] =	vst v0  }
0x40: {  	[tilespmem:$0x50F0] =	vst v0  }
0x41: {  	[tilespmem:$0x5100] =	vst v0  }
0x42: {  	[tilespmem:$0x5110] =	vst v0  }
0x43: {  	[tilespmem:$0x5120] =	vst v0  }
0x44: {  	[tilespmem:$0x5130] =	vst v0  }
0x45: {  	[tilespmem:$0x5140] =	vst v0  }
0x46: {  	[tilespmem:$0x5150] =	vst v0  }
0x47: {  	[tilespmem:$0x5160] =	vst v0  }
0x48: {  	[tilespmem:$0x5170] =	vst v0  }
0x49: {  	[tilespmem:$0x5180] =	vst v0  }
0x4a: {  	[tilespmem:$0x5190] =	vst v0  }
0x4b: {  	[tilespmem:$0x51A0] =	vst v0  }
0x4c: {  	[tilespmem:$0x51B0] =	vst v0  }
0x4d: {  	[tilespmem:$0x51C0] =	vst v0  }
0x4e: {  	[tilespmem:$0x51D0] =	vst v0  }
0x4f: {  	[tilespmem:$0x51E0] =	vst v0  }
0x50: {  	[tilespmem:$0x51F0] =	vst v0  }
0x51: {  	[tilespmem:s28], [sflag:$0x1] =	stream.strided.gather [spmem:s5], $0x280, s26, s25, $0x38;
	[tilespmem:$0x7C80] =	vst v63  }
0x52: {  	_ =	swait.ge [sflag:s23], $0x280  }
0x53: {  	[sflag:s23] =	ssyncset.done $0x0  }
0x54: {  	s31 =	simm.s32 $0x0;
	[sflag:s23] =	ssyncadd.s32 $0xFFFFFD80  }
0x55: {  	s1 =	simm.s32 $0x40;
	v2 =	vld [tilespmem:s31+$0x5200]  }
.LBB2_6:
0x56: {  	p0 =	sne.s32 s1, $0x9C0;
	v3 =	vld [tilespmem:s31+$0x4F80];
	_ =	sdelay $0x2  }
.Ltmp2:
0x57: {  	(pc) =	sbr.rel @p0 .LBB2_6-.Ltmp2, $4  }
0x58: {  	_ = 	snop  }
0x59: {  	v3 =	vadd.f32 v2, v3  }
0x5a: {  	s0 =	sshra.s32 s1, $0x2  }
0x5b: {  	s1 =	sadd.s32 $0x40, s1;
	v2 =	vld [tilespmem:s0+$0x5200];
	[tilespmem:s31+$0x4F80] =	vst v3;
	s31 =	smov.u32 s0  }
0x5c: {  	v3 =	vld [tilespmem:s31+$0x4F80];
	_ =	sdelay $0x4  }
0x5d: {  	v2 =	vadd.f32 v2, v3;
	_ =	sdelay $0x1  }
0x5e: {  	[tilespmem:s31+$0x4F80] =	vst v2  }
0x5f: {  	[tilespmem:s28], [sflag:$0x1] =	stream.strided.gather [spmem:s6], $0x280, s26, s25, $0x38;
	[tilespmem:$0x7C80] =	vst v63  }
0x60: {  	_ =	swait.ge [sflag:s23], $0x280  }
0x61: {  	[sflag:s23] =	ssyncset.done $0x0  }
0x62: {  	s31 =	simm.s32 $0x0;
	[sflag:s23] =	ssyncadd.s32 $0xFFFFFD80  }
0x63: {  	s1 =	simm.s32 $0x40;
	v2 =	vld [tilespmem:s31+$0x5200]  }
.LBB2_8:
0x64: {  	p0 =	sne.s32 s1, $0x9C0;
	v3 =	vld [tilespmem:s31+$0x4F80];
	_ =	sdelay $0x2  }
.Ltmp3:
0x65: {  	(pc) =	sbr.rel @p0 .LBB2_8-.Ltmp3, $4  }
0x66: {  	_ = 	snop  }
0x67: {  	v3 =	vadd.f32 v2, v3  }
0x68: {  	s0 =	sshra.s32 s1, $0x2  }
0x69: {  	s1 =	sadd.s32 $0x40, s1;
	v2 =	vld [tilespmem:s0+$0x5200];
	[tilespmem:s31+$0x4F80] =	vst v3;
	s31 =	smov.u32 s0  }
0x6a: {  	v3 =	vld [tilespmem:s31+$0x4F80];
	_ =	sdelay $0x4  }
0x6b: {  	v2 =	vadd.f32 v2, v3;
	_ =	sdelay $0x1  }
0x6c: {  	[tilespmem:s31+$0x4F80] =	vst v2  }
0x6d: {  	[tilespmem:s28], [sflag:$0x1] =	stream.strided.gather [spmem:s7], $0x280, s26, s25, $0x38;
	[tilespmem:$0x7C80] =	vst v63  }
0x6e: {  	_ =	swait.ge [sflag:s23], $0x280  }
0x6f: {  	[sflag:s23] =	ssyncset.done $0x0  }
0x70: {  	s31 =	simm.s32 $0x0;
	[sflag:s23] =	ssyncadd.s32 $0xFFFFFD80  }
0x71: {  	s1 =	simm.s32 $0x40;
	v2 =	vld [tilespmem:s31+$0x5200]  }
.LBB2_10:
0x72: {  	p0 =	sne.s32 s1, $0x9C0;
	v3 =	vld [tilespmem:s31+$0x4F80];
	_ =	sdelay $0x2  }
.Ltmp4:
0x73: {  	(pc) =	sbr.rel @p0 .LBB2_10-.Ltmp4, $4  }
0x74: {  	_ = 	snop  }
0x75: {  	v3 =	vadd.f32 v2, v3  }
0x76: {  	s0 =	sshra.s32 s1, $0x2  }
0x77: {  	s1 =	sadd.s32 $0x40, s1;
	v2 =	vld [tilespmem:s0+$0x5200];
	[tilespmem:s31+$0x4F80] =	vst v3;
	s31 =	smov.u32 s0  }
0x78: {  	v3 =	vld [tilespmem:s31+$0x4F80];
	_ =	sdelay $0x4  }
0x79: {  	v2 =	vadd.f32 v2, v3;
	_ =	sdelay $0x1  }
0x7a: {  	[tilespmem:s31+$0x4F80] =	vst v2  }
0x7b: {  	[tilespmem:s28], [sflag:$0x1] =	stream.strided.gather [spmem:s8], $0x280, s26, s25, $0x38;
	[tilespmem:$0x7C80] =	vst v63  }
0x7c: {  	_ =	swait.ge [sflag:s23], $0x280  }
0x7d: {  	[sflag:s23] =	ssyncset.done $0x0  }
0x7e: {  	s31 =	simm.s32 $0x0;
	[sflag:s23] =	ssyncadd.s32 $0xFFFFFD80  }
0x7f: {  	s1 =	simm.s32 $0x40;
	v2 =	vld [tilespmem:s31+$0x5200]  }
.LBB2_12:
0x80: {  	p0 =	sne.s32 s1, $0x9C0;
	v3 =	vld [tilespmem:s31+$0x4F80];
	_ =	sdelay $0x2  }
.Ltmp5:
0x81: {  	(pc) =	sbr.rel @p0 .LBB2_12-.Ltmp5, $4  }
0x82: {  	_ = 	snop  }
0x83: {  	v3 =	vadd.f32 v2, v3  }
0x84: {  	s0 =	sshra.s32 s1, $0x2  }
0x85: {  	s1 =	sadd.s32 $0x40, s1;
	v2 =	vld [tilespmem:s0+$0x5200];
	[tilespmem:s31+$0x4F80] =	vst v3;
	s31 =	smov.u32 s0  }
0x86: {  	v3 =	vld [tilespmem:s31+$0x4F80];
	_ =	sdelay $0x4  }
0x87: {  	v2 =	vadd.f32 v2, v3;
	_ =	sdelay $0x1  }
0x88: {  	[tilespmem:s31+$0x4F80] =	vst v2  }
0x89: {  	[tilespmem:s28], [sflag:$0x1] =	stream.strided.gather [spmem:s9], $0x280, s26, s25, $0x38;
	[tilespmem:$0x7C80] =	vst v63  }
0x8a: {  	_ =	swait.ge [sflag:s23], $0x280  }
0x8b: {  	[sflag:s23] =	ssyncset.done $0x0  }
0x8c: {  	s31 =	simm.s32 $0x0;
	[sflag:s23] =	ssyncadd.s32 $0xFFFFFD80  }
0x8d: {  	s1 =	simm.s32 $0x40;
	v2 =	vld [tilespmem:s31+$0x5200]  }
.LBB2_14:
0x8e: {  	p0 =	sne.s32 s1, $0x9C0;
	v3 =	vld [tilespmem:s31+$0x4F80];
	_ =	sdelay $0x2  }
.Ltmp6:
0x8f: {  	(pc) =	sbr.rel @p0 .LBB2_14-.Ltmp6, $4  }
0x90: {  	_ = 	snop  }
0x91: {  	v3 =	vadd.f32 v2, v3  }
0x92: {  	s0 =	sshra.s32 s1, $0x2  }
0x93: {  	s1 =	sadd.s32 $0x40, s1;
	v2 =	vld [tilespmem:s0+$0x5200];
	[tilespmem:s31+$0x4F80] =	vst v3;
	s31 =	smov.u32 s0  }
0x94: {  	v3 =	vld [tilespmem:s31+$0x4F80];
	_ =	sdelay $0x4  }
0x95: {  	v2 =	vadd.f32 v2, v3;
	_ =	sdelay $0x1  }
0x96: {  	[tilespmem:s31+$0x4F80] =	vst v2  }
0x97: {  	[tilespmem:s28], [sflag:$0x1] =	stream.strided.gather [spmem:s10], $0x280, s26, s25, $0x38;
	[tilespmem:$0x7C80] =	vst v63  }
0x98: {  	_ =	swait.ge [sflag:s23], $0x280  }
0x99: {  	[sflag:s23] =	ssyncset.done $0x0  }
0x9a: {  	s31 =	simm.s32 $0x0;
	[sflag:s23] =	ssyncadd.s32 $0xFFFFFD80  }
0x9b: {  	s1 =	simm.s32 $0x40;
	v2 =	vld [tilespmem:s31+$0x5200]  }
.LBB2_16:
0x9c: {  	p0 =	sne.s32 s1, $0x9C0;
	v3 =	vld [tilespmem:s31+$0x4F80];
	_ =	sdelay $0x2  }
.Ltmp7:
0x9d: {  	(pc) =	sbr.rel @p0 .LBB2_16-.Ltmp7, $4  }
0x9e: {  	_ = 	snop  }
0x9f: {  	v3 =	vadd.f32 v2, v3  }
0xa0: {  	s0 =	sshra.s32 s1, $0x2  }
0xa1: {  	s1 =	sadd.s32 $0x40, s1;
	v2 =	vld [tilespmem:s0+$0x5200];
	[tilespmem:s31+$0x4F80] =	vst v3;
	s31 =	smov.u32 s0  }
0xa2: {  	v3 =	vld [tilespmem:s31+$0x4F80];
	_ =	sdelay $0x4  }
0xa3: {  	v2 =	vadd.f32 v2, v3;
	_ =	sdelay $0x1  }
0xa4: {  	[tilespmem:s31+$0x4F80] =	vst v2  }
0xa5: {  	[tilespmem:s28], [sflag:$0x1] =	stream.strided.gather [spmem:s11], $0x280, s26, s25, $0x38;
	[tilespmem:$0x7C80] =	vst v63  }
0xa6: {  	_ =	swait.ge [sflag:s23], $0x280  }
0xa7: {  	[sflag:s23] =	ssyncset.done $0x0  }
0xa8: {  	s31 =	simm.s32 $0x0;
	[sflag:s23] =	ssyncadd.s32 $0xFFFFFD80  }
0xa9: {  	s1 =	simm.s32 $0x40;
	v2 =	vld [tilespmem:s31+$0x5200]  }
.LBB2_18:
0xaa: {  	p0 =	sne.s32 s1, $0x9C0;
	v3 =	vld [tilespmem:s31+$0x4F80];
	_ =	sdelay $0x2  }
.Ltmp8:
0xab: {  	(pc) =	sbr.rel @p0 .LBB2_18-.Ltmp8, $4  }
0xac: {  	_ = 	snop  }
0xad: {  	v3 =	vadd.f32 v2, v3  }
0xae: {  	s0 =	sshra.s32 s1, $0x2  }
0xaf: {  	s1 =	sadd.s32 $0x40, s1;
	v2 =	vld [tilespmem:s0+$0x5200];
	[tilespmem:s31+$0x4F80] =	vst v3;
	s31 =	smov.u32 s0  }
0xb0: {  	v3 =	vld [tilespmem:s31+$0x4F80];
	_ =	sdelay $0x4  }
0xb1: {  	v2 =	vadd.f32 v2, v3;
	_ =	sdelay $0x1  }
0xb2: {  	[tilespmem:s31+$0x4F80] =	vst v2  }
0xb3: {  	[tilespmem:s28], [sflag:$0x1] =	stream.strided.gather [spmem:s12], $0x280, s26, s25, $0x38;
	[tilespmem:$0x7C80] =	vst v63  }
0xb4: {  	_ =	swait.ge [sflag:s23], $0x280  }
0xb5: {  	[sflag:s23] =	ssyncset.done $0x0  }
0xb6: {  	s31 =	simm.s32 $0x0;
	[sflag:s23] =	ssyncadd.s32 $0xFFFFFD80  }
0xb7: {  	s1 =	simm.s32 $0x40;
	v2 =	vld [tilespmem:s31+$0x5200]  }
.LBB2_20:
0xb8: {  	p0 =	sne.s32 s1, $0x9C0;
	v3 =	vld [tilespmem:s31+$0x4F80];
	_ =	sdelay $0x2  }
.Ltmp9:
0xb9: {  	(pc) =	sbr.rel @p0 .LBB2_20-.Ltmp9, $4  }
0xba: {  	_ = 	snop  }
0xbb: {  	v3 =	vadd.f32 v2, v3  }
0xbc: {  	s0 =	sshra.s32 s1, $0x2  }
0xbd: {  	s1 =	sadd.s32 $0x40, s1;
	v2 =	vld [tilespmem:s0+$0x5200];
	[tilespmem:s31+$0x4F80] =	vst v3;
	s31 =	smov.u32 s0  }
0xbe: {  	v3 =	vld [tilespmem:s31+$0x4F80];
	_ =	sdelay $0x4  }
0xbf: {  	v2 =	vadd.f32 v2, v3;
	_ =	sdelay $0x1  }
0xc0: {  	[tilespmem:s31+$0x4F80] =	vst v2  }
0xc1: {  	[tilespmem:s28], [sflag:$0x1] =	stream.strided.gather [spmem:s13], $0x280, s26, s25, $0x38;
	[tilespmem:$0x7C80] =	vst v63  }
0xc2: {  	_ =	swait.ge [sflag:s23], $0x280  }
0xc3: {  	[sflag:s23] =	ssyncset.done $0x0  }
0xc4: {  	s31 =	simm.s32 $0x0;
	[sflag:s23] =	ssyncadd.s32 $0xFFFFFD80  }
0xc5: {  	s1 =	simm.s32 $0x40;
	v2 =	vld [tilespmem:s31+$0x5200]  }
.LBB2_22:
0xc6: {  	p0 =	sne.s32 s1, $0x9C0;
	v3 =	vld [tilespmem:s31+$0x4F80];
	_ =	sdelay $0x2  }
.Ltmp10:
0xc7: {  	(pc) =	sbr.rel @p0 .LBB2_22-.Ltmp10, $4  }
0xc8: {  	_ = 	snop  }
0xc9: {  	v3 =	vadd.f32 v2, v3  }
0xca: {  	s0 =	sshra.s32 s1, $0x2  }
0xcb: {  	s1 =	sadd.s32 $0x40, s1;
	v2 =	vld [tilespmem:s0+$0x5200];
	[tilespmem:s31+$0x4F80] =	vst v3;
	s31 =	smov.u32 s0  }
0xcc: {  	v3 =	vld [tilespmem:s31+$0x4F80];
	_ =	sdelay $0x4  }
0xcd: {  	v2 =	vadd.f32 v2, v3;
	_ =	sdelay $0x1  }
0xce: {  	[tilespmem:s31+$0x4F80] =	vst v2  }
0xcf: {  	[tilespmem:s28], [sflag:$0x1] =	stream.strided.gather [spmem:s14], $0x280, s26, s25, $0x38;
	[tilespmem:$0x7C80] =	vst v63  }
0xd0: {  	_ =	swait.ge [sflag:s23], $0x280  }
0xd1: {  	[sflag:s23] =	ssyncset.done $0x0  }
0xd2: {  	s31 =	simm.s32 $0x0;
	[sflag:s23] =	ssyncadd.s32 $0xFFFFFD80  }
0xd3: {  	s1 =	simm.s32 $0x40;
	v2 =	vld [tilespmem:s31+$0x5200]  }
.LBB2_24:
0xd4: {  	p0 =	sne.s32 s1, $0x9C0;
	v3 =	vld [tilespmem:s31+$0x4F80];
	_ =	sdelay $0x2  }
.Ltmp11:
0xd5: {  	(pc) =	sbr.rel @p0 .LBB2_24-.Ltmp11, $4  }
0xd6: {  	_ = 	snop  }
0xd7: {  	v3 =	vadd.f32 v2, v3  }
0xd8: {  	s0 =	sshra.s32 s1, $0x2  }
0xd9: {  	s1 =	sadd.s32 $0x40, s1;
	v2 =	vld [tilespmem:s0+$0x5200];
	[tilespmem:s31+$0x4F80] =	vst v3;
	s31 =	smov.u32 s0  }
0xda: {  	v3 =	vld [tilespmem:s31+$0x4F80];
	_ =	sdelay $0x4  }
0xdb: {  	v2 =	vadd.f32 v2, v3;
	_ =	sdelay $0x1  }
0xdc: {  	[tilespmem:s31+$0x4F80] =	vst v2  }
0xdd: {  	[tilespmem:s28], [sflag:$0x1] =	stream.strided.gather [spmem:s15], $0x280, s26, s25, $0x38;
	[tilespmem:$0x7C80] =	vst v63  }
0xde: {  	_ =	swait.ge [sflag:s23], $0x280  }
0xdf: {  	[sflag:s23] =	ssyncset.done $0x0  }
0xe0: {  	s31 =	simm.s32 $0x0;
	[sflag:s23] =	ssyncadd.s32 $0xFFFFFD80  }
0xe1: {  	s1 =	simm.s32 $0x40;
	v2 =	vld [tilespmem:s31+$0x5200]  }
.LBB2_26:
0xe2: {  	p0 =	sne.s32 s1, $0x9C0;
	v3 =	vld [tilespmem:s31+$0x4F80];
	_ =	sdelay $0x2  }
.Ltmp12:
0xe3: {  	(pc) =	sbr.rel @p0 .LBB2_26-.Ltmp12, $4  }
0xe4: {  	_ = 	snop  }
0xe5: {  	v3 =	vadd.f32 v2, v3  }
0xe6: {  	s0 =	sshra.s32 s1, $0x2  }
0xe7: {  	s1 =	sadd.s32 $0x40, s1;
	v2 =	vld [tilespmem:s0+$0x5200];
	[tilespmem:s31+$0x4F80] =	vst v3;
	s31 =	smov.u32 s0  }
0xe8: {  	v3 =	vld [tilespmem:s31+$0x4F80];
	_ =	sdelay $0x4  }
0xe9: {  	v2 =	vadd.f32 v2, v3;
	_ =	sdelay $0x1  }
0xea: {  	[tilespmem:s31+$0x4F80] =	vst v2  }
0xeb: {  	[tilespmem:s28], [sflag:$0x1] =	stream.strided.gather [spmem:s16], $0x280, s26, s25, $0x38;
	[tilespmem:$0x7C80] =	vst v63  }
0xec: {  	_ =	swait.ge [sflag:s23], $0x280  }
0xed: {  	[sflag:s23] =	ssyncset.done $0x0  }
0xee: {  	s31 =	simm.s32 $0x0;
	[sflag:s23] =	ssyncadd.s32 $0xFFFFFD80  }
0xef: {  	s1 =	simm.s32 $0x40;
	v2 =	vld [tilespmem:s31+$0x5200]  }
.LBB2_28:
0xf0: {  	p0 =	sne.s32 s1, $0x9C0;
	v3 =	vld [tilespmem:s31+$0x4F80];
	_ =	sdelay $0x2  }
.Ltmp13:
0xf1: {  	(pc) =	sbr.rel @p0 .LBB2_28-.Ltmp13, $4  }
0xf2: {  	_ = 	snop  }
0xf3: {  	v3 =	vadd.f32 v2, v3  }
0xf4: {  	s0 =	sshra.s32 s1, $0x2  }
0xf5: {  	s1 =	sadd.s32 $0x40, s1;
	v2 =	vld [tilespmem:s0+$0x5200];
	[tilespmem:s31+$0x4F80] =	vst v3;
	s31 =	smov.u32 s0  }
0xf6: {  	v3 =	vld [tilespmem:s31+$0x4F80];
	_ =	sdelay $0x4  }
0xf7: {  	v2 =	vadd.f32 v2, v3;
	_ =	sdelay $0x1  }
0xf8: {  	[tilespmem:s31+$0x4F80] =	vst v2  }
0xf9: {  	[tilespmem:s28], [sflag:$0x1] =	stream.strided.gather [spmem:s17], $0x280, s26, s25, $0x38;
	[tilespmem:$0x7C80] =	vst v63  }
0xfa: {  	_ =	swait.ge [sflag:s23], $0x280  }
0xfb: {  	[sflag:s23] =	ssyncset.done $0x0  }
0xfc: {  	s31 =	simm.s32 $0x0;
	[sflag:s23] =	ssyncadd.s32 $0xFFFFFD80  }
0xfd: {  	s1 =	simm.s32 $0x40;
	v2 =	vld [tilespmem:s31+$0x5200]  }
.LBB2_30:
0xfe: {  	p0 =	sne.s32 s1, $0x9C0;
	v3 =	vld [tilespmem:s31+$0x4F80];
	_ =	sdelay $0x2  }
.Ltmp14:
0xff: {  	(pc) =	sbr.rel @p0 .LBB2_30-.Ltmp14, $4  }
0x100: {  	_ = 	snop  }
0x101: {  	v3 =	vadd.f32 v2, v3  }
0x102: {  	s0 =	sshra.s32 s1, $0x2  }
0x103: {  	s1 =	sadd.s32 $0x40, s1;
	v2 =	vld [tilespmem:s0+$0x5200];
	[tilespmem:s31+$0x4F80] =	vst v3;
	s31 =	smov.u32 s0  }
0x104: {  	v3 =	vld [tilespmem:s31+$0x4F80];
	_ =	sdelay $0x4  }
0x105: {  	v2 =	vadd.f32 v2, v3;
	_ =	sdelay $0x1  }
0x106: {  	[tilespmem:s31+$0x4F80] =	vst v2  }
0x107: {  	[tilespmem:s28], [sflag:$0x1] =	stream.strided.gather [spmem:s18], $0x280, s26, s25, $0x38;
	[tilespmem:$0x7C80] =	vst v63  }
0x108: {  	_ =	swait.ge [sflag:s23], $0x280  }
0x109: {  	[sflag:s23] =	ssyncset.done $0x0  }
0x10a: {  	s31 =	simm.s32 $0x0;
	[sflag:s23] =	ssyncadd.s32 $0xFFFFFD80  }
0x10b: {  	s1 =	simm.s32 $0x40;
	v2 =	vld [tilespmem:s31+$0x5200]  }
.LBB2_32:
0x10c: {  	p0 =	sne.s32 s1, $0x9C0;
	v3 =	vld [tilespmem:s31+$0x4F80];
	_ =	sdelay $0x2  }
.Ltmp15:
0x10d: {  	(pc) =	sbr.rel @p0 .LBB2_32-.Ltmp15, $4  }
0x10e: {  	_ = 	snop  }
0x10f: {  	v3 =	vadd.f32 v2, v3  }
0x110: {  	s0 =	sshra.s32 s1, $0x2  }
0x111: {  	s1 =	sadd.s32 $0x40, s1;
	v2 =	vld [tilespmem:s0+$0x5200];
	[tilespmem:s31+$0x4F80] =	vst v3;
	s31 =	smov.u32 s0  }
0x112: {  	v3 =	vld [tilespmem:s31+$0x4F80];
	_ =	sdelay $0x4  }
0x113: {  	v2 =	vadd.f32 v2, v3;
	_ =	sdelay $0x1  }
0x114: {  	[tilespmem:s31+$0x4F80] =	vst v2  }
0x115: {  	[tilespmem:s28], [sflag:$0x1] =	stream.strided.gather [spmem:s19], $0x280, s26, s25, $0x38;
	[tilespmem:$0x7C80] =	vst v63  }
0x116: {  	_ =	swait.ge [sflag:s23], $0x280  }
0x117: {  	[sflag:s23] =	ssyncset.done $0x0  }
0x118: {  	s31 =	simm.s32 $0x0;
	[sflag:s23] =	ssyncadd.s32 $0xFFFFFD80  }
0x119: {  	s1 =	simm.s32 $0x40;
	v2 =	vld [tilespmem:s31+$0x5200]  }
.LBB2_34:
0x11a: {  	p0 =	sne.s32 s1, $0x9C0;
	v3 =	vld [tilespmem:s31+$0x4F80];
	_ =	sdelay $0x2  }
.Ltmp16:
0x11b: {  	(pc) =	sbr.rel @p0 .LBB2_34-.Ltmp16, $4  }
0x11c: {  	_ = 	snop  }
0x11d: {  	v3 =	vadd.f32 v2, v3  }
0x11e: {  	s0 =	sshra.s32 s1, $0x2  }
0x11f: {  	s1 =	sadd.s32 $0x40, s1;
	v2 =	vld [tilespmem:s0+$0x5200];
	[tilespmem:s31+$0x4F80] =	vst v3;
	s31 =	smov.u32 s0  }
0x120: {  	v3 =	vld [tilespmem:s31+$0x4F80];
	_ =	sdelay $0x4  }
0x121: {  	v2 =	vadd.f32 v2, v3;
	_ =	sdelay $0x1  }
0x122: {  	[tilespmem:s31+$0x4F80] =	vst v2  }
0x123: {  	[tilespmem:s28], [sflag:$0x1] =	stream.strided.gather [spmem:s20], $0x280, s26, s25, $0x38;
	[tilespmem:$0x7C80] =	vst v63  }
0x124: {  	_ =	swait.ge [sflag:s23], $0x280  }
0x125: {  	[sflag:s23] =	ssyncset.done $0x0  }
0x126: {  	s31 =	simm.s32 $0x0;
	[sflag:s23] =	ssyncadd.s32 $0xFFFFFD80  }
0x127: {  	s1 =	simm.s32 $0x40;
	v2 =	vld [tilespmem:s31+$0x5200]  }
.LBB2_36:
0x128: {  	p0 =	sne.s32 s1, $0x9C0;
	v3 =	vld [tilespmem:s31+$0x4F80];
	_ =	sdelay $0x2  }
.Ltmp17:
0x129: {  	(pc) =	sbr.rel @p0 .LBB2_36-.Ltmp17, $4  }
0x12a: {  	_ = 	snop  }
0x12b: {  	v3 =	vadd.f32 v2, v3  }
0x12c: {  	s0 =	sshra.s32 s1, $0x2  }
0x12d: {  	s1 =	sadd.s32 $0x40, s1;
	v2 =	vld [tilespmem:s0+$0x5200];
	[tilespmem:s31+$0x4F80] =	vst v3;
	s31 =	smov.u32 s0  }
0x12e: {  	v3 =	vld [tilespmem:s31+$0x4F80];
	_ =	sdelay $0x4  }
0x12f: {  	s30 =	sadd.s32 $0x1, s30;
	v2 =	vadd.f32 v2, v3  }
0x130: {  	p0 =	sne.s32 s30, s22  }
.Ltmp18:
0x131: {  	[tilespmem:s31+$0x4F80] =	vst v2;
	(pc) =	sbr.rel @p0 .LBB2_1-.Ltmp18, $4  }
0x132: {  	[hbm4b:s21+s2] =	stream.linear.scatter [tilespmem:s29], [sflag:$0x1], $0x280, $0x38;
	[tilespmem:$0x7C80] =	vst v63  }
0x133: {  	_ =	swait.ge [sflag:s23], $0x280  }
0x134: {  	[sflag:s23] =	ssyncset.done $0x0  }
0x135: {  	[sflag:s23] =	ssyncadd.s32 $0xFFFFFD80  }
0x136: {  	_ =	sfence.sel $0x180000  }
0x137: {  	[bflag:$0x0] =	sbarrier.arrive $0xFFFF  }
0x138: {  	_ =	strace $0x90000047  }
0x139: {  	s0 =	stileid.u32;
	[bflag:$0x2] =	sbarrier.arrive $0xFFFF  }
0x13a: {  	p0 =	sne.s32 s0, $0x0;
	s0 =	rddreg [dreg:$0x2]  }
0x13b: {  	s0 =	sadd.s32 @!p0 $0x100000, s0  }
0x13c: {  	[sflag:s0] =	ssyncadd.tile.s32 @!p0 $0x1;
	_ =	shalt  }
.Lfunc_end2:
_tile_overlayer_lowered:
.L_overlay_start_2:
0x13d: {  	(tag) =	ssettag $0x2  }
0x13e: {  	s0 =	rddreg [dreg:$0x0];
	s2 =	stileid.u32  }
0x13f: {  	s1 =	rddreg [dreg:$0x1];
	p0 =	sne.s32 s2, $0x0  }
0x140: {  	s3 =	rddreg [dreg:$0x2];
	[bflag:$0x3] =	sbarrier.arrive $0xFFFF;
	s2 =	simm.s32 @!p0 $0x1C01  }
0x141: {  	[timem:s3], [sflag:s2] =	dma.local @!p0 [hbm:s0], s1  }
0x142: {  	s0 =	simm.s32 @!p0 $0x1  }
0x143: {  	_ =	swait.ge @!p0 [sflag:s0], s1  }
0x144: {  	s1 =	ssub.s32 @!p0 $0x0, s1;
	[sflag:s0] =	ssyncset.done @!p0 $0x0  }
0x145: {  	[sflag:s0] =	ssyncadd.s32 @!p0 s1  }
0x146: {  	[bflag:$0x3] =	sbarrier.arrive $0xFFFF  }
0x147: {  	_ =	shalt  }

</sc_bundles>
